<compile_context>
chip_gen: v7x
topology: tpu7x:2x2x1
jax: 0.10.2.dev20260603
libtpu: 0.0.44.dev20260713+nightly
codegen_flags: <defaults>
</compile_context>

<pallas_src>
import jax
import jax.numpy as jnp
from jax import lax
from jax.experimental import pallas as pl
from jax.experimental.pallas import tpu as pltpu
from jax.experimental.pallas import tpu_sc as plsc

N = 10000
NP = 10240
E = 640000
NW = 32
C = 256
K = 80
EPW = K * C
EPAD = NW * EPW
RPT = NP // 16
BR = 1280


def _mesh():
    return plsc.VectorSubcoreMesh(core_axis_name="c", subcore_axis_name="s")



def _deg_call(dsts, iden):
    def body(dsts_hbm, iden_hbm, part_hbm, dst_v, deg1_v, deg2_v, iden_v, shared):
        cid = lax.axis_index("c")
        sid = lax.axis_index("s")
        wid = sid * 2 + cid
        pltpu.sync_copy(dsts_hbm.at[wid], dst_v)
        pltpu.sync_copy(iden_hbm, iden_v)

        zero = jnp.zeros((16,), jnp.float32)

        def zbody(i, carry):
            deg1_v[pl.ds(i * 16, 16)] = zero
            return carry

        lax.fori_loop(0, NP // 16, zbody, 0)

        def z2body(t, carry):
            for s in range(8):
                deg2_v[t, pl.ds(s * 16, 16)] = zero
            return carry

        lax.fori_loop(0, 80, z2body, 0)

        @pl.when(sid == 0)
        def _():
            pltpu.sync_copy(deg2_v, shared)

        ones = jnp.ones((16,), jnp.float32)

        def ebody(j, carry):
            for s in range(C // 16):
                idx = dst_v[j, pl.ds(s * 16, 16)]
                plsc.addupdate_scatter(deg1_v, [idx], ones)
            return carry

        lax.fori_loop(0, K, ebody, 0)

        def pbody(t, carry):
            for s in range(8):
                deg2_v[t, pl.ds(s * 16, 16)] = deg1_v[pl.ds(t * 128 + s * 16, 16)]
            return carry

        lax.fori_loop(0, 80, pbody, 0)
        plsc.subcore_barrier()
        pltpu.sync_copy(deg2_v, shared.at[iden_v], add=True)
        plsc.subcore_barrier()

        @pl.when(sid < 10)
        def _():
            sl = pl.ds(sid * 8, 8)
            pltpu.sync_copy(shared.at[sl], part_hbm.at[cid, sl])

    return pl.kernel(
        body,
        out_type=jax.ShapeDtypeStruct((2, 80, 128), jnp.float32),
        mesh=_mesh(),
        compiler_params=pltpu.CompilerParams(
            needs_layout_passes=False, use_tc_tiling_on_sc=False),
        scratch_types=[
            pltpu.VMEM((K, C), jnp.int32),
            pltpu.VMEM((NP,), jnp.float32),
            pltpu.VMEM((80, 128), jnp.float32),
            pltpu.VMEM((80,), jnp.int32),
            pltpu.VMEM_SHARED((80, 128), jnp.float32),
        ],
    )(dsts, iden)



def _layer_call(F, NB, h, zeros, srcs, dsts):
    KB = K // NB

    def body(*refs):
        h_hbm, z_hbm, srcs_hbm, dsts_hbm, part_hbm, src_v, dst_v = refs[:7]
        bufs = refs[7:7 + 2 * NB]
        gsem = refs[7 + 2 * NB:9 + 2 * NB]
        ssem = refs[9 + 2 * NB:11 + 2 * NB]
        xsem, isem = refs[11 + 2 * NB:13 + 2 * NB]
        shared = refs[13 + 2 * NB]
        rows = (bufs[:NB], bufs[NB:])
        cid = lax.axis_index("c")
        sid = lax.axis_index("s")
        wid = sid * 2 + cid
        sl = pl.ds(sid * RPT, RPT)

        pltpu.async_copy(srcs_hbm.at[wid], src_v, xsem)
        pltpu.async_copy(dsts_hbm.at[wid], dst_v, xsem)

        @pl.when(cid == 0)
        def _():
            pltpu.async_copy(h_hbm.at[sl], shared.at[sl], isem)

        @pl.when(cid != 0)
        def _():
            pltpu.async_copy(z_hbm.at[sl], shared.at[sl], isem)

        pltpu.make_async_copy(srcs_hbm.at[wid], src_v, xsem).wait()
        pltpu.make_async_copy(dsts_hbm.at[wid], dst_v, xsem).wait()

        dummy = h_hbm.at[pl.ds(0, C)]

        def start_gathers(t, p):
            for b in range(NB):
                pltpu.async_copy(h_hbm.at[src_v.at[t * NB + b]], rows[p][b], gsem[p])

        def fire_scatters(t, p):
            for b in range(NB):
                pltpu.async_copy(rows[p][b], shared.at[dst_v.at[t * NB + b]],
                                 ssem[p], add=True)

        def drain(sem, p):
            for b in range(NB):
                pltpu.make_async_copy(dummy, rows[p][b], sem).wait()

        start_gathers(0, 0)
        pltpu.make_async_copy(z_hbm.at[sl], shared.at[sl], isem).wait()
        plsc.subcore_barrier()

        def phase(t, p):
            @pl.when(t > 0)
            def _():
                drain(ssem[1 - p], 1 - p)

            @pl.when(t + 1 < KB)
            def _():
                start_gathers(t + 1, 1 - p)

            drain(gsem[p], p)
            fire_scatters(t, p)

        def outer(i, carry):
            phase(2 * i, 0)
            phase(2 * i + 1, 1)
            return carry

        lax.fori_loop(0, KB // 2, outer, 0)
        drain(ssem[(KB - 1) % 2], (KB - 1) % 2)
        plsc.subcore_barrier()
        wrpt = RPT // 4
        for w in range(4):
            wsl = pl.ds(sid * RPT + w * wrpt, wrpt)
            pltpu.async_copy(shared.at[wsl], part_hbm.at[cid, wsl], isem)
        for w in range(4):
            wsl = pl.ds(sid * RPT + w * wrpt, wrpt)
            pltpu.make_async_copy(shared.at[wsl], part_hbm.at[cid, wsl], isem).wait()

    return pl.kernel(
        body,
        out_type=jax.ShapeDtypeStruct((2, NP, F), jnp.float32),
        mesh=_mesh(),
        compiler_params=pltpu.CompilerParams(use_tc_tiling_on_sc=False),
        scratch_types=(
            [pltpu.VMEM((K, C), jnp.int32)] * 2
            + [pltpu.VMEM((C, F), jnp.float32)] * (2 * NB)
            + [pltpu.SemaphoreType.DMA] * 6
            + [pltpu.VMEM_SHARED((NP, F), jnp.float32)]
        ),
    )(h, zeros, srcs, dsts)



def _tc_mm(x, W1):
    def body(x_ref, w_ref, h_ref):
        h_ref[...] = jnp.dot(x_ref[...], w_ref[...],
                             preferred_element_type=jnp.float32)

    return pl.pallas_call(
        body,
        grid=(NP // BR,),
        in_specs=[
            pl.BlockSpec((BR, 128), lambda r: (r, 0)),
            pl.BlockSpec((128, 64), lambda r: (0, 0)),
        ],
        out_specs=pl.BlockSpec((BR, 64), lambda r: (r, 0)),
        out_shape=jax.ShapeDtypeStruct((NP, 64), jnp.float32),
    )(x, W1)


def _tc_scale(hr, dp):
    def body(hr_ref, dp_ref, h_ref, dis_ref):
        deg = dp_ref[0] + dp_ref[1]
        rid = pl.program_id(0) * BR + lax.broadcasted_iota(jnp.int32, (BR, 1), 0)
        dis = jnp.where(rid < N, lax.rsqrt(deg + 1.0), 0.0)
        dis_ref[...] = dis
        h_ref[...] = hr_ref[...] * dis

    return pl.pallas_call(
        body,
        grid=(NP // BR,),
        in_specs=[
            pl.BlockSpec((BR, 64), lambda r: (r, 0)),
            pl.BlockSpec((2, BR, 1), lambda r: (0, r, 0)),
        ],
        out_specs=[
            pl.BlockSpec((BR, 64), lambda r: (r, 0)),
            pl.BlockSpec((BR, 1), lambda r: (r, 0)),
        ],
        out_shape=[
            jax.ShapeDtypeStruct((NP, 64), jnp.float32),
            jax.ShapeDtypeStruct((NP, 1), jnp.float32),
        ],
    )(hr, dp)


def _tc_mid(parts, dis, b, W, F, Fn):
    def body(p_ref, dis_ref, b_ref, w_ref, h_ref):
        dis = dis_ref[...]
        a = jax.nn.relu((p_ref[0] + p_ref[1]) * dis + b_ref[...])
        h = jnp.dot(a, w_ref[...], preferred_element_type=jnp.float32)
        h_ref[...] = h * dis

    return pl.pallas_call(
        body,
        grid=(NP // BR,),
        in_specs=[
            pl.BlockSpec((2, BR, F), lambda r: (0, r, 0)),
            pl.BlockSpec((BR, 1), lambda r: (r, 0)),
            pl.BlockSpec((1, F), lambda r: (0, 0)),
            pl.BlockSpec((F, Fn), lambda r: (0, 0)),
        ],
        out_specs=pl.BlockSpec((BR, Fn), lambda r: (r, 0)),
        out_shape=jax.ShapeDtypeStruct((NP, Fn), jnp.float32),
    )(parts, dis, b.reshape(1, F), W)


def _tc_last(parts, dis, b):
    def body(p_ref, dis_ref, b_ref, z_ref):
        z_ref[...] = (p_ref[0] + p_ref[1]) * dis_ref[...] + b_ref[...]

    return pl.pallas_call(
        body,
        grid=(NP // BR,),
        in_specs=[
            pl.BlockSpec((2, BR, 16), lambda r: (0, r, 0)),
            pl.BlockSpec((BR, 1), lambda r: (r, 0)),
            pl.BlockSpec((1, 16), lambda r: (0, 0)),
        ],
        out_specs=pl.BlockSpec((BR, 16), lambda r: (r, 0)),
        out_shape=jax.ShapeDtypeStruct((NP, 16), jnp.float32),
    )(parts, dis, b.reshape(1, 16))


def kernel(x, edge_index, W1, b1, W2, b2, W3, b3):
    src = edge_index[0].astype(jnp.int32)
    dst = edge_index[1].astype(jnp.int32)
    pad = N + jnp.arange(EPAD - E, dtype=jnp.int32) % (NP - N)
    srcs = jnp.concatenate([src, pad]).reshape(NW, K, C)
    dsts = jnp.concatenate([dst, pad]).reshape(NW, K, C)
    iden = jnp.arange(80, dtype=jnp.int32)
    x_pad = jnp.pad(x, ((0, NP - N), (0, 0)))
    z64 = jnp.zeros((NP, 64), jnp.float32)
    z32 = jnp.zeros((NP, 32), jnp.float32)
    z16 = jnp.zeros((NP, 16), jnp.float32)

    h1r = _tc_mm(x_pad, W1)
    deg_parts = _deg_call(dsts, iden)
    dp = deg_parts.reshape(2, NP, 1)
    h1, dis = _tc_scale(h1r, dp)
    p1 = _layer_call(64, 1, h1, z64, srcs, dsts)
    h2 = _tc_mid(p1, dis, b1, W2, 64, 32)
    p2 = _layer_call(32, 2, h2, z32, srcs, dsts)
    h3 = _tc_mid(p2, dis, b2, W3, 32, 16)
    p3 = _layer_call(16, 4, h3, z16, srcs, dsts)
    z = _tc_last(p3, dis, b3)
    return z[:N]

# --- scband reference (transcript-rebuilt; emitter-appended) ---
"""Pipeline reference for scband-simple-gcn-68281390072316 (READ-ONLY COPY).

The authoritative reference and input builder live on the scoring server;
editing this copy changes nothing except your own understanding.
"""

import jax, jax.numpy as jnp
import numpy as np

N_NODES = 10000
N_EDGES = 640000
D_IN = 128


def _glorot(key, fan_in, fan_out):
    limit = jnp.sqrt(6.0 / (fan_in + fan_out))
    return jax.random.uniform(key, (fan_in, fan_out), minval=-limit, maxval=limit, dtype=jnp.float32)


def setup_inputs(seed: int = 0) -> dict:
    key = jax.random.key(seed)
    ks = jax.random.split(key, 8)
    x = jax.random.normal(ks[0], (N_NODES, D_IN), dtype=jnp.float32)
    edge_index = jax.random.randint(ks[1], (2, N_EDGES), 0, N_NODES, dtype=jnp.int64)
    W1 = _glorot(ks[2], D_IN, 64)
    b1 = jnp.zeros((64,), dtype=jnp.float32)
    W2 = _glorot(ks[3], 64, 32)
    b2 = jnp.zeros((32,), dtype=jnp.float32)
    W3 = _glorot(ks[4], 32, 16)
    b3 = jnp.zeros((16,), dtype=jnp.float32)
    return {"x": x, "edge_index": edge_index, "W1": W1, "b1": b1, "W2": W2, "b2": b2, "W3": W3, "b3": b3}


def _gcn_conv(x, src, dst, norm, W, b, n):
    # GCNConv: h = D^{-1/2} (A + I) D^{-1/2} (X W) + b  (self-loops already appended to src/dst)
    h = x @ W
    msg = h[src] * norm[:, None]
    out = jnp.zeros((n, W.shape[1]), dtype=x.dtype).at[dst].add(msg)
    return out + b


def _loops_and_norm(edge_index, n):
    loops = jnp.arange(n, dtype=edge_index.dtype)
    src = jnp.concatenate([edge_index[0], loops])
    dst = jnp.concatenate([edge_index[1], loops])
    ones = jnp.ones((src.shape[0],), dtype=jnp.float32)
    deg = jnp.zeros((n,), dtype=jnp.float32).at[dst].add(ones)
    dis = jnp.where(deg > 0, jax.lax.rsqrt(deg), 0.0)
    norm = dis[src] * dis[dst]
    return src, dst, norm


def reference(x, edge_index, W1, b1, W2, b2, W3, b3):
    n = x.shape[0]
    src, dst, norm = _loops_and_norm(edge_index, n)
    # Dropout layers are identity in eval mode.
    h = jax.nn.relu(_gcn_conv(x, src, dst, norm, W1, b1, n))
    h = jax.nn.relu(_gcn_conv(h, src, dst, norm, W2, b2, n))
    z = _gcn_conv(h, src, dst, norm, W3, b3, n)
    return z

if __name__ == "__main__":
    import jax
    _d = setup_inputs()
    print(jax.jit(kernel)(*tuple(_d.values())))

</pallas_src>

<mosaic_0001>
#map = affine_map<(d0, d1) -> (0, 0)>
#map1 = affine_map<(d0, d1) -> (0, 0, 0)>
module attributes {stable_mosaic.version = 14 : i64} {
  func.func @body(%arg0: i32, %arg1: i32, %arg2: memref<10240x16xf32, #tpu.memory_space<hbm>>, %arg3: memref<10240x16xf32, #tpu.memory_space<hbm>>, %arg4: memref<32x80x256xi32, #tpu.memory_space<hbm>>, %arg5: memref<32x80x256xi32, #tpu.memory_space<hbm>>, %arg6: memref<2x10240x16xf32, #tpu.memory_space<hbm>>, %arg7: memref<80x256xi32, #tpu.memory_space<vmem>>, %arg8: memref<80x256xi32, #tpu.memory_space<vmem>>, %arg9: memref<256x16xf32, #tpu.memory_space<vmem>>, %arg10: memref<256x16xf32, #tpu.memory_space<vmem>>, %arg11: memref<256x16xf32, #tpu.memory_space<vmem>>, %arg12: memref<256x16xf32, #tpu.memory_space<vmem>>, %arg13: memref<256x16xf32, #tpu.memory_space<vmem>>, %arg14: memref<256x16xf32, #tpu.memory_space<vmem>>, %arg15: memref<256x16xf32, #tpu.memory_space<vmem>>, %arg16: memref<256x16xf32, #tpu.memory_space<vmem>>, %arg17: memref<!tpu.dma_semaphore, #tpu.memory_space<semaphore_mem>>, %arg18: memref<!tpu.dma_semaphore, #tpu.memory_space<semaphore_mem>>, %arg19: memref<!tpu.dma_semaphore, #tpu.memory_space<semaphore_mem>>, %arg20: memref<!tpu.dma_semaphore, #tpu.memory_space<semaphore_mem>>, %arg21: memref<!tpu.dma_semaphore, #tpu.memory_space<semaphore_mem>>, %arg22: memref<!tpu.dma_semaphore, #tpu.memory_space<semaphore_mem>>, %arg23: memref<10240x16xf32, #tpu.memory_space<vmem_shared>>) attributes {dimension_semantics = [#tpu.dimension_semantics<core_parallel>, #tpu.dimension_semantics<subcore_parallel>], iteration_bounds = array<i64: 2, 16>, scalar_prefetch = 0 : i64, scratch_operands = 17 : i64, tpu.core_type = #tpu.core_type<sc_vector_subcore>, window_params = [{transform_indices = #map}, {transform_indices = #map}, {transform_indices = #map1}, {transform_indices = #map1}, {transform_indices = #map1}]} {
    %mul3A = arith.constant 2 : i32
    %mul3A_0 = arith.muli %arg1, %mul3A : i32
    %add3A = arith.addi %mul3A_0, %arg0 : i32
    %mul3A_1 = arith.constant 640 : i32
    %mul3A_2 = arith.muli %arg1, %mul3A_1 : i32
    %dma_start3A = arith.constant 0 : i32
    %dma_start3A_3 = arith.constant 0 : i32
    %dma_start3A_4 = tpu.memref_slice %arg4[%add3A, %dma_start3A, %dma_start3A_3] : memref<32x80x256xi32, #tpu.memory_space<hbm>> -> memref<1x80x256xi32, #tpu.memory_space<hbm>>
    %dma_start3A_5 = tpu.memref_squeeze %dma_start3A_4 : memref<1x80x256xi32, #tpu.memory_space<hbm>> -> memref<80x256xi32, #tpu.memory_space<hbm>>
    %dma_start3A_6 = arith.constant 0 : i32
    %dma_start3A_7 = arith.constant 0 : i32
    %dma_start3A_8 = tpu.memref_slice %arg4[%add3A, %dma_start3A_6, %dma_start3A_7] : memref<32x80x256xi32, #tpu.memory_space<hbm>> -> memref<1x80x256xi32, #tpu.memory_space<hbm>>
    %dma_start3A_9 = tpu.memref_squeeze %dma_start3A_8 : memref<1x80x256xi32, #tpu.memory_space<hbm>> -> memref<80x256xi32, #tpu.memory_space<hbm>>
    tpu.enqueue_dma source(%dma_start3A_9 : memref<80x256xi32, #tpu.memory_space<hbm>>) target(%arg7 : memref<80x256xi32, #tpu.memory_space<vmem>>) target_semaphore(%arg21 : memref<!tpu.dma_semaphore, #tpu.memory_space<semaphore_mem>>)
    %dma_start3A_10 = arith.constant 0 : i32
    %dma_start3A_11 = arith.constant 0 : i32
    %dma_start3A_12 = tpu.memref_slice %arg5[%add3A, %dma_start3A_10, %dma_start3A_11] : memref<32x80x256xi32, #tpu.memory_space<hbm>> -> memref<1x80x256xi32, #tpu.memory_space<hbm>>
    %dma_start3A_13 = tpu.memref_squeeze %dma_start3A_12 : memref<1x80x256xi32, #tpu.memory_space<hbm>> -> memref<80x256xi32, #tpu.memory_space<hbm>>
    %dma_start3A_14 = arith.constant 0 : i32
    %dma_start3A_15 = arith.constant 0 : i32
    %dma_start3A_16 = tpu.memref_slice %arg5[%add3A, %dma_start3A_14, %dma_start3A_15] : memref<32x80x256xi32, #tpu.memory_space<hbm>> -> memref<1x80x256xi32, #tpu.memory_space<hbm>>
    %dma_start3A_17 = tpu.memref_squeeze %dma_start3A_16 : memref<1x80x256xi32, #tpu.memory_space<hbm>> -> memref<80x256xi32, #tpu.memory_space<hbm>>
    tpu.enqueue_dma source(%dma_start3A_17 : memref<80x256xi32, #tpu.memory_space<hbm>>) target(%arg8 : memref<80x256xi32, #tpu.memory_space<vmem>>) target_semaphore(%arg21 : memref<!tpu.dma_semaphore, #tpu.memory_space<semaphore_mem>>)
    %eq3A = arith.constant 0 : i32
    %eq3A_18 = arith.cmpi eq, %arg0, %eq3A : i32
    %convert_element_type3A = arith.extui %eq3A_18 : i1 to i32
    %cond3A = arith.constant 0 : i32
    %cond3A_19 = arith.cmpi ne, %convert_element_type3A, %cond3A : i32
    scf.if %cond3A_19 {
      %dma_start3A_173 = arith.constant 0 : i32
      %dma_start3A_174 = tpu.memref_slice %arg23[%mul3A_2, %dma_start3A_173] : memref<10240x16xf32, #tpu.memory_space<vmem_shared>> -> memref<640x16xf32, #tpu.memory_space<vmem_shared>>
      %dma_start3A_175 = arith.constant 0 : i32
      %dma_start3A_176 = tpu.memref_slice %arg2[%mul3A_2, %dma_start3A_175] : memref<10240x16xf32, #tpu.memory_space<hbm>> -> memref<640x16xf32, #tpu.memory_space<hbm>>
      tpu.enqueue_dma source(%dma_start3A_176 : memref<640x16xf32, #tpu.memory_space<hbm>>) target(%dma_start3A_174 : memref<640x16xf32, #tpu.memory_space<vmem_shared>>) target_semaphore(%arg22 : memref<!tpu.dma_semaphore, #tpu.memory_space<semaphore_mem>>)
    } else {
    }
    %ne3A = arith.constant 0 : i32
    %ne3A_20 = arith.cmpi ne, %arg0, %ne3A : i32
    %convert_element_type3A_21 = arith.extui %ne3A_20 : i1 to i32
    %cond3A_22 = arith.constant 0 : i32
    %cond3A_23 = arith.cmpi ne, %convert_element_type3A_21, %cond3A_22 : i32
    scf.if %cond3A_23 {
      %dma_start3A_173 = arith.constant 0 : i32
      %dma_start3A_174 = tpu.memref_slice %arg23[%mul3A_2, %dma_start3A_173] : memref<10240x16xf32, #tpu.memory_space<vmem_shared>> -> memref<640x16xf32, #tpu.memory_space<vmem_shared>>
      %dma_start3A_175 = arith.constant 0 : i32
      %dma_start3A_176 = tpu.memref_slice %arg3[%mul3A_2, %dma_start3A_175] : memref<10240x16xf32, #tpu.memory_space<hbm>> -> memref<640x16xf32, #tpu.memory_space<hbm>>
      tpu.enqueue_dma source(%dma_start3A_176 : memref<640x16xf32, #tpu.memory_space<hbm>>) target(%dma_start3A_174 : memref<640x16xf32, #tpu.memory_space<vmem_shared>>) target_semaphore(%arg22 : memref<!tpu.dma_semaphore, #tpu.memory_space<semaphore_mem>>)
    } else {
    }
    %dma_wait3A = arith.constant 0 : i32
    %dma_wait3A_24 = arith.constant 0 : i32
    %dma_wait3A_25 = tpu.memref_slice %arg4[%add3A, %dma_wait3A, %dma_wait3A_24] : memref<32x80x256xi32, #tpu.memory_space<hbm>> -> memref<1x80x256xi32, #tpu.memory_space<hbm>>
    %dma_wait3A_26 = tpu.memref_squeeze %dma_wait3A_25 : memref<1x80x256xi32, #tpu.memory_space<hbm>> -> memref<80x256xi32, #tpu.memory_space<hbm>>
    %dma_wait3A_27 = arith.constant 0 : i32
    %dma_wait3A_28 = arith.constant 0 : i32
    %dma_wait3A_29 = tpu.memref_slice %arg4[%add3A, %dma_wait3A_27, %dma_wait3A_28] : memref<32x80x256xi32, #tpu.memory_space<hbm>> -> memref<1x80x256xi32, #tpu.memory_space<hbm>>
    %dma_wait3A_30 = tpu.memref_squeeze %dma_wait3A_29 : memref<1x80x256xi32, #tpu.memory_space<hbm>> -> memref<80x256xi32, #tpu.memory_space<hbm>>
    tpu.wait_dma2 semaphore(%arg21 : memref<!tpu.dma_semaphore, #tpu.memory_space<semaphore_mem>>) src(%dma_wait3A_30 : memref<80x256xi32, #tpu.memory_space<hbm>>) dst(%arg7 : memref<80x256xi32, #tpu.memory_space<vmem>>)
    %dma_wait3A_31 = arith.constant 0 : i32
    %dma_wait3A_32 = arith.constant 0 : i32
    %dma_wait3A_33 = tpu.memref_slice %arg5[%add3A, %dma_wait3A_31, %dma_wait3A_32] : memref<32x80x256xi32, #tpu.memory_space<hbm>> -> memref<1x80x256xi32, #tpu.memory_space<hbm>>
    %dma_wait3A_34 = tpu.memref_squeeze %dma_wait3A_33 : memref<1x80x256xi32, #tpu.memory_space<hbm>> -> memref<80x256xi32, #tpu.memory_space<hbm>>
    %dma_wait3A_35 = arith.constant 0 : i32
    %dma_wait3A_36 = arith.constant 0 : i32
    %dma_wait3A_37 = tpu.memref_slice %arg5[%add3A, %dma_wait3A_35, %dma_wait3A_36] : memref<32x80x256xi32, #tpu.memory_space<hbm>> -> memref<1x80x256xi32, #tpu.memory_space<hbm>>
    %dma_wait3A_38 = tpu.memref_squeeze %dma_wait3A_37 : memref<1x80x256xi32, #tpu.memory_space<hbm>> -> memref<80x256xi32, #tpu.memory_space<hbm>>
    tpu.wait_dma2 semaphore(%arg21 : memref<!tpu.dma_semaphore, #tpu.memory_space<semaphore_mem>>) src(%dma_wait3A_38 : memref<80x256xi32, #tpu.memory_space<hbm>>) dst(%arg8 : memref<80x256xi32, #tpu.memory_space<vmem>>)
    %dma_start3A_39 = arith.constant 0 : i32
    %dma_start3A_40 = arith.constant 0 : i32
    %dma_start3A_41 = tpu.memref_slice %arg7[%dma_start3A_39, %dma_start3A_40] : memref<80x256xi32, #tpu.memory_space<vmem>> -> memref<1x256xi32, #tpu.memory_space<vmem>>
    %dma_start3A_42 = tpu.memref_squeeze %dma_start3A_41 : memref<1x256xi32, #tpu.memory_space<vmem>> -> memref<256xi32, #tpu.memory_space<vmem>>
    %dma_start3A_43 = arith.constant 0 : i32
    %dma_start3A_44 = arith.constant 0 : i32
    %dma_start3A_45 = tpu.memref_slice %arg2[%dma_start3A_43, %dma_start3A_44] : memref<10240x16xf32, #tpu.memory_space<hbm>> -> memref<10240x16xf32, #tpu.memory_space<hbm>>
    tpu.enqueue_indirect_dma source(%dma_start3A_45 : memref<10240x16xf32, #tpu.memory_space<hbm>>) target(%arg9 : memref<256x16xf32, #tpu.memory_space<vmem>>) offsets(%dma_start3A_42 : memref<256xi32, #tpu.memory_space<vmem>>) semaphore(%arg17 : memref<!tpu.dma_semaphore, #tpu.memory_space<semaphore_mem>>)
    %dma_start3A_46 = arith.constant 1 : i32
    %dma_start3A_47 = arith.constant 0 : i32
    %dma_start3A_48 = tpu.memref_slice %arg7[%dma_start3A_46, %dma_start3A_47] : memref<80x256xi32, #tpu.memory_space<vmem>> -> memref<1x256xi32, #tpu.memory_space<vmem>>
    %dma_start3A_49 = tpu.memref_squeeze %dma_start3A_48 : memref<1x256xi32, #tpu.memory_space<vmem>> -> memref<256xi32, #tpu.memory_space<vmem>>
    %dma_start3A_50 = arith.constant 0 : i32
    %dma_start3A_51 = arith.constant 0 : i32
    %dma_start3A_52 = tpu.memref_slice %arg2[%dma_start3A_50, %dma_start3A_51] : memref<10240x16xf32, #tpu.memory_space<hbm>> -> memref<10240x16xf32, #tpu.memory_space<hbm>>
    tpu.enqueue_indirect_dma source(%dma_start3A_52 : memref<10240x16xf32, #tpu.memory_space<hbm>>) target(%arg10 : memref<256x16xf32, #tpu.memory_space<vmem>>) offsets(%dma_start3A_49 : memref<256xi32, #tpu.memory_space<vmem>>) semaphore(%arg17 : memref<!tpu.dma_semaphore, #tpu.memory_space<semaphore_mem>>)
    %dma_start3A_53 = arith.constant 2 : i32
    %dma_start3A_54 = arith.constant 0 : i32
    %dma_start3A_55 = tpu.memref_slice %arg7[%dma_start3A_53, %dma_start3A_54] : memref<80x256xi32, #tpu.memory_space<vmem>> -> memref<1x256xi32, #tpu.memory_space<vmem>>
    %dma_start3A_56 = tpu.memref_squeeze %dma_start3A_55 : memref<1x256xi32, #tpu.memory_space<vmem>> -> memref<256xi32, #tpu.memory_space<vmem>>
    %dma_start3A_57 = arith.constant 0 : i32
    %dma_start3A_58 = arith.constant 0 : i32
    %dma_start3A_59 = tpu.memref_slice %arg2[%dma_start3A_57, %dma_start3A_58] : memref<10240x16xf32, #tpu.memory_space<hbm>> -> memref<10240x16xf32, #tpu.memory_space<hbm>>
    tpu.enqueue_indirect_dma source(%dma_start3A_59 : memref<10240x16xf32, #tpu.memory_space<hbm>>) target(%arg11 : memref<256x16xf32, #tpu.memory_space<vmem>>) offsets(%dma_start3A_56 : memref<256xi32, #tpu.memory_space<vmem>>) semaphore(%arg17 : memref<!tpu.dma_semaphore, #tpu.memory_space<semaphore_mem>>)
    %dma_start3A_60 = arith.constant 3 : i32
    %dma_start3A_61 = arith.constant 0 : i32
    %dma_start3A_62 = tpu.memref_slice %arg7[%dma_start3A_60, %dma_start3A_61] : memref<80x256xi32, #tpu.memory_space<vmem>> -> memref<1x256xi32, #tpu.memory_space<vmem>>
    %dma_start3A_63 = tpu.memref_squeeze %dma_start3A_62 : memref<1x256xi32, #tpu.memory_space<vmem>> -> memref<256xi32, #tpu.memory_space<vmem>>
    %dma_start3A_64 = arith.constant 0 : i32
    %dma_start3A_65 = arith.constant 0 : i32
    %dma_start3A_66 = tpu.memref_slice %arg2[%dma_start3A_64, %dma_start3A_65] : memref<10240x16xf32, #tpu.memory_space<hbm>> -> memref<10240x16xf32, #tpu.memory_space<hbm>>
    tpu.enqueue_indirect_dma source(%dma_start3A_66 : memref<10240x16xf32, #tpu.memory_space<hbm>>) target(%arg12 : memref<256x16xf32, #tpu.memory_space<vmem>>) offsets(%dma_start3A_63 : memref<256xi32, #tpu.memory_space<vmem>>) semaphore(%arg17 : memref<!tpu.dma_semaphore, #tpu.memory_space<semaphore_mem>>)
    %dma_wait3A_67 = arith.constant 0 : i32
    %dma_wait3A_68 = tpu.memref_slice %arg23[%mul3A_2, %dma_wait3A_67] : memref<10240x16xf32, #tpu.memory_space<vmem_shared>> -> memref<640x16xf32, #tpu.memory_space<vmem_shared>>
    %dma_wait3A_69 = arith.constant 0 : i32
    %dma_wait3A_70 = tpu.memref_slice %arg3[%mul3A_2, %dma_wait3A_69] : memref<10240x16xf32, #tpu.memory_space<hbm>> -> memref<640x16xf32, #tpu.memory_space<hbm>>
    tpu.wait_dma2 semaphore(%arg22 : memref<!tpu.dma_semaphore, #tpu.memory_space<semaphore_mem>>) src(%dma_wait3A_70 : memref<640x16xf32, #tpu.memory_space<hbm>>) dst(%dma_wait3A_68 : memref<640x16xf32, #tpu.memory_space<vmem_shared>>)
    %barrier3A = arith.constant 0 : index
    tpu.barrier barrier_id(%barrier3A)
    %scan3A = arith.constant 0 : i32
    %scan3A_71 = arith.constant 0 : i32
    %scan3A_72 = arith.constant 10 : i32
    %scan3A_73 = arith.addi %scan3A_71, %scan3A_72 : i32
    %scan3A_74 = arith.constant 1 : i32
    scf.for %scan3A_173 = %scan3A_71 to %scan3A_73 step %scan3A_74  : i32 {
      %mul3A_174 = arith.constant 2 : i32
      %mul3A_175 = arith.muli %mul3A_174, %scan3A_173 : i32
      %gt3A = arith.constant 0 : i32
      %gt3A_176 = arith.cmpi sgt, %mul3A_175, %gt3A : i32
      %convert_element_type3A_177 = arith.extui %gt3A_176 : i1 to i32
      %cond3A_178 = arith.constant 0 : i32
      %cond3A_179 = arith.cmpi ne, %convert_element_type3A_177, %cond3A_178 : i32
      scf.if %cond3A_179 {
        %dma_wait3A_330 = arith.constant 0 : i32
        %dma_wait3A_331 = arith.constant 0 : i32
        %dma_wait3A_332 = tpu.memref_slice %arg2[%dma_wait3A_330, %dma_wait3A_331] : memref<10240x16xf32, #tpu.memory_space<hbm>> -> memref<256x16xf32, #tpu.memory_space<hbm>>
        %dma_wait3A_333 = arith.constant 0 : i32
        %dma_wait3A_334 = arith.constant 0 : i32
        %dma_wait3A_335 = tpu.memref_slice %arg2[%dma_wait3A_333, %dma_wait3A_334] : memref<10240x16xf32, #tpu.memory_space<hbm>> -> memref<256x16xf32, #tpu.memory_space<hbm>>
        tpu.wait_dma2 semaphore(%arg20 : memref<!tpu.dma_semaphore, #tpu.memory_space<semaphore_mem>>) src(%dma_wait3A_335 : memref<256x16xf32, #tpu.memory_space<hbm>>) dst(%arg13 : memref<256x16xf32, #tpu.memory_space<vmem>>)
        %dma_wait3A_336 = arith.constant 0 : i32
        %dma_wait3A_337 = arith.constant 0 : i32
        %dma_wait3A_338 = tpu.memref_slice %arg2[%dma_wait3A_336, %dma_wait3A_337] : memref<10240x16xf32, #tpu.memory_space<hbm>> -> memref<256x16xf32, #tpu.memory_space<hbm>>
        %dma_wait3A_339 = arith.constant 0 : i32
        %dma_wait3A_340 = arith.constant 0 : i32
        %dma_wait3A_341 = tpu.memref_slice %arg2[%dma_wait3A_339, %dma_wait3A_340] : memref<10240x16xf32, #tpu.memory_space<hbm>> -> memref<256x16xf32, #tpu.memory_space<hbm>>
        tpu.wait_dma2 semaphore(%arg20 : memref<!tpu.dma_semaphore, #tpu.memory_space<semaphore_mem>>) src(%dma_wait3A_341 : memref<256x16xf32, #tpu.memory_space<hbm>>) dst(%arg14 : memref<256x16xf32, #tpu.memory_space<vmem>>)
        %dma_wait3A_342 = arith.constant 0 : i32
        %dma_wait3A_343 = arith.constant 0 : i32
        %dma_wait3A_344 = tpu.memref_slice %arg2[%dma_wait3A_342, %dma_wait3A_343] : memref<10240x16xf32, #tpu.memory_space<hbm>> -> memref<256x16xf32, #tpu.memory_space<hbm>>
        %dma_wait3A_345 = arith.constant 0 : i32
        %dma_wait3A_346 = arith.constant 0 : i32
        %dma_wait3A_347 = tpu.memref_slice %arg2[%dma_wait3A_345, %dma_wait3A_346] : memref<10240x16xf32, #tpu.memory_space<hbm>> -> memref<256x16xf32, #tpu.memory_space<hbm>>
        tpu.wait_dma2 semaphore(%arg20 : memref<!tpu.dma_semaphore, #tpu.memory_space<semaphore_mem>>) src(%dma_wait3A_347 : memref<256x16xf32, #tpu.memory_space<hbm>>) dst(%arg15 : memref<256x16xf32, #tpu.memory_space<vmem>>)
        %dma_wait3A_348 = arith.constant 0 : i32
        %dma_wait3A_349 = arith.constant 0 : i32
        %dma_wait3A_350 = tpu.memref_slice %arg2[%dma_wait3A_348, %dma_wait3A_349] : memref<10240x16xf32, #tpu.memory_space<hbm>> -> memref<256x16xf32, #tpu.memory_space<hbm>>
        %dma_wait3A_351 = arith.constant 0 : i32
        %dma_wait3A_352 = arith.constant 0 : i32
        %dma_wait3A_353 = tpu.memref_slice %arg2[%dma_wait3A_351, %dma_wait3A_352] : memref<10240x16xf32, #tpu.memory_space<hbm>> -> memref<256x16xf32, #tpu.memory_space<hbm>>
        tpu.wait_dma2 semaphore(%arg20 : memref<!tpu.dma_semaphore, #tpu.memory_space<semaphore_mem>>) src(%dma_wait3A_353 : memref<256x16xf32, #tpu.memory_space<hbm>>) dst(%arg16 : memref<256x16xf32, #tpu.memory_space<vmem>>)
      } else {
      }
      %add3A_180 = arith.constant 1 : i32
      %add3A_181 = arith.addi %mul3A_175, %add3A_180 : i32
      %lt3A = arith.constant 20 : i32
      %lt3A_182 = arith.cmpi slt, %add3A_181, %lt3A : i32
      %convert_element_type3A_183 = arith.extui %lt3A_182 : i1 to i32
      %cond3A_184 = arith.constant 0 : i32
      %cond3A_185 = arith.cmpi ne, %convert_element_type3A_183, %cond3A_184 : i32
      scf.if %cond3A_185 {
        %add3A_330 = arith.constant 1 : i32
        %add3A_331 = arith.addi %mul3A_175, %add3A_330 : i32
        %mul3A_332 = arith.constant 4 : i32
        %mul3A_333 = arith.muli %add3A_331, %mul3A_332 : i32
        %add3A_334 = arith.constant 0 : i32
        %add3A_335 = arith.addi %mul3A_333, %add3A_334 : i32
        %dma_start3A_336 = arith.constant 0 : i32
        %dma_start3A_337 = tpu.memref_slice %arg7[%add3A_335, %dma_start3A_336] : memref<80x256xi32, #tpu.memory_space<vmem>> -> memref<1x256xi32, #tpu.memory_space<vmem>>
        %dma_start3A_338 = tpu.memref_squeeze %dma_start3A_337 : memref<1x256xi32, #tpu.memory_space<vmem>> -> memref<256xi32, #tpu.memory_space<vmem>>
        %dma_start3A_339 = arith.constant 0 : i32
        %dma_start3A_340 = arith.constant 0 : i32
        %dma_start3A_341 = tpu.memref_slice %arg2[%dma_start3A_339, %dma_start3A_340] : memref<10240x16xf32, #tpu.memory_space<hbm>> -> memref<10240x16xf32, #tpu.memory_space<hbm>>
        tpu.enqueue_indirect_dma source(%dma_start3A_341 : memref<10240x16xf32, #tpu.memory_space<hbm>>) target(%arg13 : memref<256x16xf32, #tpu.memory_space<vmem>>) offsets(%dma_start3A_338 : memref<256xi32, #tpu.memory_space<vmem>>) semaphore(%arg18 : memref<!tpu.dma_semaphore, #tpu.memory_space<semaphore_mem>>)
        %mul3A_342 = arith.constant 4 : i32
        %mul3A_343 = arith.muli %add3A_331, %mul3A_342 : i32
        %add3A_344 = arith.constant 1 : i32
        %add3A_345 = arith.addi %mul3A_343, %add3A_344 : i32
        %dma_start3A_346 = arith.constant 0 : i32
        %dma_start3A_347 = tpu.memref_slice %arg7[%add3A_345, %dma_start3A_346] : memref<80x256xi32, #tpu.memory_space<vmem>> -> memref<1x256xi32, #tpu.memory_space<vmem>>
        %dma_start3A_348 = tpu.memref_squeeze %dma_start3A_347 : memref<1x256xi32, #tpu.memory_space<vmem>> -> memref<256xi32, #tpu.memory_space<vmem>>
        %dma_start3A_349 = arith.constant 0 : i32
        %dma_start3A_350 = arith.constant 0 : i32
        %dma_start3A_351 = tpu.memref_slice %arg2[%dma_start3A_349, %dma_start3A_350] : memref<10240x16xf32, #tpu.memory_space<hbm>> -> memref<10240x16xf32, #tpu.memory_space<hbm>>
        tpu.enqueue_indirect_dma source(%dma_start3A_351 : memref<10240x16xf32, #tpu.memory_space<hbm>>) target(%arg14 : memref<256x16xf32, #tpu.memory_space<vmem>>) offsets(%dma_start3A_348 : memref<256xi32, #tpu.memory_space<vmem>>) semaphore(%arg18 : memref<!tpu.dma_semaphore, #tpu.memory_space<semaphore_mem>>)
        %mul3A_352 = arith.constant 4 : i32
        %mul3A_353 = arith.muli %add3A_331, %mul3A_352 : i32
        %add3A_354 = arith.constant 2 : i32
        %add3A_355 = arith.addi %mul3A_353, %add3A_354 : i32
        %dma_start3A_356 = arith.constant 0 : i32
        %dma_start3A_357 = tpu.memref_slice %arg7[%add3A_355, %dma_start3A_356] : memref<80x256xi32, #tpu.memory_space<vmem>> -> memref<1x256xi32, #tpu.memory_space<vmem>>
        %dma_start3A_358 = tpu.memref_squeeze %dma_start3A_357 : memref<1x256xi32, #tpu.memory_space<vmem>> -> memref<256xi32, #tpu.memory_space<vmem>>
        %dma_start3A_359 = arith.constant 0 : i32
        %dma_start3A_360 = arith.constant 0 : i32
        %dma_start3A_361 = tpu.memref_slice %arg2[%dma_start3A_359, %dma_start3A_360] : memref<10240x16xf32, #tpu.memory_space<hbm>> -> memref<10240x16xf32, #tpu.memory_space<hbm>>
        tpu.enqueue_indirect_dma source(%dma_start3A_361 : memref<10240x16xf32, #tpu.memory_space<hbm>>) target(%arg15 : memref<256x16xf32, #tpu.memory_space<vmem>>) offsets(%dma_start3A_358 : memref<256xi32, #tpu.memory_space<vmem>>) semaphore(%arg18 : memref<!tpu.dma_semaphore, #tpu.memory_space<semaphore_mem>>)
        %mul3A_362 = arith.constant 4 : i32
        %mul3A_363 = arith.muli %add3A_331, %mul3A_362 : i32
        %add3A_364 = arith.constant 3 : i32
        %add3A_365 = arith.addi %mul3A_363, %add3A_364 : i32
        %dma_start3A_366 = arith.constant 0 : i32
        %dma_start3A_367 = tpu.memref_slice %arg7[%add3A_365, %dma_start3A_366] : memref<80x256xi32, #tpu.memory_space<vmem>> -> memref<1x256xi32, #tpu.memory_space<vmem>>
        %dma_start3A_368 = tpu.memref_squeeze %dma_start3A_367 : memref<1x256xi32, #tpu.memory_space<vmem>> -> memref<256xi32, #tpu.memory_space<vmem>>
        %dma_start3A_369 = arith.constant 0 : i32
        %dma_start3A_370 = arith.constant 0 : i32
        %dma_start3A_371 = tpu.memref_slice %arg2[%dma_start3A_369, %dma_start3A_370] : memref<10240x16xf32, #tpu.memory_space<hbm>> -> memref<10240x16xf32, #tpu.memory_space<hbm>>
        tpu.enqueue_indirect_dma source(%dma_start3A_371 : memref<10240x16xf32, #tpu.memory_space<hbm>>) target(%arg16 : memref<256x16xf32, #tpu.memory_space<vmem>>) offsets(%dma_start3A_368 : memref<256xi32, #tpu.memory_space<vmem>>) semaphore(%arg18 : memref<!tpu.dma_semaphore, #tpu.memory_space<semaphore_mem>>)
      } else {
      }
      %dma_wait3A_186 = arith.constant 0 : i32
      %dma_wait3A_187 = arith.constant 0 : i32
      %dma_wait3A_188 = tpu.memref_slice %arg2[%dma_wait3A_186, %dma_wait3A_187] : memref<10240x16xf32, #tpu.memory_space<hbm>> -> memref<256x16xf32, #tpu.memory_space<hbm>>
      %dma_wait3A_189 = arith.constant 0 : i32
      %dma_wait3A_190 = arith.constant 0 : i32
      %dma_wait3A_191 = tpu.memref_slice %arg2[%dma_wait3A_189, %dma_wait3A_190] : memref<10240x16xf32, #tpu.memory_space<hbm>> -> memref<256x16xf32, #tpu.memory_space<hbm>>
      tpu.wait_dma2 semaphore(%arg17 : memref<!tpu.dma_semaphore, #tpu.memory_space<semaphore_mem>>) src(%dma_wait3A_191 : memref<256x16xf32, #tpu.memory_space<hbm>>) dst(%arg9 : memref<256x16xf32, #tpu.memory_space<vmem>>)
      %dma_wait3A_192 = arith.constant 0 : i32
      %dma_wait3A_193 = arith.constant 0 : i32
      %dma_wait3A_194 = tpu.memref_slice %arg2[%dma_wait3A_192, %dma_wait3A_193] : memref<10240x16xf32, #tpu.memory_space<hbm>> -> memref<256x16xf32, #tpu.memory_space<hbm>>
      %dma_wait3A_195 = arith.constant 0 : i32
      %dma_wait3A_196 = arith.constant 0 : i32
      %dma_wait3A_197 = tpu.memref_slice %arg2[%dma_wait3A_195, %dma_wait3A_196] : memref<10240x16xf32, #tpu.memory_space<hbm>> -> memref<256x16xf32, #tpu.memory_space<hbm>>
      tpu.wait_dma2 semaphore(%arg17 : memref<!tpu.dma_semaphore, #tpu.memory_space<semaphore_mem>>) src(%dma_wait3A_197 : memref<256x16xf32, #tpu.memory_space<hbm>>) dst(%arg10 : memref<256x16xf32, #tpu.memory_space<vmem>>)
      %dma_wait3A_198 = arith.constant 0 : i32
      %dma_wait3A_199 = arith.constant 0 : i32
      %dma_wait3A_200 = tpu.memref_slice %arg2[%dma_wait3A_198, %dma_wait3A_199] : memref<10240x16xf32, #tpu.memory_space<hbm>> -> memref<256x16xf32, #tpu.memory_space<hbm>>
      %dma_wait3A_201 = arith.constant 0 : i32
      %dma_wait3A_202 = arith.constant 0 : i32
      %dma_wait3A_203 = tpu.memref_slice %arg2[%dma_wait3A_201, %dma_wait3A_202] : memref<10240x16xf32, #tpu.memory_space<hbm>> -> memref<256x16xf32, #tpu.memory_space<hbm>>
      tpu.wait_dma2 semaphore(%arg17 : memref<!tpu.dma_semaphore, #tpu.memory_space<semaphore_mem>>) src(%dma_wait3A_203 : memref<256x16xf32, #tpu.memory_space<hbm>>) dst(%arg11 : memref<256x16xf32, #tpu.memory_space<vmem>>)
      %dma_wait3A_204 = arith.constant 0 : i32
      %dma_wait3A_205 = arith.constant 0 : i32
      %dma_wait3A_206 = tpu.memref_slice %arg2[%dma_wait3A_204, %dma_wait3A_205] : memref<10240x16xf32, #tpu.memory_space<hbm>> -> memref<256x16xf32, #tpu.memory_space<hbm>>
      %dma_wait3A_207 = arith.constant 0 : i32
      %dma_wait3A_208 = arith.constant 0 : i32
      %dma_wait3A_209 = tpu.memref_slice %arg2[%dma_wait3A_207, %dma_wait3A_208] : memref<10240x16xf32, #tpu.memory_space<hbm>> -> memref<256x16xf32, #tpu.memory_space<hbm>>
      tpu.wait_dma2 semaphore(%arg17 : memref<!tpu.dma_semaphore, #tpu.memory_space<semaphore_mem>>) src(%dma_wait3A_209 : memref<256x16xf32, #tpu.memory_space<hbm>>) dst(%arg12 : memref<256x16xf32, #tpu.memory_space<vmem>>)
      %mul3A_210 = arith.constant 4 : i32
      %mul3A_211 = arith.muli %mul3A_175, %mul3A_210 : i32
      %add3A_212 = arith.constant 0 : i32
      %add3A_213 = arith.addi %mul3A_211, %add3A_212 : i32
      %dma_start3A_214 = arith.constant 0 : i32
      %dma_start3A_215 = tpu.memref_slice %arg8[%add3A_213, %dma_start3A_214] : memref<80x256xi32, #tpu.memory_space<vmem>> -> memref<1x256xi32, #tpu.memory_space<vmem>>
      %dma_start3A_216 = tpu.memref_squeeze %dma_start3A_215 : memref<1x256xi32, #tpu.memory_space<vmem>> -> memref<256xi32, #tpu.memory_space<vmem>>
      %dma_start3A_217 = arith.constant 0 : i32
      %dma_start3A_218 = arith.constant 0 : i32
      %dma_start3A_219 = tpu.memref_slice %arg23[%dma_start3A_217, %dma_start3A_218] : memref<10240x16xf32, #tpu.memory_space<vmem_shared>> -> memref<10240x16xf32, #tpu.memory_space<vmem_shared>>
      tpu.enqueue_indirect_dma source(%arg9 : memref<256x16xf32, #tpu.memory_space<vmem>>) target(%dma_start3A_219 : memref<10240x16xf32, #tpu.memory_space<vmem_shared>>) offsets(%dma_start3A_216 : memref<256xi32, #tpu.memory_space<vmem>>) semaphore(%arg19 : memref<!tpu.dma_semaphore, #tpu.memory_space<semaphore_mem>>) {add = true}
      %mul3A_220 = arith.constant 4 : i32
      %mul3A_221 = arith.muli %mul3A_175, %mul3A_220 : i32
      %add3A_222 = arith.constant 1 : i32
      %add3A_223 = arith.addi %mul3A_221, %add3A_222 : i32
      %dma_start3A_224 = arith.constant 0 : i32
      %dma_start3A_225 = tpu.memref_slice %arg8[%add3A_223, %dma_start3A_224] : memref<80x256xi32, #tpu.memory_space<vmem>> -> memref<1x256xi32, #tpu.memory_space<vmem>>
      %dma_start3A_226 = tpu.memref_squeeze %dma_start3A_225 : memref<1x256xi32, #tpu.memory_space<vmem>> -> memref<256xi32, #tpu.memory_space<vmem>>
      %dma_start3A_227 = arith.constant 0 : i32
      %dma_start3A_228 = arith.constant 0 : i32
      %dma_start3A_229 = tpu.memref_slice %arg23[%dma_start3A_227, %dma_start3A_228] : memref<10240x16xf32, #tpu.memory_space<vmem_shared>> -> memref<10240x16xf32, #tpu.memory_space<vmem_shared>>
      tpu.enqueue_indirect_dma source(%arg10 : memref<256x16xf32, #tpu.memory_space<vmem>>) target(%dma_start3A_229 : memref<10240x16xf32, #tpu.memory_space<vmem_shared>>) offsets(%dma_start3A_226 : memref<256xi32, #tpu.memory_space<vmem>>) semaphore(%arg19 : memref<!tpu.dma_semaphore, #tpu.memory_space<semaphore_mem>>) {add = true}
      %mul3A_230 = arith.constant 4 : i32
      %mul3A_231 = arith.muli %mul3A_175, %mul3A_230 : i32
      %add3A_232 = arith.constant 2 : i32
      %add3A_233 = arith.addi %mul3A_231, %add3A_232 : i32
      %dma_start3A_234 = arith.constant 0 : i32
      %dma_start3A_235 = tpu.memref_slice %arg8[%add3A_233, %dma_start3A_234] : memref<80x256xi32, #tpu.memory_space<vmem>> -> memref<1x256xi32, #tpu.memory_space<vmem>>
      %dma_start3A_236 = tpu.memref_squeeze %dma_start3A_235 : memref<1x256xi32, #tpu.memory_space<vmem>> -> memref<256xi32, #tpu.memory_space<vmem>>
      %dma_start3A_237 = arith.constant 0 : i32
      %dma_start3A_238 = arith.constant 0 : i32
      %dma_start3A_239 = tpu.memref_slice %arg23[%dma_start3A_237, %dma_start3A_238] : memref<10240x16xf32, #tpu.memory_space<vmem_shared>> -> memref<10240x16xf32, #tpu.memory_space<vmem_shared>>
      tpu.enqueue_indirect_dma source(%arg11 : memref<256x16xf32, #tpu.memory_space<vmem>>) target(%dma_start3A_239 : memref<10240x16xf32, #tpu.memory_space<vmem_shared>>) offsets(%dma_start3A_236 : memref<256xi32, #tpu.memory_space<vmem>>) semaphore(%arg19 : memref<!tpu.dma_semaphore, #tpu.memory_space<semaphore_mem>>) {add = true}
      %mul3A_240 = arith.constant 4 : i32
      %mul3A_241 = arith.muli %mul3A_175, %mul3A_240 : i32
      %add3A_242 = arith.constant 3 : i32
      %add3A_243 = arith.addi %mul3A_241, %add3A_242 : i32
      %dma_start3A_244 = arith.constant 0 : i32
      %dma_start3A_245 = tpu.memref_slice %arg8[%add3A_243, %dma_start3A_244] : memref<80x256xi32, #tpu.memory_space<vmem>> -> memref<1x256xi32, #tpu.memory_space<vmem>>
      %dma_start3A_246 = tpu.memref_squeeze %dma_start3A_245 : memref<1x256xi32, #tpu.memory_space<vmem>> -> memref<256xi32, #tpu.memory_space<vmem>>
      %dma_start3A_247 = arith.constant 0 : i32
      %dma_start3A_248 = arith.constant 0 : i32
      %dma_start3A_249 = tpu.memref_slice %arg23[%dma_start3A_247, %dma_start3A_248] : memref<10240x16xf32, #tpu.memory_space<vmem_shared>> -> memref<10240x16xf32, #tpu.memory_space<vmem_shared>>
      tpu.enqueue_indirect_dma source(%arg12 : memref<256x16xf32, #tpu.memory_space<vmem>>) target(%dma_start3A_249 : memref<10240x16xf32, #tpu.memory_space<vmem_shared>>) offsets(%dma_start3A_246 : memref<256xi32, #tpu.memory_space<vmem>>) semaphore(%arg19 : memref<!tpu.dma_semaphore, #tpu.memory_space<semaphore_mem>>) {add = true}
      %mul3A_250 = arith.constant 2 : i32
      %mul3A_251 = arith.muli %mul3A_250, %scan3A_173 : i32
      %add3A_252 = arith.constant 1 : i32
      %add3A_253 = arith.addi %mul3A_251, %add3A_252 : i32
      %gt3A_254 = arith.constant 0 : i32
      %gt3A_255 = arith.cmpi sgt, %add3A_253, %gt3A_254 : i32
      %convert_element_type3A_256 = arith.extui %gt3A_255 : i1 to i32
      %cond3A_257 = arith.constant 0 : i32
      %cond3A_258 = arith.cmpi ne, %convert_element_type3A_256, %cond3A_257 : i32
      scf.if %cond3A_258 {
        %dma_wait3A_330 = arith.constant 0 : i32
        %dma_wait3A_331 = arith.constant 0 : i32
        %dma_wait3A_332 = tpu.memref_slice %arg2[%dma_wait3A_330, %dma_wait3A_331] : memref<10240x16xf32, #tpu.memory_space<hbm>> -> memref<256x16xf32, #tpu.memory_space<hbm>>
        %dma_wait3A_333 = arith.constant 0 : i32
        %dma_wait3A_334 = arith.constant 0 : i32
        %dma_wait3A_335 = tpu.memref_slice %arg2[%dma_wait3A_333, %dma_wait3A_334] : memref<10240x16xf32, #tpu.memory_space<hbm>> -> memref<256x16xf32, #tpu.memory_space<hbm>>
        tpu.wait_dma2 semaphore(%arg19 : memref<!tpu.dma_semaphore, #tpu.memory_space<semaphore_mem>>) src(%dma_wait3A_335 : memref<256x16xf32, #tpu.memory_space<hbm>>) dst(%arg9 : memref<256x16xf32, #tpu.memory_space<vmem>>)
        %dma_wait3A_336 = arith.constant 0 : i32
        %dma_wait3A_337 = arith.constant 0 : i32
        %dma_wait3A_338 = tpu.memref_slice %arg2[%dma_wait3A_336, %dma_wait3A_337] : memref<10240x16xf32, #tpu.memory_space<hbm>> -> memref<256x16xf32, #tpu.memory_space<hbm>>
        %dma_wait3A_339 = arith.constant 0 : i32
        %dma_wait3A_340 = arith.constant 0 : i32
        %dma_wait3A_341 = tpu.memref_slice %arg2[%dma_wait3A_339, %dma_wait3A_340] : memref<10240x16xf32, #tpu.memory_space<hbm>> -> memref<256x16xf32, #tpu.memory_space<hbm>>
        tpu.wait_dma2 semaphore(%arg19 : memref<!tpu.dma_semaphore, #tpu.memory_space<semaphore_mem>>) src(%dma_wait3A_341 : memref<256x16xf32, #tpu.memory_space<hbm>>) dst(%arg10 : memref<256x16xf32, #tpu.memory_space<vmem>>)
        %dma_wait3A_342 = arith.constant 0 : i32
        %dma_wait3A_343 = arith.constant 0 : i32
        %dma_wait3A_344 = tpu.memref_slice %arg2[%dma_wait3A_342, %dma_wait3A_343] : memref<10240x16xf32, #tpu.memory_space<hbm>> -> memref<256x16xf32, #tpu.memory_space<hbm>>
        %dma_wait3A_345 = arith.constant 0 : i32
        %dma_wait3A_346 = arith.constant 0 : i32
        %dma_wait3A_347 = tpu.memref_slice %arg2[%dma_wait3A_345, %dma_wait3A_346] : memref<10240x16xf32, #tpu.memory_space<hbm>> -> memref<256x16xf32, #tpu.memory_space<hbm>>
        tpu.wait_dma2 semaphore(%arg19 : memref<!tpu.dma_semaphore, #tpu.memory_space<semaphore_mem>>) src(%dma_wait3A_347 : memref<256x16xf32, #tpu.memory_space<hbm>>) dst(%arg11 : memref<256x16xf32, #tpu.memory_space<vmem>>)
        %dma_wait3A_348 = arith.constant 0 : i32
        %dma_wait3A_349 = arith.constant 0 : i32
        %dma_wait3A_350 = tpu.memref_slice %arg2[%dma_wait3A_348, %dma_wait3A_349] : memref<10240x16xf32, #tpu.memory_space<hbm>> -> memref<256x16xf32, #tpu.memory_space<hbm>>
        %dma_wait3A_351 = arith.constant 0 : i32
        %dma_wait3A_352 = arith.constant 0 : i32
        %dma_wait3A_353 = tpu.memref_slice %arg2[%dma_wait3A_351, %dma_wait3A_352] : memref<10240x16xf32, #tpu.memory_space<hbm>> -> memref<256x16xf32, #tpu.memory_space<hbm>>
        tpu.wait_dma2 semaphore(%arg19 : memref<!tpu.dma_semaphore, #tpu.memory_space<semaphore_mem>>) src(%dma_wait3A_353 : memref<256x16xf32, #tpu.memory_space<hbm>>) dst(%arg12 : memref<256x16xf32, #tpu.memory_space<vmem>>)
      } else {
      }
      %add3A_259 = arith.constant 1 : i32
      %add3A_260 = arith.addi %add3A_253, %add3A_259 : i32
      %lt3A_261 = arith.constant 20 : i32
      %lt3A_262 = arith.cmpi slt, %add3A_260, %lt3A_261 : i32
      %convert_element_type3A_263 = arith.extui %lt3A_262 : i1 to i32
      %cond3A_264 = arith.constant 0 : i32
      %cond3A_265 = arith.cmpi ne, %convert_element_type3A_263, %cond3A_264 : i32
      scf.if %cond3A_265 {
        %add3A_330 = arith.constant 1 : i32
        %add3A_331 = arith.addi %add3A_253, %add3A_330 : i32
        %mul3A_332 = arith.constant 4 : i32
        %mul3A_333 = arith.muli %add3A_331, %mul3A_332 : i32
        %add3A_334 = arith.constant 0 : i32
        %add3A_335 = arith.addi %mul3A_333, %add3A_334 : i32
        %dma_start3A_336 = arith.constant 0 : i32
        %dma_start3A_337 = tpu.memref_slice %arg7[%add3A_335, %dma_start3A_336] : memref<80x256xi32, #tpu.memory_space<vmem>> -> memref<1x256xi32, #tpu.memory_space<vmem>>
        %dma_start3A_338 = tpu.memref_squeeze %dma_start3A_337 : memref<1x256xi32, #tpu.memory_space<vmem>> -> memref<256xi32, #tpu.memory_space<vmem>>
        %dma_start3A_339 = arith.constant 0 : i32
        %dma_start3A_340 = arith.constant 0 : i32
        %dma_start3A_341 = tpu.memref_slice %arg2[%dma_start3A_339, %dma_start3A_340] : memref<10240x16xf32, #tpu.memory_space<hbm>> -> memref<10240x16xf32, #tpu.memory_space<hbm>>
        tpu.enqueue_indirect_dma source(%dma_start3A_341 : memref<10240x16xf32, #tpu.memory_space<hbm>>) target(%arg9 : memref<256x16xf32, #tpu.memory_space<vmem>>) offsets(%dma_start3A_338 : memref<256xi32, #tpu.memory_space<vmem>>) semaphore(%arg17 : memref<!tpu.dma_semaphore, #tpu.memory_space<semaphore_mem>>)
        %mul3A_342 = arith.constant 4 : i32
        %mul3A_343 = arith.muli %add3A_331, %mul3A_342 : i32
        %add3A_344 = arith.constant 1 : i32
        %add3A_345 = arith.addi %mul3A_343, %add3A_344 : i32
        %dma_start3A_346 = arith.constant 0 : i32
        %dma_start3A_347 = tpu.memref_slice %arg7[%add3A_345, %dma_start3A_346] : memref<80x256xi32, #tpu.memory_space<vmem>> -> memref<1x256xi32, #tpu.memory_space<vmem>>
        %dma_start3A_348 = tpu.memref_squeeze %dma_start3A_347 : memref<1x256xi32, #tpu.memory_space<vmem>> -> memref<256xi32, #tpu.memory_space<vmem>>
        %dma_start3A_349 = arith.constant 0 : i32
        %dma_start3A_350 = arith.constant 0 : i32
        %dma_start3A_351 = tpu.memref_slice %arg2[%dma_start3A_349, %dma_start3A_350] : memref<10240x16xf32, #tpu.memory_space<hbm>> -> memref<10240x16xf32, #tpu.memory_space<hbm>>
        tpu.enqueue_indirect_dma source(%dma_start3A_351 : memref<10240x16xf32, #tpu.memory_space<hbm>>) target(%arg10 : memref<256x16xf32, #tpu.memory_space<vmem>>) offsets(%dma_start3A_348 : memref<256xi32, #tpu.memory_space<vmem>>) semaphore(%arg17 : memref<!tpu.dma_semaphore, #tpu.memory_space<semaphore_mem>>)
        %mul3A_352 = arith.constant 4 : i32
        %mul3A_353 = arith.muli %add3A_331, %mul3A_352 : i32
        %add3A_354 = arith.constant 2 : i32
        %add3A_355 = arith.addi %mul3A_353, %add3A_354 : i32
        %dma_start3A_356 = arith.constant 0 : i32
        %dma_start3A_357 = tpu.memref_slice %arg7[%add3A_355, %dma_start3A_356] : memref<80x256xi32, #tpu.memory_space<vmem>> -> memref<1x256xi32, #tpu.memory_space<vmem>>
        %dma_start3A_358 = tpu.memref_squeeze %dma_start3A_357 : memref<1x256xi32, #tpu.memory_space<vmem>> -> memref<256xi32, #tpu.memory_space<vmem>>
        %dma_start3A_359 = arith.constant 0 : i32
        %dma_start3A_360 = arith.constant 0 : i32
        %dma_start3A_361 = tpu.memref_slice %arg2[%dma_start3A_359, %dma_start3A_360] : memref<10240x16xf32, #tpu.memory_space<hbm>> -> memref<10240x16xf32, #tpu.memory_space<hbm>>
        tpu.enqueue_indirect_dma source(%dma_start3A_361 : memref<10240x16xf32, #tpu.memory_space<hbm>>) target(%arg11 : memref<256x16xf32, #tpu.memory_space<vmem>>) offsets(%dma_start3A_358 : memref<256xi32, #tpu.memory_space<vmem>>) semaphore(%arg17 : memref<!tpu.dma_semaphore, #tpu.memory_space<semaphore_mem>>)
        %mul3A_362 = arith.constant 4 : i32
        %mul3A_363 = arith.muli %add3A_331, %mul3A_362 : i32
        %add3A_364 = arith.constant 3 : i32
        %add3A_365 = arith.addi %mul3A_363, %add3A_364 : i32
        %dma_start3A_366 = arith.constant 0 : i32
        %dma_start3A_367 = tpu.memref_slice %arg7[%add3A_365, %dma_start3A_366] : memref<80x256xi32, #tpu.memory_space<vmem>> -> memref<1x256xi32, #tpu.memory_space<vmem>>
        %dma_start3A_368 = tpu.memref_squeeze %dma_start3A_367 : memref<1x256xi32, #tpu.memory_space<vmem>> -> memref<256xi32, #tpu.memory_space<vmem>>
        %dma_start3A_369 = arith.constant 0 : i32
        %dma_start3A_370 = arith.constant 0 : i32
        %dma_start3A_371 = tpu.memref_slice %arg2[%dma_start3A_369, %dma_start3A_370] : memref<10240x16xf32, #tpu.memory_space<hbm>> -> memref<10240x16xf32, #tpu.memory_space<hbm>>
        tpu.enqueue_indirect_dma source(%dma_start3A_371 : memref<10240x16xf32, #tpu.memory_space<hbm>>) target(%arg12 : memref<256x16xf32, #tpu.memory_space<vmem>>) offsets(%dma_start3A_368 : memref<256xi32, #tpu.memory_space<vmem>>) semaphore(%arg17 : memref<!tpu.dma_semaphore, #tpu.memory_space<semaphore_mem>>)
      } else {
      }
      %dma_wait3A_266 = arith.constant 0 : i32
      %dma_wait3A_267 = arith.constant 0 : i32
      %dma_wait3A_268 = tpu.memref_slice %arg2[%dma_wait3A_266, %dma_wait3A_267] : memref<10240x16xf32, #tpu.memory_space<hbm>> -> memref<256x16xf32, #tpu.memory_space<hbm>>
      %dma_wait3A_269 = arith.constant 0 : i32
      %dma_wait3A_270 = arith.constant 0 : i32
      %dma_wait3A_271 = tpu.memref_slice %arg2[%dma_wait3A_269, %dma_wait3A_270] : memref<10240x16xf32, #tpu.memory_space<hbm>> -> memref<256x16xf32, #tpu.memory_space<hbm>>
      tpu.wait_dma2 semaphore(%arg18 : memref<!tpu.dma_semaphore, #tpu.memory_space<semaphore_mem>>) src(%dma_wait3A_271 : memref<256x16xf32, #tpu.memory_space<hbm>>) dst(%arg13 : memref<256x16xf32, #tpu.memory_space<vmem>>)
      %dma_wait3A_272 = arith.constant 0 : i32
      %dma_wait3A_273 = arith.constant 0 : i32
      %dma_wait3A_274 = tpu.memref_slice %arg2[%dma_wait3A_272, %dma_wait3A_273] : memref<10240x16xf32, #tpu.memory_space<hbm>> -> memref<256x16xf32, #tpu.memory_space<hbm>>
      %dma_wait3A_275 = arith.constant 0 : i32
      %dma_wait3A_276 = arith.constant 0 : i32
      %dma_wait3A_277 = tpu.memref_slice %arg2[%dma_wait3A_275, %dma_wait3A_276] : memref<10240x16xf32, #tpu.memory_space<hbm>> -> memref<256x16xf32, #tpu.memory_space<hbm>>
      tpu.wait_dma2 semaphore(%arg18 : memref<!tpu.dma_semaphore, #tpu.memory_space<semaphore_mem>>) src(%dma_wait3A_277 : memref<256x16xf32, #tpu.memory_space<hbm>>) dst(%arg14 : memref<256x16xf32, #tpu.memory_space<vmem>>)
      %dma_wait3A_278 = arith.constant 0 : i32
      %dma_wait3A_279 = arith.constant 0 : i32
      %dma_wait3A_280 = tpu.memref_slice %arg2[%dma_wait3A_278, %dma_wait3A_279] : memref<10240x16xf32, #tpu.memory_space<hbm>> -> memref<256x16xf32, #tpu.memory_space<hbm>>
      %dma_wait3A_281 = arith.constant 0 : i32
      %dma_wait3A_282 = arith.constant 0 : i32
      %dma_wait3A_283 = tpu.memref_slice %arg2[%dma_wait3A_281, %dma_wait3A_282] : memref<10240x16xf32, #tpu.memory_space<hbm>> -> memref<256x16xf32, #tpu.memory_space<hbm>>
      tpu.wait_dma2 semaphore(%arg18 : memref<!tpu.dma_semaphore, #tpu.memory_space<semaphore_mem>>) src(%dma_wait3A_283 : memref<256x16xf32, #tpu.memory_space<hbm>>) dst(%arg15 : memref<256x16xf32, #tpu.memory_space<vmem>>)
      %dma_wait3A_284 = arith.constant 0 : i32
      %dma_wait3A_285 = arith.constant 0 : i32
      %dma_wait3A_286 = tpu.memref_slice %arg2[%dma_wait3A_284, %dma_wait3A_285] : memref<10240x16xf32, #tpu.memory_space<hbm>> -> memref<256x16xf32, #tpu.memory_space<hbm>>
      %dma_wait3A_287 = arith.constant 0 : i32
      %dma_wait3A_288 = arith.constant 0 : i32
      %dma_wait3A_289 = tpu.memref_slice %arg2[%dma_wait3A_287, %dma_wait3A_288] : memref<10240x16xf32, #tpu.memory_space<hbm>> -> memref<256x16xf32, #tpu.memory_space<hbm>>
      tpu.wait_dma2 semaphore(%arg18 : memref<!tpu.dma_semaphore, #tpu.memory_space<semaphore_mem>>) src(%dma_wait3A_289 : memref<256x16xf32, #tpu.memory_space<hbm>>) dst(%arg16 : memref<256x16xf32, #tpu.memory_space<vmem>>)
      %mul3A_290 = arith.constant 4 : i32
      %mul3A_291 = arith.muli %add3A_253, %mul3A_290 : i32
      %add3A_292 = arith.constant 0 : i32
      %add3A_293 = arith.addi %mul3A_291, %add3A_292 : i32
      %dma_start3A_294 = arith.constant 0 : i32
      %dma_start3A_295 = tpu.memref_slice %arg8[%add3A_293, %dma_start3A_294] : memref<80x256xi32, #tpu.memory_space<vmem>> -> memref<1x256xi32, #tpu.memory_space<vmem>>
      %dma_start3A_296 = tpu.memref_squeeze %dma_start3A_295 : memref<1x256xi32, #tpu.memory_space<vmem>> -> memref<256xi32, #tpu.memory_space<vmem>>
      %dma_start3A_297 = arith.constant 0 : i32
      %dma_start3A_298 = arith.constant 0 : i32
      %dma_start3A_299 = tpu.memref_slice %arg23[%dma_start3A_297, %dma_start3A_298] : memref<10240x16xf32, #tpu.memory_space<vmem_shared>> -> memref<10240x16xf32, #tpu.memory_space<vmem_shared>>
      tpu.enqueue_indirect_dma source(%arg13 : memref<256x16xf32, #tpu.memory_space<vmem>>) target(%dma_start3A_299 : memref<10240x16xf32, #tpu.memory_space<vmem_shared>>) offsets(%dma_start3A_296 : memref<256xi32, #tpu.memory_space<vmem>>) semaphore(%arg20 : memref<!tpu.dma_semaphore, #tpu.memory_space<semaphore_mem>>) {add = true}
      %mul3A_300 = arith.constant 4 : i32
      %mul3A_301 = arith.muli %add3A_253, %mul3A_300 : i32
      %add3A_302 = arith.constant 1 : i32
      %add3A_303 = arith.addi %mul3A_301, %add3A_302 : i32
      %dma_start3A_304 = arith.constant 0 : i32
      %dma_start3A_305 = tpu.memref_slice %arg8[%add3A_303, %dma_start3A_304] : memref<80x256xi32, #tpu.memory_space<vmem>> -> memref<1x256xi32, #tpu.memory_space<vmem>>
      %dma_start3A_306 = tpu.memref_squeeze %dma_start3A_305 : memref<1x256xi32, #tpu.memory_space<vmem>> -> memref<256xi32, #tpu.memory_space<vmem>>
      %dma_start3A_307 = arith.constant 0 : i32
      %dma_start3A_308 = arith.constant 0 : i32
      %dma_start3A_309 = tpu.memref_slice %arg23[%dma_start3A_307, %dma_start3A_308] : memref<10240x16xf32, #tpu.memory_space<vmem_shared>> -> memref<10240x16xf32, #tpu.memory_space<vmem_shared>>
      tpu.enqueue_indirect_dma source(%arg14 : memref<256x16xf32, #tpu.memory_space<vmem>>) target(%dma_start3A_309 : memref<10240x16xf32, #tpu.memory_space<vmem_shared>>) offsets(%dma_start3A_306 : memref<256xi32, #tpu.memory_space<vmem>>) semaphore(%arg20 : memref<!tpu.dma_semaphore, #tpu.memory_space<semaphore_mem>>) {add = true}
      %mul3A_310 = arith.constant 4 : i32
      %mul3A_311 = arith.muli %add3A_253, %mul3A_310 : i32
      %add3A_312 = arith.constant 2 : i32
      %add3A_313 = arith.addi %mul3A_311, %add3A_312 : i32
      %dma_start3A_314 = arith.constant 0 : i32
      %dma_start3A_315 = tpu.memref_slice %arg8[%add3A_313, %dma_start3A_314] : memref<80x256xi32, #tpu.memory_space<vmem>> -> memref<1x256xi32, #tpu.memory_space<vmem>>
      %dma_start3A_316 = tpu.memref_squeeze %dma_start3A_315 : memref<1x256xi32, #tpu.memory_space<vmem>> -> memref<256xi32, #tpu.memory_space<vmem>>
      %dma_start3A_317 = arith.constant 0 : i32
      %dma_start3A_318 = arith.constant 0 : i32
      %dma_start3A_319 = tpu.memref_slice %arg23[%dma_start3A_317, %dma_start3A_318] : memref<10240x16xf32, #tpu.memory_space<vmem_shared>> -> memref<10240x16xf32, #tpu.memory_space<vmem_shared>>
      tpu.enqueue_indirect_dma source(%arg15 : memref<256x16xf32, #tpu.memory_space<vmem>>) target(%dma_start3A_319 : memref<10240x16xf32, #tpu.memory_space<vmem_shared>>) offsets(%dma_start3A_316 : memref<256xi32, #tpu.memory_space<vmem>>) semaphore(%arg20 : memref<!tpu.dma_semaphore, #tpu.memory_space<semaphore_mem>>) {add = true}
      %mul3A_320 = arith.constant 4 : i32
      %mul3A_321 = arith.muli %add3A_253, %mul3A_320 : i32
      %add3A_322 = arith.constant 3 : i32
      %add3A_323 = arith.addi %mul3A_321, %add3A_322 : i32
      %dma_start3A_324 = arith.constant 0 : i32
      %dma_start3A_325 = tpu.memref_slice %arg8[%add3A_323, %dma_start3A_324] : memref<80x256xi32, #tpu.memory_space<vmem>> -> memref<1x256xi32, #tpu.memory_space<vmem>>
      %dma_start3A_326 = tpu.memref_squeeze %dma_start3A_325 : memref<1x256xi32, #tpu.memory_space<vmem>> -> memref<256xi32, #tpu.memory_space<vmem>>
      %dma_start3A_327 = arith.constant 0 : i32
      %dma_start3A_328 = arith.constant 0 : i32
      %dma_start3A_329 = tpu.memref_slice %arg23[%dma_start3A_327, %dma_start3A_328] : memref<10240x16xf32, #tpu.memory_space<vmem_shared>> -> memref<10240x16xf32, #tpu.memory_space<vmem_shared>>
      tpu.enqueue_indirect_dma source(%arg16 : memref<256x16xf32, #tpu.memory_space<vmem>>) target(%dma_start3A_329 : memref<10240x16xf32, #tpu.memory_space<vmem_shared>>) offsets(%dma_start3A_326 : memref<256xi32, #tpu.memory_space<vmem>>) semaphore(%arg20 : memref<!tpu.dma_semaphore, #tpu.memory_space<semaphore_mem>>) {add = true}
    }
    %scan3A_75 = arith.constant 10 : i32
    %dma_wait3A_76 = arith.constant 0 : i32
    %dma_wait3A_77 = arith.constant 0 : i32
    %dma_wait3A_78 = tpu.memref_slice %arg2[%dma_wait3A_76, %dma_wait3A_77] : memref<10240x16xf32, #tpu.memory_space<hbm>> -> memref<256x16xf32, #tpu.memory_space<hbm>>
    %dma_wait3A_79 = arith.constant 0 : i32
    %dma_wait3A_80 = arith.constant 0 : i32
    %dma_wait3A_81 = tpu.memref_slice %arg2[%dma_wait3A_79, %dma_wait3A_80] : memref<10240x16xf32, #tpu.memory_space<hbm>> -> memref<256x16xf32, #tpu.memory_space<hbm>>
    tpu.wait_dma2 semaphore(%arg20 : memref<!tpu.dma_semaphore, #tpu.memory_space<semaphore_mem>>) src(%dma_wait3A_81 : memref<256x16xf32, #tpu.memory_space<hbm>>) dst(%arg13 : memref<256x16xf32, #tpu.memory_space<vmem>>)
    %dma_wait3A_82 = arith.constant 0 : i32
    %dma_wait3A_83 = arith.constant 0 : i32
    %dma_wait3A_84 = tpu.memref_slice %arg2[%dma_wait3A_82, %dma_wait3A_83] : memref<10240x16xf32, #tpu.memory_space<hbm>> -> memref<256x16xf32, #tpu.memory_space<hbm>>
    %dma_wait3A_85 = arith.constant 0 : i32
    %dma_wait3A_86 = arith.constant 0 : i32
    %dma_wait3A_87 = tpu.memref_slice %arg2[%dma_wait3A_85, %dma_wait3A_86] : memref<10240x16xf32, #tpu.memory_space<hbm>> -> memref<256x16xf32, #tpu.memory_space<hbm>>
    tpu.wait_dma2 semaphore(%arg20 : memref<!tpu.dma_semaphore, #tpu.memory_space<semaphore_mem>>) src(%dma_wait3A_87 : memref<256x16xf32, #tpu.memory_space<hbm>>) dst(%arg14 : memref<256x16xf32, #tpu.memory_space<vmem>>)
    %dma_wait3A_88 = arith.constant 0 : i32
    %dma_wait3A_89 = arith.constant 0 : i32
    %dma_wait3A_90 = tpu.memref_slice %arg2[%dma_wait3A_88, %dma_wait3A_89] : memref<10240x16xf32, #tpu.memory_space<hbm>> -> memref<256x16xf32, #tpu.memory_space<hbm>>
    %dma_wait3A_91 = arith.constant 0 : i32
    %dma_wait3A_92 = arith.constant 0 : i32
    %dma_wait3A_93 = tpu.memref_slice %arg2[%dma_wait3A_91, %dma_wait3A_92] : memref<10240x16xf32, #tpu.memory_space<hbm>> -> memref<256x16xf32, #tpu.memory_space<hbm>>
    tpu.wait_dma2 semaphore(%arg20 : memref<!tpu.dma_semaphore, #tpu.memory_space<semaphore_mem>>) src(%dma_wait3A_93 : memref<256x16xf32, #tpu.memory_space<hbm>>) dst(%arg15 : memref<256x16xf32, #tpu.memory_space<vmem>>)
    %dma_wait3A_94 = arith.constant 0 : i32
    %dma_wait3A_95 = arith.constant 0 : i32
    %dma_wait3A_96 = tpu.memref_slice %arg2[%dma_wait3A_94, %dma_wait3A_95] : memref<10240x16xf32, #tpu.memory_space<hbm>> -> memref<256x16xf32, #tpu.memory_space<hbm>>
    %dma_wait3A_97 = arith.constant 0 : i32
    %dma_wait3A_98 = arith.constant 0 : i32
    %dma_wait3A_99 = tpu.memref_slice %arg2[%dma_wait3A_97, %dma_wait3A_98] : memref<10240x16xf32, #tpu.memory_space<hbm>> -> memref<256x16xf32, #tpu.memory_space<hbm>>
    tpu.wait_dma2 semaphore(%arg20 : memref<!tpu.dma_semaphore, #tpu.memory_space<semaphore_mem>>) src(%dma_wait3A_99 : memref<256x16xf32, #tpu.memory_space<hbm>>) dst(%arg16 : memref<256x16xf32, #tpu.memory_space<vmem>>)
    %barrier3A_100 = arith.constant 0 : index
    tpu.barrier barrier_id(%barrier3A_100)
    %mul3A_101 = arith.constant 640 : i32
    %mul3A_102 = arith.muli %arg1, %mul3A_101 : i32
    %add3A_103 = arith.constant 0 : i32
    %add3A_104 = arith.addi %mul3A_102, %add3A_103 : i32
    %dma_start3A_105 = arith.constant 0 : i32
    %dma_start3A_106 = tpu.memref_slice %arg6[%arg0, %add3A_104, %dma_start3A_105] : memref<2x10240x16xf32, #tpu.memory_space<hbm>> -> memref<1x160x16xf32, #tpu.memory_space<hbm>>
    %dma_start3A_107 = tpu.memref_squeeze %dma_start3A_106 : memref<1x160x16xf32, #tpu.memory_space<hbm>> -> memref<160x16xf32, #tpu.memory_space<hbm>>
    %dma_start3A_108 = arith.constant 0 : i32
    %dma_start3A_109 = tpu.memref_slice %arg23[%add3A_104, %dma_start3A_108] : memref<10240x16xf32, #tpu.memory_space<vmem_shared>> -> memref<160x16xf32, #tpu.memory_space<vmem_shared>>
    tpu.enqueue_dma source(%dma_start3A_109 : memref<160x16xf32, #tpu.memory_space<vmem_shared>>) target(%dma_start3A_107 : memref<160x16xf32, #tpu.memory_space<hbm>>) target_semaphore(%arg22 : memref<!tpu.dma_semaphore, #tpu.memory_space<semaphore_mem>>)
    %mul3A_110 = arith.constant 640 : i32
    %mul3A_111 = arith.muli %arg1, %mul3A_110 : i32
    %add3A_112 = arith.constant 160 : i32
    %add3A_113 = arith.addi %mul3A_111, %add3A_112 : i32
    %dma_start3A_114 = arith.constant 0 : i32
    %dma_start3A_115 = tpu.memref_slice %arg6[%arg0, %add3A_113, %dma_start3A_114] : memref<2x10240x16xf32, #tpu.memory_space<hbm>> -> memref<1x160x16xf32, #tpu.memory_space<hbm>>
    %dma_start3A_116 = tpu.memref_squeeze %dma_start3A_115 : memref<1x160x16xf32, #tpu.memory_space<hbm>> -> memref<160x16xf32, #tpu.memory_space<hbm>>
    %dma_start3A_117 = arith.constant 0 : i32
    %dma_start3A_118 = tpu.memref_slice %arg23[%add3A_113, %dma_start3A_117] : memref<10240x16xf32, #tpu.memory_space<vmem_shared>> -> memref<160x16xf32, #tpu.memory_space<vmem_shared>>
    tpu.enqueue_dma source(%dma_start3A_118 : memref<160x16xf32, #tpu.memory_space<vmem_shared>>) target(%dma_start3A_116 : memref<160x16xf32, #tpu.memory_space<hbm>>) target_semaphore(%arg22 : memref<!tpu.dma_semaphore, #tpu.memory_space<semaphore_mem>>)
    %mul3A_119 = arith.constant 640 : i32
    %mul3A_120 = arith.muli %arg1, %mul3A_119 : i32
    %add3A_121 = arith.constant 320 : i32
    %add3A_122 = arith.addi %mul3A_120, %add3A_121 : i32
    %dma_start3A_123 = arith.constant 0 : i32
    %dma_start3A_124 = tpu.memref_slice %arg6[%arg0, %add3A_122, %dma_start3A_123] : memref<2x10240x16xf32, #tpu.memory_space<hbm>> -> memref<1x160x16xf32, #tpu.memory_space<hbm>>
    %dma_start3A_125 = tpu.memref_squeeze %dma_start3A_124 : memref<1x160x16xf32, #tpu.memory_space<hbm>> -> memref<160x16xf32, #tpu.memory_space<hbm>>
    %dma_start3A_126 = arith.constant 0 : i32
    %dma_start3A_127 = tpu.memref_slice %arg23[%add3A_122, %dma_start3A_126] : memref<10240x16xf32, #tpu.memory_space<vmem_shared>> -> memref<160x16xf32, #tpu.memory_space<vmem_shared>>
    tpu.enqueue_dma source(%dma_start3A_127 : memref<160x16xf32, #tpu.memory_space<vmem_shared>>) target(%dma_start3A_125 : memref<160x16xf32, #tpu.memory_space<hbm>>) target_semaphore(%arg22 : memref<!tpu.dma_semaphore, #tpu.memory_space<semaphore_mem>>)
    %mul3A_128 = arith.constant 640 : i32
    %mul3A_129 = arith.muli %arg1, %mul3A_128 : i32
    %add3A_130 = arith.constant 480 : i32
    %add3A_131 = arith.addi %mul3A_129, %add3A_130 : i32
    %dma_start3A_132 = arith.constant 0 : i32
    %dma_start3A_133 = tpu.memref_slice %arg6[%arg0, %add3A_131, %dma_start3A_132] : memref<2x10240x16xf32, #tpu.memory_space<hbm>> -> memref<1x160x16xf32, #tpu.memory_space<hbm>>
    %dma_start3A_134 = tpu.memref_squeeze %dma_start3A_133 : memref<1x160x16xf32, #tpu.memory_space<hbm>> -> memref<160x16xf32, #tpu.memory_space<hbm>>
    %dma_start3A_135 = arith.constant 0 : i32
    %dma_start3A_136 = tpu.memref_slice %arg23[%add3A_131, %dma_start3A_135] : memref<10240x16xf32, #tpu.memory_space<vmem_shared>> -> memref<160x16xf32, #tpu.memory_space<vmem_shared>>
    tpu.enqueue_dma source(%dma_start3A_136 : memref<160x16xf32, #tpu.memory_space<vmem_shared>>) target(%dma_start3A_134 : memref<160x16xf32, #tpu.memory_space<hbm>>) target_semaphore(%arg22 : memref<!tpu.dma_semaphore, #tpu.memory_space<semaphore_mem>>)
    %mul3A_137 = arith.constant 640 : i32
    %mul3A_138 = arith.muli %arg1, %mul3A_137 : i32
    %add3A_139 = arith.constant 0 : i32
    %add3A_140 = arith.addi %mul3A_138, %add3A_139 : i32
    %dma_wait3A_141 = arith.constant 0 : i32
    %dma_wait3A_142 = tpu.memref_slice %arg6[%arg0, %add3A_140, %dma_wait3A_141] : memref<2x10240x16xf32, #tpu.memory_space<hbm>> -> memref<1x160x16xf32, #tpu.memory_space<hbm>>
    %dma_wait3A_143 = tpu.memref_squeeze %dma_wait3A_142 : memref<1x160x16xf32, #tpu.memory_space<hbm>> -> memref<160x16xf32, #tpu.memory_space<hbm>>
    %dma_wait3A_144 = arith.constant 0 : i32
    %dma_wait3A_145 = tpu.memref_slice %arg23[%add3A_140, %dma_wait3A_144] : memref<10240x16xf32, #tpu.memory_space<vmem_shared>> -> memref<160x16xf32, #tpu.memory_space<vmem_shared>>
    tpu.wait_dma2 semaphore(%arg22 : memref<!tpu.dma_semaphore, #tpu.memory_space<semaphore_mem>>) src(%dma_wait3A_145 : memref<160x16xf32, #tpu.memory_space<vmem_shared>>) dst(%dma_wait3A_143 : memref<160x16xf32, #tpu.memory_space<hbm>>)
    %mul3A_146 = arith.constant 640 : i32
    %mul3A_147 = arith.muli %arg1, %mul3A_146 : i32
    %add3A_148 = arith.constant 160 : i32
    %add3A_149 = arith.addi %mul3A_147, %add3A_148 : i32
    %dma_wait3A_150 = arith.constant 0 : i32
    %dma_wait3A_151 = tpu.memref_slice %arg6[%arg0, %add3A_149, %dma_wait3A_150] : memref<2x10240x16xf32, #tpu.memory_space<hbm>> -> memref<1x160x16xf32, #tpu.memory_space<hbm>>
    %dma_wait3A_152 = tpu.memref_squeeze %dma_wait3A_151 : memref<1x160x16xf32, #tpu.memory_space<hbm>> -> memref<160x16xf32, #tpu.memory_space<hbm>>
    %dma_wait3A_153 = arith.constant 0 : i32
    %dma_wait3A_154 = tpu.memref_slice %arg23[%add3A_149, %dma_wait3A_153] : memref<10240x16xf32, #tpu.memory_space<vmem_shared>> -> memref<160x16xf32, #tpu.memory_space<vmem_shared>>
    tpu.wait_dma2 semaphore(%arg22 : memref<!tpu.dma_semaphore, #tpu.memory_space<semaphore_mem>>) src(%dma_wait3A_154 : memref<160x16xf32, #tpu.memory_space<vmem_shared>>) dst(%dma_wait3A_152 : memref<160x16xf32, #tpu.memory_space<hbm>>)
    %mul3A_155 = arith.constant 640 : i32
    %mul3A_156 = arith.muli %arg1, %mul3A_155 : i32
    %add3A_157 = arith.constant 320 : i32
    %add3A_158 = arith.addi %mul3A_156, %add3A_157 : i32
    %dma_wait3A_159 = arith.constant 0 : i32
    %dma_wait3A_160 = tpu.memref_slice %arg6[%arg0, %add3A_158, %dma_wait3A_159] : memref<2x10240x16xf32, #tpu.memory_space<hbm>> -> memref<1x160x16xf32, #tpu.memory_space<hbm>>
    %dma_wait3A_161 = tpu.memref_squeeze %dma_wait3A_160 : memref<1x160x16xf32, #tpu.memory_space<hbm>> -> memref<160x16xf32, #tpu.memory_space<hbm>>
    %dma_wait3A_162 = arith.constant 0 : i32
    %dma_wait3A_163 = tpu.memref_slice %arg23[%add3A_158, %dma_wait3A_162] : memref<10240x16xf32, #tpu.memory_space<vmem_shared>> -> memref<160x16xf32, #tpu.memory_space<vmem_shared>>
    tpu.wait_dma2 semaphore(%arg22 : memref<!tpu.dma_semaphore, #tpu.memory_space<semaphore_mem>>) src(%dma_wait3A_163 : memref<160x16xf32, #tpu.memory_space<vmem_shared>>) dst(%dma_wait3A_161 : memref<160x16xf32, #tpu.memory_space<hbm>>)
    %mul3A_164 = arith.constant 640 : i32
    %mul3A_165 = arith.muli %arg1, %mul3A_164 : i32
    %add3A_166 = arith.constant 480 : i32
    %add3A_167 = arith.addi %mul3A_165, %add3A_166 : i32
    %dma_wait3A_168 = arith.constant 0 : i32
    %dma_wait3A_169 = tpu.memref_slice %arg6[%arg0, %add3A_167, %dma_wait3A_168] : memref<2x10240x16xf32, #tpu.memory_space<hbm>> -> memref<1x160x16xf32, #tpu.memory_space<hbm>>
    %dma_wait3A_170 = tpu.memref_squeeze %dma_wait3A_169 : memref<1x160x16xf32, #tpu.memory_space<hbm>> -> memref<160x16xf32, #tpu.memory_space<hbm>>
    %dma_wait3A_171 = arith.constant 0 : i32
    %dma_wait3A_172 = tpu.memref_slice %arg23[%add3A_167, %dma_wait3A_171] : memref<10240x16xf32, #tpu.memory_space<vmem_shared>> -> memref<160x16xf32, #tpu.memory_space<vmem_shared>>
    tpu.wait_dma2 semaphore(%arg22 : memref<!tpu.dma_semaphore, #tpu.memory_space<semaphore_mem>>) src(%dma_wait3A_172 : memref<160x16xf32, #tpu.memory_space<vmem_shared>>) dst(%dma_wait3A_170 : memref<160x16xf32, #tpu.memory_space<hbm>>)
    return
  }
}

#map = affine_map<(d0, d1) -> (0, 0)>
#map1 = affine_map<(d0, d1) -> (0, 0, 0)>
module attributes {stable_mosaic.version = 14 : i64} {
  func.func @body(%arg0: i32, %arg1: i32, %arg2: memref<10240x64xf32, #tpu.memory_space<hbm>>, %arg3: memref<10240x64xf32, #tpu.memory_space<hbm>>, %arg4: memref<32x80x256xi32, #tpu.memory_space<hbm>>, %arg5: memref<32x80x256xi32, #tpu.memory_space<hbm>>, %arg6: memref<2x10240x64xf32, #tpu.memory_space<hbm>>, %arg7: memref<80x256xi32, #tpu.memory_space<vmem>>, %arg8: memref<80x256xi32, #tpu.memory_space<vmem>>, %arg9: memref<256x64xf32, #tpu.memory_space<vmem>>, %arg10: memref<256x64xf32, #tpu.memory_space<vmem>>, %arg11: memref<!tpu.dma_semaphore, #tpu.memory_space<semaphore_mem>>, %arg12: memref<!tpu.dma_semaphore, #tpu.memory_space<semaphore_mem>>, %arg13: memref<!tpu.dma_semaphore, #tpu.memory_space<semaphore_mem>>, %arg14: memref<!tpu.dma_semaphore, #tpu.memory_space<semaphore_mem>>, %arg15: memref<!tpu.dma_semaphore, #tpu.memory_space<semaphore_mem>>, %arg16: memref<!tpu.dma_semaphore, #tpu.memory_space<semaphore_mem>>, %arg17: memref<10240x64xf32, #tpu.memory_space<vmem_shared>>) attributes {dimension_semantics = [#tpu.dimension_semantics<core_parallel>, #tpu.dimension_semantics<subcore_parallel>], iteration_bounds = array<i64: 2, 16>, scalar_prefetch = 0 : i64, scratch_operands = 11 : i64, tpu.core_type = #tpu.core_type<sc_vector_subcore>, window_params = [{transform_indices = #map}, {transform_indices = #map}, {transform_indices = #map1}, {transform_indices = #map1}, {transform_indices = #map1}]} {
    %mul3A = arith.constant 2 : i32
    %mul3A_0 = arith.muli %arg1, %mul3A : i32
    %add3A = arith.addi %mul3A_0, %arg0 : i32
    %mul3A_1 = arith.constant 640 : i32
    %mul3A_2 = arith.muli %arg1, %mul3A_1 : i32
    %dma_start3A = arith.constant 0 : i32
    %dma_start3A_3 = arith.constant 0 : i32
    %dma_start3A_4 = tpu.memref_slice %arg4[%add3A, %dma_start3A, %dma_start3A_3] : memref<32x80x256xi32, #tpu.memory_space<hbm>> -> memref<1x80x256xi32, #tpu.memory_space<hbm>>
    %dma_start3A_5 = tpu.memref_squeeze %dma_start3A_4 : memref<1x80x256xi32, #tpu.memory_space<hbm>> -> memref<80x256xi32, #tpu.memory_space<hbm>>
    %dma_start3A_6 = arith.constant 0 : i32
    %dma_start3A_7 = arith.constant 0 : i32
    %dma_start3A_8 = tpu.memref_slice %arg4[%add3A, %dma_start3A_6, %dma_start3A_7] : memref<32x80x256xi32, #tpu.memory_space<hbm>> -> memref<1x80x256xi32, #tpu.memory_space<hbm>>
    %dma_start3A_9 = tpu.memref_squeeze %dma_start3A_8 : memref<1x80x256xi32, #tpu.memory_space<hbm>> -> memref<80x256xi32, #tpu.memory_space<hbm>>
    tpu.enqueue_dma source(%dma_start3A_9 : memref<80x256xi32, #tpu.memory_space<hbm>>) target(%arg7 : memref<80x256xi32, #tpu.memory_space<vmem>>) target_semaphore(%arg15 : memref<!tpu.dma_semaphore, #tpu.memory_space<semaphore_mem>>)
    %dma_start3A_10 = arith.constant 0 : i32
    %dma_start3A_11 = arith.constant 0 : i32
    %dma_start3A_12 = tpu.memref_slice %arg5[%add3A, %dma_start3A_10, %dma_start3A_11] : memref<32x80x256xi32, #tpu.memory_space<hbm>> -> memref<1x80x256xi32, #tpu.memory_space<hbm>>
    %dma_start3A_13 = tpu.memref_squeeze %dma_start3A_12 : memref<1x80x256xi32, #tpu.memory_space<hbm>> -> memref<80x256xi32, #tpu.memory_space<hbm>>
    %dma_start3A_14 = arith.constant 0 : i32
    %dma_start3A_15 = arith.constant 0 : i32
    %dma_start3A_16 = tpu.memref_slice %arg5[%add3A, %dma_start3A_14, %dma_start3A_15] : memref<32x80x256xi32, #tpu.memory_space<hbm>> -> memref<1x80x256xi32, #tpu.memory_space<hbm>>
    %dma_start3A_17 = tpu.memref_squeeze %dma_start3A_16 : memref<1x80x256xi32, #tpu.memory_space<hbm>> -> memref<80x256xi32, #tpu.memory_space<hbm>>
    tpu.enqueue_dma source(%dma_start3A_17 : memref<80x256xi32, #tpu.memory_space<hbm>>) target(%arg8 : memref<80x256xi32, #tpu.memory_space<vmem>>) target_semaphore(%arg15 : memref<!tpu.dma_semaphore, #tpu.memory_space<semaphore_mem>>)
    %eq3A = arith.constant 0 : i32
    %eq3A_18 = arith.cmpi eq, %arg0, %eq3A : i32
    %convert_element_type3A = arith.extui %eq3A_18 : i1 to i32
    %cond3A = arith.constant 0 : i32
    %cond3A_19 = arith.cmpi ne, %convert_element_type3A, %cond3A : i32
    scf.if %cond3A_19 {
      %dma_start3A_134 = arith.constant 0 : i32
      %dma_start3A_135 = tpu.memref_slice %arg17[%mul3A_2, %dma_start3A_134] : memref<10240x64xf32, #tpu.memory_space<vmem_shared>> -> memref<640x64xf32, #tpu.memory_space<vmem_shared>>
      %dma_start3A_136 = arith.constant 0 : i32
      %dma_start3A_137 = tpu.memref_slice %arg2[%mul3A_2, %dma_start3A_136] : memref<10240x64xf32, #tpu.memory_space<hbm>> -> memref<640x64xf32, #tpu.memory_space<hbm>>
      tpu.enqueue_dma source(%dma_start3A_137 : memref<640x64xf32, #tpu.memory_space<hbm>>) target(%dma_start3A_135 : memref<640x64xf32, #tpu.memory_space<vmem_shared>>) target_semaphore(%arg16 : memref<!tpu.dma_semaphore, #tpu.memory_space<semaphore_mem>>)
    } else {
    }
    %ne3A = arith.constant 0 : i32
    %ne3A_20 = arith.cmpi ne, %arg0, %ne3A : i32
    %convert_element_type3A_21 = arith.extui %ne3A_20 : i1 to i32
    %cond3A_22 = arith.constant 0 : i32
    %cond3A_23 = arith.cmpi ne, %convert_element_type3A_21, %cond3A_22 : i32
    scf.if %cond3A_23 {
      %dma_start3A_134 = arith.constant 0 : i32
      %dma_start3A_135 = tpu.memref_slice %arg17[%mul3A_2, %dma_start3A_134] : memref<10240x64xf32, #tpu.memory_space<vmem_shared>> -> memref<640x64xf32, #tpu.memory_space<vmem_shared>>
      %dma_start3A_136 = arith.constant 0 : i32
      %dma_start3A_137 = tpu.memref_slice %arg3[%mul3A_2, %dma_start3A_136] : memref<10240x64xf32, #tpu.memory_space<hbm>> -> memref<640x64xf32, #tpu.memory_space<hbm>>
      tpu.enqueue_dma source(%dma_start3A_137 : memref<640x64xf32, #tpu.memory_space<hbm>>) target(%dma_start3A_135 : memref<640x64xf32, #tpu.memory_space<vmem_shared>>) target_semaphore(%arg16 : memref<!tpu.dma_semaphore, #tpu.memory_space<semaphore_mem>>)
    } else {
    }
    %dma_wait3A = arith.constant 0 : i32
    %dma_wait3A_24 = arith.constant 0 : i32
    %dma_wait3A_25 = tpu.memref_slice %arg4[%add3A, %dma_wait3A, %dma_wait3A_24] : memref<32x80x256xi32, #tpu.memory_space<hbm>> -> memref<1x80x256xi32, #tpu.memory_space<hbm>>
    %dma_wait3A_26 = tpu.memref_squeeze %dma_wait3A_25 : memref<1x80x256xi32, #tpu.memory_space<hbm>> -> memref<80x256xi32, #tpu.memory_space<hbm>>
    %dma_wait3A_27 = arith.constant 0 : i32
    %dma_wait3A_28 = arith.constant 0 : i32
    %dma_wait3A_29 = tpu.memref_slice %arg4[%add3A, %dma_wait3A_27, %dma_wait3A_28] : memref<32x80x256xi32, #tpu.memory_space<hbm>> -> memref<1x80x256xi32, #tpu.memory_space<hbm>>
    %dma_wait3A_30 = tpu.memref_squeeze %dma_wait3A_29 : memref<1x80x256xi32, #tpu.memory_space<hbm>> -> memref<80x256xi32, #tpu.memory_space<hbm>>
    tpu.wait_dma2 semaphore(%arg15 : memref<!tpu.dma_semaphore, #tpu.memory_space<semaphore_mem>>) src(%dma_wait3A_30 : memref<80x256xi32, #tpu.memory_space<hbm>>) dst(%arg7 : memref<80x256xi32, #tpu.memory_space<vmem>>)
    %dma_wait3A_31 = arith.constant 0 : i32
    %dma_wait3A_32 = arith.constant 0 : i32
    %dma_wait3A_33 = tpu.memref_slice %arg5[%add3A, %dma_wait3A_31, %dma_wait3A_32] : memref<32x80x256xi32, #tpu.memory_space<hbm>> -> memref<1x80x256xi32, #tpu.memory_space<hbm>>
    %dma_wait3A_34 = tpu.memref_squeeze %dma_wait3A_33 : memref<1x80x256xi32, #tpu.memory_space<hbm>> -> memref<80x256xi32, #tpu.memory_space<hbm>>
    %dma_wait3A_35 = arith.constant 0 : i32
    %dma_wait3A_36 = arith.constant 0 : i32
    %dma_wait3A_37 = tpu.memref_slice %arg5[%add3A, %dma_wait3A_35, %dma_wait3A_36] : memref<32x80x256xi32, #tpu.memory_space<hbm>> -> memref<1x80x256xi32, #tpu.memory_space<hbm>>
    %dma_wait3A_38 = tpu.memref_squeeze %dma_wait3A_37 : memref<1x80x256xi32, #tpu.memory_space<hbm>> -> memref<80x256xi32, #tpu.memory_space<hbm>>
    tpu.wait_dma2 semaphore(%arg15 : memref<!tpu.dma_semaphore, #tpu.memory_space<semaphore_mem>>) src(%dma_wait3A_38 : memref<80x256xi32, #tpu.memory_space<hbm>>) dst(%arg8 : memref<80x256xi32, #tpu.memory_space<vmem>>)
    %dma_start3A_39 = arith.constant 0 : i32
    %dma_start3A_40 = arith.constant 0 : i32
    %dma_start3A_41 = tpu.memref_slice %arg7[%dma_start3A_39, %dma_start3A_40] : memref<80x256xi32, #tpu.memory_space<vmem>> -> memref<1x256xi32, #tpu.memory_space<vmem>>
    %dma_start3A_42 = tpu.memref_squeeze %dma_start3A_41 : memref<1x256xi32, #tpu.memory_space<vmem>> -> memref<256xi32, #tpu.memory_space<vmem>>
    %dma_start3A_43 = arith.constant 0 : i32
    %dma_start3A_44 = arith.constant 0 : i32
    %dma_start3A_45 = tpu.memref_slice %arg2[%dma_start3A_43, %dma_start3A_44] : memref<10240x64xf32, #tpu.memory_space<hbm>> -> memref<10240x64xf32, #tpu.memory_space<hbm>>
    tpu.enqueue_indirect_dma source(%dma_start3A_45 : memref<10240x64xf32, #tpu.memory_space<hbm>>) target(%arg9 : memref<256x64xf32, #tpu.memory_space<vmem>>) offsets(%dma_start3A_42 : memref<256xi32, #tpu.memory_space<vmem>>) semaphore(%arg11 : memref<!tpu.dma_semaphore, #tpu.memory_space<semaphore_mem>>)
    %dma_wait3A_46 = arith.constant 0 : i32
    %dma_wait3A_47 = tpu.memref_slice %arg17[%mul3A_2, %dma_wait3A_46] : memref<10240x64xf32, #tpu.memory_space<vmem_shared>> -> memref<640x64xf32, #tpu.memory_space<vmem_shared>>
    %dma_wait3A_48 = arith.constant 0 : i32
    %dma_wait3A_49 = tpu.memref_slice %arg3[%mul3A_2, %dma_wait3A_48] : memref<10240x64xf32, #tpu.memory_space<hbm>> -> memref<640x64xf32, #tpu.memory_space<hbm>>
    tpu.wait_dma2 semaphore(%arg16 : memref<!tpu.dma_semaphore, #tpu.memory_space<semaphore_mem>>) src(%dma_wait3A_49 : memref<640x64xf32, #tpu.memory_space<hbm>>) dst(%dma_wait3A_47 : memref<640x64xf32, #tpu.memory_space<vmem_shared>>)
    %barrier3A = arith.constant 0 : index
    tpu.barrier barrier_id(%barrier3A)
    %scan3A = arith.constant 0 : i32
    %scan3A_50 = arith.constant 0 : i32
    %scan3A_51 = arith.constant 40 : i32
    %scan3A_52 = arith.addi %scan3A_50, %scan3A_51 : i32
    %scan3A_53 = arith.constant 1 : i32
    scf.for %scan3A_134 = %scan3A_50 to %scan3A_52 step %scan3A_53  : i32 {
      %mul3A_135 = arith.constant 2 : i32
      %mul3A_136 = arith.muli %mul3A_135, %scan3A_134 : i32
      %gt3A = arith.constant 0 : i32
      %gt3A_137 = arith.cmpi sgt, %mul3A_136, %gt3A : i32
      %convert_element_type3A_138 = arith.extui %gt3A_137 : i1 to i32
      %cond3A_139 = arith.constant 0 : i32
      %cond3A_140 = arith.cmpi ne, %convert_element_type3A_138, %cond3A_139 : i32
      scf.if %cond3A_140 {
        %dma_wait3A_195 = arith.constant 0 : i32
        %dma_wait3A_196 = arith.constant 0 : i32
        %dma_wait3A_197 = tpu.memref_slice %arg2[%dma_wait3A_195, %dma_wait3A_196] : memref<10240x64xf32, #tpu.memory_space<hbm>> -> memref<256x64xf32, #tpu.memory_space<hbm>>
        %dma_wait3A_198 = arith.constant 0 : i32
        %dma_wait3A_199 = arith.constant 0 : i32
        %dma_wait3A_200 = tpu.memref_slice %arg2[%dma_wait3A_198, %dma_wait3A_199] : memref<10240x64xf32, #tpu.memory_space<hbm>> -> memref<256x64xf32, #tpu.memory_space<hbm>>
        tpu.wait_dma2 semaphore(%arg14 : memref<!tpu.dma_semaphore, #tpu.memory_space<semaphore_mem>>) src(%dma_wait3A_200 : memref<256x64xf32, #tpu.memory_space<hbm>>) dst(%arg10 : memref<256x64xf32, #tpu.memory_space<vmem>>)
      } else {
      }
      %add3A_141 = arith.constant 1 : i32
      %add3A_142 = arith.addi %mul3A_136, %add3A_141 : i32
      %lt3A = arith.constant 80 : i32
      %lt3A_143 = arith.cmpi slt, %add3A_142, %lt3A : i32
      %convert_element_type3A_144 = arith.extui %lt3A_143 : i1 to i32
      %cond3A_145 = arith.constant 0 : i32
      %cond3A_146 = arith.cmpi ne, %convert_element_type3A_144, %cond3A_145 : i32
      scf.if %cond3A_146 {
        %add3A_195 = arith.constant 1 : i32
        %add3A_196 = arith.addi %mul3A_136, %add3A_195 : i32
        %mul3A_197 = arith.constant 1 : i32
        %mul3A_198 = arith.muli %add3A_196, %mul3A_197 : i32
        %add3A_199 = arith.constant 0 : i32
        %add3A_200 = arith.addi %mul3A_198, %add3A_199 : i32
        %dma_start3A_201 = arith.constant 0 : i32
        %dma_start3A_202 = tpu.memref_slice %arg7[%add3A_200, %dma_start3A_201] : memref<80x256xi32, #tpu.memory_space<vmem>> -> memref<1x256xi32, #tpu.memory_space<vmem>>
        %dma_start3A_203 = tpu.memref_squeeze %dma_start3A_202 : memref<1x256xi32, #tpu.memory_space<vmem>> -> memref<256xi32, #tpu.memory_space<vmem>>
        %dma_start3A_204 = arith.constant 0 : i32
        %dma_start3A_205 = arith.constant 0 : i32
        %dma_start3A_206 = tpu.memref_slice %arg2[%dma_start3A_204, %dma_start3A_205] : memref<10240x64xf32, #tpu.memory_space<hbm>> -> memref<10240x64xf32, #tpu.memory_space<hbm>>
        tpu.enqueue_indirect_dma source(%dma_start3A_206 : memref<10240x64xf32, #tpu.memory_space<hbm>>) target(%arg10 : memref<256x64xf32, #tpu.memory_space<vmem>>) offsets(%dma_start3A_203 : memref<256xi32, #tpu.memory_space<vmem>>) semaphore(%arg12 : memref<!tpu.dma_semaphore, #tpu.memory_space<semaphore_mem>>)
      } else {
      }
      %dma_wait3A_147 = arith.constant 0 : i32
      %dma_wait3A_148 = arith.constant 0 : i32
      %dma_wait3A_149 = tpu.memref_slice %arg2[%dma_wait3A_147, %dma_wait3A_148] : memref<10240x64xf32, #tpu.memory_space<hbm>> -> memref<256x64xf32, #tpu.memory_space<hbm>>
      %dma_wait3A_150 = arith.constant 0 : i32
      %dma_wait3A_151 = arith.constant 0 : i32
      %dma_wait3A_152 = tpu.memref_slice %arg2[%dma_wait3A_150, %dma_wait3A_151] : memref<10240x64xf32, #tpu.memory_space<hbm>> -> memref<256x64xf32, #tpu.memory_space<hbm>>
      tpu.wait_dma2 semaphore(%arg11 : memref<!tpu.dma_semaphore, #tpu.memory_space<semaphore_mem>>) src(%dma_wait3A_152 : memref<256x64xf32, #tpu.memory_space<hbm>>) dst(%arg9 : memref<256x64xf32, #tpu.memory_space<vmem>>)
      %mul3A_153 = arith.constant 1 : i32
      %mul3A_154 = arith.muli %mul3A_136, %mul3A_153 : i32
      %add3A_155 = arith.constant 0 : i32
      %add3A_156 = arith.addi %mul3A_154, %add3A_155 : i32
      %dma_start3A_157 = arith.constant 0 : i32
      %dma_start3A_158 = tpu.memref_slice %arg8[%add3A_156, %dma_start3A_157] : memref<80x256xi32, #tpu.memory_space<vmem>> -> memref<1x256xi32, #tpu.memory_space<vmem>>
      %dma_start3A_159 = tpu.memref_squeeze %dma_start3A_158 : memref<1x256xi32, #tpu.memory_space<vmem>> -> memref<256xi32, #tpu.memory_space<vmem>>
      %dma_start3A_160 = arith.constant 0 : i32
      %dma_start3A_161 = arith.constant 0 : i32
      %dma_start3A_162 = tpu.memref_slice %arg17[%dma_start3A_160, %dma_start3A_161] : memref<10240x64xf32, #tpu.memory_space<vmem_shared>> -> memref<10240x64xf32, #tpu.memory_space<vmem_shared>>
      tpu.enqueue_indirect_dma source(%arg9 : memref<256x64xf32, #tpu.memory_space<vmem>>) target(%dma_start3A_162 : memref<10240x64xf32, #tpu.memory_space<vmem_shared>>) offsets(%dma_start3A_159 : memref<256xi32, #tpu.memory_space<vmem>>) semaphore(%arg13 : memref<!tpu.dma_semaphore, #tpu.memory_space<semaphore_mem>>) {add = true}
      %mul3A_163 = arith.constant 2 : i32
      %mul3A_164 = arith.muli %mul3A_163, %scan3A_134 : i32
      %add3A_165 = arith.constant 1 : i32
      %add3A_166 = arith.addi %mul3A_164, %add3A_165 : i32
      %gt3A_167 = arith.constant 0 : i32
      %gt3A_168 = arith.cmpi sgt, %add3A_166, %gt3A_167 : i32
      %convert_element_type3A_169 = arith.extui %gt3A_168 : i1 to i32
      %cond3A_170 = arith.constant 0 : i32
      %cond3A_171 = arith.cmpi ne, %convert_element_type3A_169, %cond3A_170 : i32
      scf.if %cond3A_171 {
        %dma_wait3A_195 = arith.constant 0 : i32
        %dma_wait3A_196 = arith.constant 0 : i32
        %dma_wait3A_197 = tpu.memref_slice %arg2[%dma_wait3A_195, %dma_wait3A_196] : memref<10240x64xf32, #tpu.memory_space<hbm>> -> memref<256x64xf32, #tpu.memory_space<hbm>>
        %dma_wait3A_198 = arith.constant 0 : i32
        %dma_wait3A_199 = arith.constant 0 : i32
        %dma_wait3A_200 = tpu.memref_slice %arg2[%dma_wait3A_198, %dma_wait3A_199] : memref<10240x64xf32, #tpu.memory_space<hbm>> -> memref<256x64xf32, #tpu.memory_space<hbm>>
        tpu.wait_dma2 semaphore(%arg13 : memref<!tpu.dma_semaphore, #tpu.memory_space<semaphore_mem>>) src(%dma_wait3A_200 : memref<256x64xf32, #tpu.memory_space<hbm>>) dst(%arg9 : memref<256x64xf32, #tpu.memory_space<vmem>>)
      } else {
      }
      %add3A_172 = arith.constant 1 : i32
      %add3A_173 = arith.addi %add3A_166, %add3A_172 : i32
      %lt3A_174 = arith.constant 80 : i32
      %lt3A_175 = arith.cmpi slt, %add3A_173, %lt3A_174 : i32
      %convert_element_type3A_176 = arith.extui %lt3A_175 : i1 to i32
      %cond3A_177 = arith.constant 0 : i32
      %cond3A_178 = arith.cmpi ne, %convert_element_type3A_176, %cond3A_177 : i32
      scf.if %cond3A_178 {
        %add3A_195 = arith.constant 1 : i32
        %add3A_196 = arith.addi %add3A_166, %add3A_195 : i32
        %mul3A_197 = arith.constant 1 : i32
        %mul3A_198 = arith.muli %add3A_196, %mul3A_197 : i32
        %add3A_199 = arith.constant 0 : i32
        %add3A_200 = arith.addi %mul3A_198, %add3A_199 : i32
        %dma_start3A_201 = arith.constant 0 : i32
        %dma_start3A_202 = tpu.memref_slice %arg7[%add3A_200, %dma_start3A_201] : memref<80x256xi32, #tpu.memory_space<vmem>> -> memref<1x256xi32, #tpu.memory_space<vmem>>
        %dma_start3A_203 = tpu.memref_squeeze %dma_start3A_202 : memref<1x256xi32, #tpu.memory_space<vmem>> -> memref<256xi32, #tpu.memory_space<vmem>>
        %dma_start3A_204 = arith.constant 0 : i32
        %dma_start3A_205 = arith.constant 0 : i32
        %dma_start3A_206 = tpu.memref_slice %arg2[%dma_start3A_204, %dma_start3A_205] : memref<10240x64xf32, #tpu.memory_space<hbm>> -> memref<10240x64xf32, #tpu.memory_space<hbm>>
        tpu.enqueue_indirect_dma source(%dma_start3A_206 : memref<10240x64xf32, #tpu.memory_space<hbm>>) target(%arg9 : memref<256x64xf32, #tpu.memory_space<vmem>>) offsets(%dma_start3A_203 : memref<256xi32, #tpu.memory_space<vmem>>) semaphore(%arg11 : memref<!tpu.dma_semaphore, #tpu.memory_space<semaphore_mem>>)
      } else {
      }
      %dma_wait3A_179 = arith.constant 0 : i32
      %dma_wait3A_180 = arith.constant 0 : i32
      %dma_wait3A_181 = tpu.memref_slice %arg2[%dma_wait3A_179, %dma_wait3A_180] : memref<10240x64xf32, #tpu.memory_space<hbm>> -> memref<256x64xf32, #tpu.memory_space<hbm>>
      %dma_wait3A_182 = arith.constant 0 : i32
      %dma_wait3A_183 = arith.constant 0 : i32
      %dma_wait3A_184 = tpu.memref_slice %arg2[%dma_wait3A_182, %dma_wait3A_183] : memref<10240x64xf32, #tpu.memory_space<hbm>> -> memref<256x64xf32, #tpu.memory_space<hbm>>
      tpu.wait_dma2 semaphore(%arg12 : memref<!tpu.dma_semaphore, #tpu.memory_space<semaphore_mem>>) src(%dma_wait3A_184 : memref<256x64xf32, #tpu.memory_space<hbm>>) dst(%arg10 : memref<256x64xf32, #tpu.memory_space<vmem>>)
      %mul3A_185 = arith.constant 1 : i32
      %mul3A_186 = arith.muli %add3A_166, %mul3A_185 : i32
      %add3A_187 = arith.constant 0 : i32
      %add3A_188 = arith.addi %mul3A_186, %add3A_187 : i32
      %dma_start3A_189 = arith.constant 0 : i32
      %dma_start3A_190 = tpu.memref_slice %arg8[%add3A_188, %dma_start3A_189] : memref<80x256xi32, #tpu.memory_space<vmem>> -> memref<1x256xi32, #tpu.memory_space<vmem>>
      %dma_start3A_191 = tpu.memref_squeeze %dma_start3A_190 : memref<1x256xi32, #tpu.memory_space<vmem>> -> memref<256xi32, #tpu.memory_space<vmem>>
      %dma_start3A_192 = arith.constant 0 : i32
      %dma_start3A_193 = arith.constant 0 : i32
      %dma_start3A_194 = tpu.memref_slice %arg17[%dma_start3A_192, %dma_start3A_193] : memref<10240x64xf32, #tpu.memory_space<vmem_shared>> -> memref<10240x64xf32, #tpu.memory_space<vmem_shared>>
      tpu.enqueue_indirect_dma source(%arg10 : memref<256x64xf32, #tpu.memory_space<vmem>>) target(%dma_start3A_194 : memref<10240x64xf32, #tpu.memory_space<vmem_shared>>) offsets(%dma_start3A_191 : memref<256xi32, #tpu.memory_space<vmem>>) semaphore(%arg14 : memref<!tpu.dma_semaphore, #tpu.memory_space<semaphore_mem>>) {add = true}
    }
    %scan3A_54 = arith.constant 40 : i32
    %dma_wait3A_55 = arith.constant 0 : i32
    %dma_wait3A_56 = arith.constant 0 : i32
    %dma_wait3A_57 = tpu.memref_slice %arg2[%dma_wait3A_55, %dma_wait3A_56] : memref<10240x64xf32, #tpu.memory_space<hbm>> -> memref<256x64xf32, #tpu.memory_space<hbm>>
    %dma_wait3A_58 = arith.constant 0 : i32
    %dma_wait3A_59 = arith.constant 0 : i32
    %dma_wait3A_60 = tpu.memref_slice %arg2[%dma_wait3A_58, %dma_wait3A_59] : memref<10240x64xf32, #tpu.memory_space<hbm>> -> memref<256x64xf32, #tpu.memory_space<hbm>>
    tpu.wait_dma2 semaphore(%arg14 : memref<!tpu.dma_semaphore, #tpu.memory_space<semaphore_mem>>) src(%dma_wait3A_60 : memref<256x64xf32, #tpu.memory_space<hbm>>) dst(%arg10 : memref<256x64xf32, #tpu.memory_space<vmem>>)
    %barrier3A_61 = arith.constant 0 : index
    tpu.barrier barrier_id(%barrier3A_61)
    %mul3A_62 = arith.constant 640 : i32
    %mul3A_63 = arith.muli %arg1, %mul3A_62 : i32
    %add3A_64 = arith.constant 0 : i32
    %add3A_65 = arith.addi %mul3A_63, %add3A_64 : i32
    %dma_start3A_66 = arith.constant 0 : i32
    %dma_start3A_67 = tpu.memref_slice %arg6[%arg0, %add3A_65, %dma_start3A_66] : memref<2x10240x64xf32, #tpu.memory_space<hbm>> -> memref<1x160x64xf32, #tpu.memory_space<hbm>>
    %dma_start3A_68 = tpu.memref_squeeze %dma_start3A_67 : memref<1x160x64xf32, #tpu.memory_space<hbm>> -> memref<160x64xf32, #tpu.memory_space<hbm>>
    %dma_start3A_69 = arith.constant 0 : i32
    %dma_start3A_70 = tpu.memref_slice %arg17[%add3A_65, %dma_start3A_69] : memref<10240x64xf32, #tpu.memory_space<vmem_shared>> -> memref<160x64xf32, #tpu.memory_space<vmem_shared>>
    tpu.enqueue_dma source(%dma_start3A_70 : memref<160x64xf32, #tpu.memory_space<vmem_shared>>) target(%dma_start3A_68 : memref<160x64xf32, #tpu.memory_space<hbm>>) target_semaphore(%arg16 : memref<!tpu.dma_semaphore, #tpu.memory_space<semaphore_mem>>)
    %mul3A_71 = arith.constant 640 : i32
    %mul3A_72 = arith.muli %arg1, %mul3A_71 : i32
    %add3A_73 = arith.constant 160 : i32
    %add3A_74 = arith.addi %mul3A_72, %add3A_73 : i32
    %dma_start3A_75 = arith.constant 0 : i32
    %dma_start3A_76 = tpu.memref_slice %arg6[%arg0, %add3A_74, %dma_start3A_75] : memref<2x10240x64xf32, #tpu.memory_space<hbm>> -> memref<1x160x64xf32, #tpu.memory_space<hbm>>
    %dma_start3A_77 = tpu.memref_squeeze %dma_start3A_76 : memref<1x160x64xf32, #tpu.memory_space<hbm>> -> memref<160x64xf32, #tpu.memory_space<hbm>>
    %dma_start3A_78 = arith.constant 0 : i32
    %dma_start3A_79 = tpu.memref_slice %arg17[%add3A_74, %dma_start3A_78] : memref<10240x64xf32, #tpu.memory_space<vmem_shared>> -> memref<160x64xf32, #tpu.memory_space<vmem_shared>>
    tpu.enqueue_dma source(%dma_start3A_79 : memref<160x64xf32, #tpu.memory_space<vmem_shared>>) target(%dma_start3A_77 : memref<160x64xf32, #tpu.memory_space<hbm>>) target_semaphore(%arg16 : memref<!tpu.dma_semaphore, #tpu.memory_space<semaphore_mem>>)
    %mul3A_80 = arith.constant 640 : i32
    %mul3A_81 = arith.muli %arg1, %mul3A_80 : i32
    %add3A_82 = arith.constant 320 : i32
    %add3A_83 = arith.addi %mul3A_81, %add3A_82 : i32
    %dma_start3A_84 = arith.constant 0 : i32
    %dma_start3A_85 = tpu.memref_slice %arg6[%arg0, %add3A_83, %dma_start3A_84] : memref<2x10240x64xf32, #tpu.memory_space<hbm>> -> memref<1x160x64xf32, #tpu.memory_space<hbm>>
    %dma_start3A_86 = tpu.memref_squeeze %dma_start3A_85 : memref<1x160x64xf32, #tpu.memory_space<hbm>> -> memref<160x64xf32, #tpu.memory_space<hbm>>
    %dma_start3A_87 = arith.constant 0 : i32
    %dma_start3A_88 = tpu.memref_slice %arg17[%add3A_83, %dma_start3A_87] : memref<10240x64xf32, #tpu.memory_space<vmem_shared>> -> memref<160x64xf32, #tpu.memory_space<vmem_shared>>
    tpu.enqueue_dma source(%dma_start3A_88 : memref<160x64xf32, #tpu.memory_space<vmem_shared>>) target(%dma_start3A_86 : memref<160x64xf32, #tpu.memory_space<hbm>>) target_semaphore(%arg16 : memref<!tpu.dma_semaphore, #tpu.memory_space<semaphore_mem>>)
    %mul3A_89 = arith.constant 640 : i32
    %mul3A_90 = arith.muli %arg1, %mul3A_89 : i32
    %add3A_91 = arith.constant 480 : i32
    %add3A_92 = arith.addi %mul3A_90, %add3A_91 : i32
    %dma_start3A_93 = arith.constant 0 : i32
    %dma_start3A_94 = tpu.memref_slice %arg6[%arg0, %add3A_92, %dma_start3A_93] : memref<2x10240x64xf32, #tpu.memory_space<hbm>> -> memref<1x160x64xf32, #tpu.memory_space<hbm>>
    %dma_start3A_95 = tpu.memref_squeeze %dma_start3A_94 : memref<1x160x64xf32, #tpu.memory_space<hbm>> -> memref<160x64xf32, #tpu.memory_space<hbm>>
    %dma_start3A_96 = arith.constant 0 : i32
    %dma_start3A_97 = tpu.memref_slice %arg17[%add3A_92, %dma_start3A_96] : memref<10240x64xf32, #tpu.memory_space<vmem_shared>> -> memref<160x64xf32, #tpu.memory_space<vmem_shared>>
    tpu.enqueue_dma source(%dma_start3A_97 : memref<160x64xf32, #tpu.memory_space<vmem_shared>>) target(%dma_start3A_95 : memref<160x64xf32, #tpu.memory_space<hbm>>) target_semaphore(%arg16 : memref<!tpu.dma_semaphore, #tpu.memory_space<semaphore_mem>>)
    %mul3A_98 = arith.constant 640 : i32
    %mul3A_99 = arith.muli %arg1, %mul3A_98 : i32
    %add3A_100 = arith.constant 0 : i32
    %add3A_101 = arith.addi %mul3A_99, %add3A_100 : i32
    %dma_wait3A_102 = arith.constant 0 : i32
    %dma_wait3A_103 = tpu.memref_slice %arg6[%arg0, %add3A_101, %dma_wait3A_102] : memref<2x10240x64xf32, #tpu.memory_space<hbm>> -> memref<1x160x64xf32, #tpu.memory_space<hbm>>
    %dma_wait3A_104 = tpu.memref_squeeze %dma_wait3A_103 : memref<1x160x64xf32, #tpu.memory_space<hbm>> -> memref<160x64xf32, #tpu.memory_space<hbm>>
    %dma_wait3A_105 = arith.constant 0 : i32
    %dma_wait3A_106 = tpu.memref_slice %arg17[%add3A_101, %dma_wait3A_105] : memref<10240x64xf32, #tpu.memory_space<vmem_shared>> -> memref<160x64xf32, #tpu.memory_space<vmem_shared>>
    tpu.wait_dma2 semaphore(%arg16 : memref<!tpu.dma_semaphore, #tpu.memory_space<semaphore_mem>>) src(%dma_wait3A_106 : memref<160x64xf32, #tpu.memory_space<vmem_shared>>) dst(%dma_wait3A_104 : memref<160x64xf32, #tpu.memory_space<hbm>>)
    %mul3A_107 = arith.constant 640 : i32
    %mul3A_108 = arith.muli %arg1, %mul3A_107 : i32
    %add3A_109 = arith.constant 160 : i32
    %add3A_110 = arith.addi %mul3A_108, %add3A_109 : i32
    %dma_wait3A_111 = arith.constant 0 : i32
    %dma_wait3A_112 = tpu.memref_slice %arg6[%arg0, %add3A_110, %dma_wait3A_111] : memref<2x10240x64xf32, #tpu.memory_space<hbm>> -> memref<1x160x64xf32, #tpu.memory_space<hbm>>
    %dma_wait3A_113 = tpu.memref_squeeze %dma_wait3A_112 : memref<1x160x64xf32, #tpu.memory_space<hbm>> -> memref<160x64xf32, #tpu.memory_space<hbm>>
    %dma_wait3A_114 = arith.constant 0 : i32
    %dma_wait3A_115 = tpu.memref_slice %arg17[%add3A_110, %dma_wait3A_114] : memref<10240x64xf32, #tpu.memory_space<vmem_shared>> -> memref<160x64xf32, #tpu.memory_space<vmem_shared>>
    tpu.wait_dma2 semaphore(%arg16 : memref<!tpu.dma_semaphore, #tpu.memory_space<semaphore_mem>>) src(%dma_wait3A_115 : memref<160x64xf32, #tpu.memory_space<vmem_shared>>) dst(%dma_wait3A_113 : memref<160x64xf32, #tpu.memory_space<hbm>>)
    %mul3A_116 = arith.constant 640 : i32
    %mul3A_117 = arith.muli %arg1, %mul3A_116 : i32
    %add3A_118 = arith.constant 320 : i32
    %add3A_119 = arith.addi %mul3A_117, %add3A_118 : i32
    %dma_wait3A_120 = arith.constant 0 : i32
    %dma_wait3A_121 = tpu.memref_slice %arg6[%arg0, %add3A_119, %dma_wait3A_120] : memref<2x10240x64xf32, #tpu.memory_space<hbm>> -> memref<1x160x64xf32, #tpu.memory_space<hbm>>
    %dma_wait3A_122 = tpu.memref_squeeze %dma_wait3A_121 : memref<1x160x64xf32, #tpu.memory_space<hbm>> -> memref<160x64xf32, #tpu.memory_space<hbm>>
    %dma_wait3A_123 = arith.constant 0 : i32
    %dma_wait3A_124 = tpu.memref_slice %arg17[%add3A_119, %dma_wait3A_123] : memref<10240x64xf32, #tpu.memory_space<vmem_shared>> -> memref<160x64xf32, #tpu.memory_space<vmem_shared>>
    tpu.wait_dma2 semaphore(%arg16 : memref<!tpu.dma_semaphore, #tpu.memory_space<semaphore_mem>>) src(%dma_wait3A_124 : memref<160x64xf32, #tpu.memory_space<vmem_shared>>) dst(%dma_wait3A_122 : memref<160x64xf32, #tpu.memory_space<hbm>>)
    %mul3A_125 = arith.constant 640 : i32
    %mul3A_126 = arith.muli %arg1, %mul3A_125 : i32
    %add3A_127 = arith.constant 480 : i32
    %add3A_128 = arith.addi %mul3A_126, %add3A_127 : i32
    %dma_wait3A_129 = arith.constant 0 : i32
    %dma_wait3A_130 = tpu.memref_slice %arg6[%arg0, %add3A_128, %dma_wait3A_129] : memref<2x10240x64xf32, #tpu.memory_space<hbm>> -> memref<1x160x64xf32, #tpu.memory_space<hbm>>
    %dma_wait3A_131 = tpu.memref_squeeze %dma_wait3A_130 : memref<1x160x64xf32, #tpu.memory_space<hbm>> -> memref<160x64xf32, #tpu.memory_space<hbm>>
    %dma_wait3A_132 = arith.constant 0 : i32
    %dma_wait3A_133 = tpu.memref_slice %arg17[%add3A_128, %dma_wait3A_132] : memref<10240x64xf32, #tpu.memory_space<vmem_shared>> -> memref<160x64xf32, #tpu.memory_space<vmem_shared>>
    tpu.wait_dma2 semaphore(%arg16 : memref<!tpu.dma_semaphore, #tpu.memory_space<semaphore_mem>>) src(%dma_wait3A_133 : memref<160x64xf32, #tpu.memory_space<vmem_shared>>) dst(%dma_wait3A_131 : memref<160x64xf32, #tpu.memory_space<hbm>>)
    return
  }
}

#map = affine_map<(d0, d1) -> (0, 0)>
#map1 = affine_map<(d0, d1) -> (0, 0, 0)>
module attributes {stable_mosaic.version = 14 : i64} {
  func.func @body(%arg0: i32, %arg1: i32, %arg2: memref<10240x32xf32, #tpu.memory_space<hbm>>, %arg3: memref<10240x32xf32, #tpu.memory_space<hbm>>, %arg4: memref<32x80x256xi32, #tpu.memory_space<hbm>>, %arg5: memref<32x80x256xi32, #tpu.memory_space<hbm>>, %arg6: memref<2x10240x32xf32, #tpu.memory_space<hbm>>, %arg7: memref<80x256xi32, #tpu.memory_space<vmem>>, %arg8: memref<80x256xi32, #tpu.memory_space<vmem>>, %arg9: memref<256x32xf32, #tpu.memory_space<vmem>>, %arg10: memref<256x32xf32, #tpu.memory_space<vmem>>, %arg11: memref<256x32xf32, #tpu.memory_space<vmem>>, %arg12: memref<256x32xf32, #tpu.memory_space<vmem>>, %arg13: memref<!tpu.dma_semaphore, #tpu.memory_space<semaphore_mem>>, %arg14: memref<!tpu.dma_semaphore, #tpu.memory_space<semaphore_mem>>, %arg15: memref<!tpu.dma_semaphore, #tpu.memory_space<semaphore_mem>>, %arg16: memref<!tpu.dma_semaphore, #tpu.memory_space<semaphore_mem>>, %arg17: memref<!tpu.dma_semaphore, #tpu.memory_space<semaphore_mem>>, %arg18: memref<!tpu.dma_semaphore, #tpu.memory_space<semaphore_mem>>, %arg19: memref<10240x32xf32, #tpu.memory_space<vmem_shared>>) attributes {dimension_semantics = [#tpu.dimension_semantics<core_parallel>, #tpu.dimension_semantics<subcore_parallel>], iteration_bounds = array<i64: 2, 16>, scalar_prefetch = 0 : i64, scratch_operands = 13 : i64, tpu.core_type = #tpu.core_type<sc_vector_subcore>, window_params = [{transform_indices = #map}, {transform_indices = #map}, {transform_indices = #map1}, {transform_indices = #map1}, {transform_indices = #map1}]} {
    %mul3A = arith.constant 2 : i32
    %mul3A_0 = arith.muli %arg1, %mul3A : i32
    %add3A = arith.addi %mul3A_0, %arg0 : i32
    %mul3A_1 = arith.constant 640 : i32
    %mul3A_2 = arith.muli %arg1, %mul3A_1 : i32
    %dma_start3A = arith.constant 0 : i32
    %dma_start3A_3 = arith.constant 0 : i32
    %dma_start3A_4 = tpu.memref_slice %arg4[%add3A, %dma_start3A, %dma_start3A_3] : memref<32x80x256xi32, #tpu.memory_space<hbm>> -> memref<1x80x256xi32, #tpu.memory_space<hbm>>
    %dma_start3A_5 = tpu.memref_squeeze %dma_start3A_4 : memref<1x80x256xi32, #tpu.memory_space<hbm>> -> memref<80x256xi32, #tpu.memory_space<hbm>>
    %dma_start3A_6 = arith.constant 0 : i32
    %dma_start3A_7 = arith.constant 0 : i32
    %dma_start3A_8 = tpu.memref_slice %arg4[%add3A, %dma_start3A_6, %dma_start3A_7] : memref<32x80x256xi32, #tpu.memory_space<hbm>> -> memref<1x80x256xi32, #tpu.memory_space<hbm>>
    %dma_start3A_9 = tpu.memref_squeeze %dma_start3A_8 : memref<1x80x256xi32, #tpu.memory_space<hbm>> -> memref<80x256xi32, #tpu.memory_space<hbm>>
    tpu.enqueue_dma source(%dma_start3A_9 : memref<80x256xi32, #tpu.memory_space<hbm>>) target(%arg7 : memref<80x256xi32, #tpu.memory_space<vmem>>) target_semaphore(%arg17 : memref<!tpu.dma_semaphore, #tpu.memory_space<semaphore_mem>>)
    %dma_start3A_10 = arith.constant 0 : i32
    %dma_start3A_11 = arith.constant 0 : i32
    %dma_start3A_12 = tpu.memref_slice %arg5[%add3A, %dma_start3A_10, %dma_start3A_11] : memref<32x80x256xi32, #tpu.memory_space<hbm>> -> memref<1x80x256xi32, #tpu.memory_space<hbm>>
    %dma_start3A_13 = tpu.memref_squeeze %dma_start3A_12 : memref<1x80x256xi32, #tpu.memory_space<hbm>> -> memref<80x256xi32, #tpu.memory_space<hbm>>
    %dma_start3A_14 = arith.constant 0 : i32
    %dma_start3A_15 = arith.constant 0 : i32
    %dma_start3A_16 = tpu.memref_slice %arg5[%add3A, %dma_start3A_14, %dma_start3A_15] : memref<32x80x256xi32, #tpu.memory_space<hbm>> -> memref<1x80x256xi32, #tpu.memory_space<hbm>>
    %dma_start3A_17 = tpu.memref_squeeze %dma_start3A_16 : memref<1x80x256xi32, #tpu.memory_space<hbm>> -> memref<80x256xi32, #tpu.memory_space<hbm>>
    tpu.enqueue_dma source(%dma_start3A_17 : memref<80x256xi32, #tpu.memory_space<hbm>>) target(%arg8 : memref<80x256xi32, #tpu.memory_space<vmem>>) target_semaphore(%arg17 : memref<!tpu.dma_semaphore, #tpu.memory_space<semaphore_mem>>)
    %eq3A = arith.constant 0 : i32
    %eq3A_18 = arith.cmpi eq, %arg0, %eq3A : i32
    %convert_element_type3A = arith.extui %eq3A_18 : i1 to i32
    %cond3A = arith.constant 0 : i32
    %cond3A_19 = arith.cmpi ne, %convert_element_type3A, %cond3A : i32
    scf.if %cond3A_19 {
      %dma_start3A_147 = arith.constant 0 : i32
      %dma_start3A_148 = tpu.memref_slice %arg19[%mul3A_2, %dma_start3A_147] : memref<10240x32xf32, #tpu.memory_space<vmem_shared>> -> memref<640x32xf32, #tpu.memory_space<vmem_shared>>
      %dma_start3A_149 = arith.constant 0 : i32
      %dma_start3A_150 = tpu.memref_slice %arg2[%mul3A_2, %dma_start3A_149] : memref<10240x32xf32, #tpu.memory_space<hbm>> -> memref<640x32xf32, #tpu.memory_space<hbm>>
      tpu.enqueue_dma source(%dma_start3A_150 : memref<640x32xf32, #tpu.memory_space<hbm>>) target(%dma_start3A_148 : memref<640x32xf32, #tpu.memory_space<vmem_shared>>) target_semaphore(%arg18 : memref<!tpu.dma_semaphore, #tpu.memory_space<semaphore_mem>>)
    } else {
    }
    %ne3A = arith.constant 0 : i32
    %ne3A_20 = arith.cmpi ne, %arg0, %ne3A : i32
    %convert_element_type3A_21 = arith.extui %ne3A_20 : i1 to i32
    %cond3A_22 = arith.constant 0 : i32
    %cond3A_23 = arith.cmpi ne, %convert_element_type3A_21, %cond3A_22 : i32
    scf.if %cond3A_23 {
      %dma_start3A_147 = arith.constant 0 : i32
      %dma_start3A_148 = tpu.memref_slice %arg19[%mul3A_2, %dma_start3A_147] : memref<10240x32xf32, #tpu.memory_space<vmem_shared>> -> memref<640x32xf32, #tpu.memory_space<vmem_shared>>
      %dma_start3A_149 = arith.constant 0 : i32
      %dma_start3A_150 = tpu.memref_slice %arg3[%mul3A_2, %dma_start3A_149] : memref<10240x32xf32, #tpu.memory_space<hbm>> -> memref<640x32xf32, #tpu.memory_space<hbm>>
      tpu.enqueue_dma source(%dma_start3A_150 : memref<640x32xf32, #tpu.memory_space<hbm>>) target(%dma_start3A_148 : memref<640x32xf32, #tpu.memory_space<vmem_shared>>) target_semaphore(%arg18 : memref<!tpu.dma_semaphore, #tpu.memory_space<semaphore_mem>>)
    } else {
    }
    %dma_wait3A = arith.constant 0 : i32
    %dma_wait3A_24 = arith.constant 0 : i32
    %dma_wait3A_25 = tpu.memref_slice %arg4[%add3A, %dma_wait3A, %dma_wait3A_24] : memref<32x80x256xi32, #tpu.memory_space<hbm>> -> memref<1x80x256xi32, #tpu.memory_space<hbm>>
    %dma_wait3A_26 = tpu.memref_squeeze %dma_wait3A_25 : memref<1x80x256xi32, #tpu.memory_space<hbm>> -> memref<80x256xi32, #tpu.memory_space<hbm>>
    %dma_wait3A_27 = arith.constant 0 : i32
    %dma_wait3A_28 = arith.constant 0 : i32
    %dma_wait3A_29 = tpu.memref_slice %arg4[%add3A, %dma_wait3A_27, %dma_wait3A_28] : memref<32x80x256xi32, #tpu.memory_space<hbm>> -> memref<1x80x256xi32, #tpu.memory_space<hbm>>
    %dma_wait3A_30 = tpu.memref_squeeze %dma_wait3A_29 : memref<1x80x256xi32, #tpu.memory_space<hbm>> -> memref<80x256xi32, #tpu.memory_space<hbm>>
    tpu.wait_dma2 semaphore(%arg17 : memref<!tpu.dma_semaphore, #tpu.memory_space<semaphore_mem>>) src(%dma_wait3A_30 : memref<80x256xi32, #tpu.memory_space<hbm>>) dst(%arg7 : memref<80x256xi32, #tpu.memory_space<vmem>>)
    %dma_wait3A_31 = arith.constant 0 : i32
    %dma_wait3A_32 = arith.constant 0 : i32
    %dma_wait3A_33 = tpu.memref_slice %arg5[%add3A, %dma_wait3A_31, %dma_wait3A_32] : memref<32x80x256xi32, #tpu.memory_space<hbm>> -> memref<1x80x256xi32, #tpu.memory_space<hbm>>
    %dma_wait3A_34 = tpu.memref_squeeze %dma_wait3A_33 : memref<1x80x256xi32, #tpu.memory_space<hbm>> -> memref<80x256xi32, #tpu.memory_space<hbm>>
    %dma_wait3A_35 = arith.constant 0 : i32
    %dma_wait3A_36 = arith.constant 0 : i32
    %dma_wait3A_37 = tpu.memref_slice %arg5[%add3A, %dma_wait3A_35, %dma_wait3A_36] : memref<32x80x256xi32, #tpu.memory_space<hbm>> -> memref<1x80x256xi32, #tpu.memory_space<hbm>>
    %dma_wait3A_38 = tpu.memref_squeeze %dma_wait3A_37 : memref<1x80x256xi32, #tpu.memory_space<hbm>> -> memref<80x256xi32, #tpu.memory_space<hbm>>
    tpu.wait_dma2 semaphore(%arg17 : memref<!tpu.dma_semaphore, #tpu.memory_space<semaphore_mem>>) src(%dma_wait3A_38 : memref<80x256xi32, #tpu.memory_space<hbm>>) dst(%arg8 : memref<80x256xi32, #tpu.memory_space<vmem>>)
    %dma_start3A_39 = arith.constant 0 : i32
    %dma_start3A_40 = arith.constant 0 : i32
    %dma_start3A_41 = tpu.memref_slice %arg7[%dma_start3A_39, %dma_start3A_40] : memref<80x256xi32, #tpu.memory_space<vmem>> -> memref<1x256xi32, #tpu.memory_space<vmem>>
    %dma_start3A_42 = tpu.memref_squeeze %dma_start3A_41 : memref<1x256xi32, #tpu.memory_space<vmem>> -> memref<256xi32, #tpu.memory_space<vmem>>
    %dma_start3A_43 = arith.constant 0 : i32
    %dma_start3A_44 = arith.constant 0 : i32
    %dma_start3A_45 = tpu.memref_slice %arg2[%dma_start3A_43, %dma_start3A_44] : memref<10240x32xf32, #tpu.memory_space<hbm>> -> memref<10240x32xf32, #tpu.memory_space<hbm>>
    tpu.enqueue_indirect_dma source(%dma_start3A_45 : memref<10240x32xf32, #tpu.memory_space<hbm>>) target(%arg9 : memref<256x32xf32, #tpu.memory_space<vmem>>) offsets(%dma_start3A_42 : memref<256xi32, #tpu.memory_space<vmem>>) semaphore(%arg13 : memref<!tpu.dma_semaphore, #tpu.memory_space<semaphore_mem>>)
    %dma_start3A_46 = arith.constant 1 : i32
    %dma_start3A_47 = arith.constant 0 : i32
    %dma_start3A_48 = tpu.memref_slice %arg7[%dma_start3A_46, %dma_start3A_47] : memref<80x256xi32, #tpu.memory_space<vmem>> -> memref<1x256xi32, #tpu.memory_space<vmem>>
    %dma_start3A_49 = tpu.memref_squeeze %dma_start3A_48 : memref<1x256xi32, #tpu.memory_space<vmem>> -> memref<256xi32, #tpu.memory_space<vmem>>
    %dma_start3A_50 = arith.constant 0 : i32
    %dma_start3A_51 = arith.constant 0 : i32
    %dma_start3A_52 = tpu.memref_slice %arg2[%dma_start3A_50, %dma_start3A_51] : memref<10240x32xf32, #tpu.memory_space<hbm>> -> memref<10240x32xf32, #tpu.memory_space<hbm>>
    tpu.enqueue_indirect_dma source(%dma_start3A_52 : memref<10240x32xf32, #tpu.memory_space<hbm>>) target(%arg10 : memref<256x32xf32, #tpu.memory_space<vmem>>) offsets(%dma_start3A_49 : memref<256xi32, #tpu.memory_space<vmem>>) semaphore(%arg13 : memref<!tpu.dma_semaphore, #tpu.memory_space<semaphore_mem>>)
    %dma_wait3A_53 = arith.constant 0 : i32
    %dma_wait3A_54 = tpu.memref_slice %arg19[%mul3A_2, %dma_wait3A_53] : memref<10240x32xf32, #tpu.memory_space<vmem_shared>> -> memref<640x32xf32, #tpu.memory_space<vmem_shared>>
    %dma_wait3A_55 = arith.constant 0 : i32
    %dma_wait3A_56 = tpu.memref_slice %arg3[%mul3A_2, %dma_wait3A_55] : memref<10240x32xf32, #tpu.memory_space<hbm>> -> memref<640x32xf32, #tpu.memory_space<hbm>>
    tpu.wait_dma2 semaphore(%arg18 : memref<!tpu.dma_semaphore, #tpu.memory_space<semaphore_mem>>) src(%dma_wait3A_56 : memref<640x32xf32, #tpu.memory_space<hbm>>) dst(%dma_wait3A_54 : memref<640x32xf32, #tpu.memory_space<vmem_shared>>)
    %barrier3A = arith.constant 0 : index
    tpu.barrier barrier_id(%barrier3A)
    %scan3A = arith.constant 0 : i32
    %scan3A_57 = arith.constant 0 : i32
    %scan3A_58 = arith.constant 20 : i32
    %scan3A_59 = arith.addi %scan3A_57, %scan3A_58 : i32
    %scan3A_60 = arith.constant 1 : i32
    scf.for %scan3A_147 = %scan3A_57 to %scan3A_59 step %scan3A_60  : i32 {
      %mul3A_148 = arith.constant 2 : i32
      %mul3A_149 = arith.muli %mul3A_148, %scan3A_147 : i32
      %gt3A = arith.constant 0 : i32
      %gt3A_150 = arith.cmpi sgt, %mul3A_149, %gt3A : i32
      %convert_element_type3A_151 = arith.extui %gt3A_150 : i1 to i32
      %cond3A_152 = arith.constant 0 : i32
      %cond3A_153 = arith.cmpi ne, %convert_element_type3A_151, %cond3A_152 : i32
      scf.if %cond3A_153 {
        %dma_wait3A_240 = arith.constant 0 : i32
        %dma_wait3A_241 = arith.constant 0 : i32
        %dma_wait3A_242 = tpu.memref_slice %arg2[%dma_wait3A_240, %dma_wait3A_241] : memref<10240x32xf32, #tpu.memory_space<hbm>> -> memref<256x32xf32, #tpu.memory_space<hbm>>
        %dma_wait3A_243 = arith.constant 0 : i32
        %dma_wait3A_244 = arith.constant 0 : i32
        %dma_wait3A_245 = tpu.memref_slice %arg2[%dma_wait3A_243, %dma_wait3A_244] : memref<10240x32xf32, #tpu.memory_space<hbm>> -> memref<256x32xf32, #tpu.memory_space<hbm>>
        tpu.wait_dma2 semaphore(%arg16 : memref<!tpu.dma_semaphore, #tpu.memory_space<semaphore_mem>>) src(%dma_wait3A_245 : memref<256x32xf32, #tpu.memory_space<hbm>>) dst(%arg11 : memref<256x32xf32, #tpu.memory_space<vmem>>)
        %dma_wait3A_246 = arith.constant 0 : i32
        %dma_wait3A_247 = arith.constant 0 : i32
        %dma_wait3A_248 = tpu.memref_slice %arg2[%dma_wait3A_246, %dma_wait3A_247] : memref<10240x32xf32, #tpu.memory_space<hbm>> -> memref<256x32xf32, #tpu.memory_space<hbm>>
        %dma_wait3A_249 = arith.constant 0 : i32
        %dma_wait3A_250 = arith.constant 0 : i32
        %dma_wait3A_251 = tpu.memref_slice %arg2[%dma_wait3A_249, %dma_wait3A_250] : memref<10240x32xf32, #tpu.memory_space<hbm>> -> memref<256x32xf32, #tpu.memory_space<hbm>>
        tpu.wait_dma2 semaphore(%arg16 : memref<!tpu.dma_semaphore, #tpu.memory_space<semaphore_mem>>) src(%dma_wait3A_251 : memref<256x32xf32, #tpu.memory_space<hbm>>) dst(%arg12 : memref<256x32xf32, #tpu.memory_space<vmem>>)
      } else {
      }
      %add3A_154 = arith.constant 1 : i32
      %add3A_155 = arith.addi %mul3A_149, %add3A_154 : i32
      %lt3A = arith.constant 40 : i32
      %lt3A_156 = arith.cmpi slt, %add3A_155, %lt3A : i32
      %convert_element_type3A_157 = arith.extui %lt3A_156 : i1 to i32
      %cond3A_158 = arith.constant 0 : i32
      %cond3A_159 = arith.cmpi ne, %convert_element_type3A_157, %cond3A_158 : i32
      scf.if %cond3A_159 {
        %add3A_240 = arith.constant 1 : i32
        %add3A_241 = arith.addi %mul3A_149, %add3A_240 : i32
        %mul3A_242 = arith.constant 2 : i32
        %mul3A_243 = arith.muli %add3A_241, %mul3A_242 : i32
        %add3A_244 = arith.constant 0 : i32
        %add3A_245 = arith.addi %mul3A_243, %add3A_244 : i32
        %dma_start3A_246 = arith.constant 0 : i32
        %dma_start3A_247 = tpu.memref_slice %arg7[%add3A_245, %dma_start3A_246] : memref<80x256xi32, #tpu.memory_space<vmem>> -> memref<1x256xi32, #tpu.memory_space<vmem>>
        %dma_start3A_248 = tpu.memref_squeeze %dma_start3A_247 : memref<1x256xi32, #tpu.memory_space<vmem>> -> memref<256xi32, #tpu.memory_space<vmem>>
        %dma_start3A_249 = arith.constant 0 : i32
        %dma_start3A_250 = arith.constant 0 : i32
        %dma_start3A_251 = tpu.memref_slice %arg2[%dma_start3A_249, %dma_start3A_250] : memref<10240x32xf32, #tpu.memory_space<hbm>> -> memref<10240x32xf32, #tpu.memory_space<hbm>>
        tpu.enqueue_indirect_dma source(%dma_start3A_251 : memref<10240x32xf32, #tpu.memory_space<hbm>>) target(%arg11 : memref<256x32xf32, #tpu.memory_space<vmem>>) offsets(%dma_start3A_248 : memref<256xi32, #tpu.memory_space<vmem>>) semaphore(%arg14 : memref<!tpu.dma_semaphore, #tpu.memory_space<semaphore_mem>>)
        %mul3A_252 = arith.constant 2 : i32
        %mul3A_253 = arith.muli %add3A_241, %mul3A_252 : i32
        %add3A_254 = arith.constant 1 : i32
        %add3A_255 = arith.addi %mul3A_253, %add3A_254 : i32
        %dma_start3A_256 = arith.constant 0 : i32
        %dma_start3A_257 = tpu.memref_slice %arg7[%add3A_255, %dma_start3A_256] : memref<80x256xi32, #tpu.memory_space<vmem>> -> memref<1x256xi32, #tpu.memory_space<vmem>>
        %dma_start3A_258 = tpu.memref_squeeze %dma_start3A_257 : memref<1x256xi32, #tpu.memory_space<vmem>> -> memref<256xi32, #tpu.memory_space<vmem>>
        %dma_start3A_259 = arith.constant 0 : i32
        %dma_start3A_260 = arith.constant 0 : i32
        %dma_start3A_261 = tpu.memref_slice %arg2[%dma_start3A_259, %dma_start3A_260] : memref<10240x32xf32, #tpu.memory_space<hbm>> -> memref<10240x32xf32, #tpu.memory_space<hbm>>
        tpu.enqueue_indirect_dma source(%dma_start3A_261 : memref<10240x32xf32, #tpu.memory_space<hbm>>) target(%arg12 : memref<256x32xf32, #tpu.memory_space<vmem>>) offsets(%dma_start3A_258 : memref<256xi32, #tpu.memory_space<vmem>>) semaphore(%arg14 : memref<!tpu.dma_semaphore, #tpu.memory_space<semaphore_mem>>)
      } else {
      }
      %dma_wait3A_160 = arith.constant 0 : i32
      %dma_wait3A_161 = arith.constant 0 : i32
      %dma_wait3A_162 = tpu.memref_slice %arg2[%dma_wait3A_160, %dma_wait3A_161] : memref<10240x32xf32, #tpu.memory_space<hbm>> -> memref<256x32xf32, #tpu.memory_space<hbm>>
      %dma_wait3A_163 = arith.constant 0 : i32
      %dma_wait3A_164 = arith.constant 0 : i32
      %dma_wait3A_165 = tpu.memref_slice %arg2[%dma_wait3A_163, %dma_wait3A_164] : memref<10240x32xf32, #tpu.memory_space<hbm>> -> memref<256x32xf32, #tpu.memory_space<hbm>>
      tpu.wait_dma2 semaphore(%arg13 : memref<!tpu.dma_semaphore, #tpu.memory_space<semaphore_mem>>) src(%dma_wait3A_165 : memref<256x32xf32, #tpu.memory_space<hbm>>) dst(%arg9 : memref<256x32xf32, #tpu.memory_space<vmem>>)
      %dma_wait3A_166 = arith.constant 0 : i32
      %dma_wait3A_167 = arith.constant 0 : i32
      %dma_wait3A_168 = tpu.memref_slice %arg2[%dma_wait3A_166, %dma_wait3A_167] : memref<10240x32xf32, #tpu.memory_space<hbm>> -> memref<256x32xf32, #tpu.memory_space<hbm>>
      %dma_wait3A_169 = arith.constant 0 : i32
      %dma_wait3A_170 = arith.constant 0 : i32
      %dma_wait3A_171 = tpu.memref_slice %arg2[%dma_wait3A_169, %dma_wait3A_170] : memref<10240x32xf32, #tpu.memory_space<hbm>> -> memref<256x32xf32, #tpu.memory_space<hbm>>
      tpu.wait_dma2 semaphore(%arg13 : memref<!tpu.dma_semaphore, #tpu.memory_space<semaphore_mem>>) src(%dma_wait3A_171 : memref<256x32xf32, #tpu.memory_space<hbm>>) dst(%arg10 : memref<256x32xf32, #tpu.memory_space<vmem>>)
      %mul3A_172 = arith.constant 2 : i32
      %mul3A_173 = arith.muli %mul3A_149, %mul3A_172 : i32
      %add3A_174 = arith.constant 0 : i32
      %add3A_175 = arith.addi %mul3A_173, %add3A_174 : i32
      %dma_start3A_176 = arith.constant 0 : i32
      %dma_start3A_177 = tpu.memref_slice %arg8[%add3A_175, %dma_start3A_176] : memref<80x256xi32, #tpu.memory_space<vmem>> -> memref<1x256xi32, #tpu.memory_space<vmem>>
      %dma_start3A_178 = tpu.memref_squeeze %dma_start3A_177 : memref<1x256xi32, #tpu.memory_space<vmem>> -> memref<256xi32, #tpu.memory_space<vmem>>
      %dma_start3A_179 = arith.constant 0 : i32
      %dma_start3A_180 = arith.constant 0 : i32
      %dma_start3A_181 = tpu.memref_slice %arg19[%dma_start3A_179, %dma_start3A_180] : memref<10240x32xf32, #tpu.memory_space<vmem_shared>> -> memref<10240x32xf32, #tpu.memory_space<vmem_shared>>
      tpu.enqueue_indirect_dma source(%arg9 : memref<256x32xf32, #tpu.memory_space<vmem>>) target(%dma_start3A_181 : memref<10240x32xf32, #tpu.memory_space<vmem_shared>>) offsets(%dma_start3A_178 : memref<256xi32, #tpu.memory_space<vmem>>) semaphore(%arg15 : memref<!tpu.dma_semaphore, #tpu.memory_space<semaphore_mem>>) {add = true}
      %mul3A_182 = arith.constant 2 : i32
      %mul3A_183 = arith.muli %mul3A_149, %mul3A_182 : i32
      %add3A_184 = arith.constant 1 : i32
      %add3A_185 = arith.addi %mul3A_183, %add3A_184 : i32
      %dma_start3A_186 = arith.constant 0 : i32
      %dma_start3A_187 = tpu.memref_slice %arg8[%add3A_185, %dma_start3A_186] : memref<80x256xi32, #tpu.memory_space<vmem>> -> memref<1x256xi32, #tpu.memory_space<vmem>>
      %dma_start3A_188 = tpu.memref_squeeze %dma_start3A_187 : memref<1x256xi32, #tpu.memory_space<vmem>> -> memref<256xi32, #tpu.memory_space<vmem>>
      %dma_start3A_189 = arith.constant 0 : i32
      %dma_start3A_190 = arith.constant 0 : i32
      %dma_start3A_191 = tpu.memref_slice %arg19[%dma_start3A_189, %dma_start3A_190] : memref<10240x32xf32, #tpu.memory_space<vmem_shared>> -> memref<10240x32xf32, #tpu.memory_space<vmem_shared>>
      tpu.enqueue_indirect_dma source(%arg10 : memref<256x32xf32, #tpu.memory_space<vmem>>) target(%dma_start3A_191 : memref<10240x32xf32, #tpu.memory_space<vmem_shared>>) offsets(%dma_start3A_188 : memref<256xi32, #tpu.memory_space<vmem>>) semaphore(%arg15 : memref<!tpu.dma_semaphore, #tpu.memory_space<semaphore_mem>>) {add = true}
      %mul3A_192 = arith.constant 2 : i32
      %mul3A_193 = arith.muli %mul3A_192, %scan3A_147 : i32
      %add3A_194 = arith.constant 1 : i32
      %add3A_195 = arith.addi %mul3A_193, %add3A_194 : i32
      %gt3A_196 = arith.constant 0 : i32
      %gt3A_197 = arith.cmpi sgt, %add3A_195, %gt3A_196 : i32
      %convert_element_type3A_198 = arith.extui %gt3A_197 : i1 to i32
      %cond3A_199 = arith.constant 0 : i32
      %cond3A_200 = arith.cmpi ne, %convert_element_type3A_198, %cond3A_199 : i32
      scf.if %cond3A_200 {
        %dma_wait3A_240 = arith.constant 0 : i32
        %dma_wait3A_241 = arith.constant 0 : i32
        %dma_wait3A_242 = tpu.memref_slice %arg2[%dma_wait3A_240, %dma_wait3A_241] : memref<10240x32xf32, #tpu.memory_space<hbm>> -> memref<256x32xf32, #tpu.memory_space<hbm>>
        %dma_wait3A_243 = arith.constant 0 : i32
        %dma_wait3A_244 = arith.constant 0 : i32
        %dma_wait3A_245 = tpu.memref_slice %arg2[%dma_wait3A_243, %dma_wait3A_244] : memref<10240x32xf32, #tpu.memory_space<hbm>> -> memref<256x32xf32, #tpu.memory_space<hbm>>
        tpu.wait_dma2 semaphore(%arg15 : memref<!tpu.dma_semaphore, #tpu.memory_space<semaphore_mem>>) src(%dma_wait3A_245 : memref<256x32xf32, #tpu.memory_space<hbm>>) dst(%arg9 : memref<256x32xf32, #tpu.memory_space<vmem>>)
        %dma_wait3A_246 = arith.constant 0 : i32
        %dma_wait3A_247 = arith.constant 0 : i32
        %dma_wait3A_248 = tpu.memref_slice %arg2[%dma_wait3A_246, %dma_wait3A_247] : memref<10240x32xf32, #tpu.memory_space<hbm>> -> memref<256x32xf32, #tpu.memory_space<hbm>>
        %dma_wait3A_249 = arith.constant 0 : i32
        %dma_wait3A_250 = arith.constant 0 : i32
        %dma_wait3A_251 = tpu.memref_slice %arg2[%dma_wait3A_249, %dma_wait3A_250] : memref<10240x32xf32, #tpu.memory_space<hbm>> -> memref<256x32xf32, #tpu.memory_space<hbm>>
        tpu.wait_dma2 semaphore(%arg15 : memref<!tpu.dma_semaphore, #tpu.memory_space<semaphore_mem>>) src(%dma_wait3A_251 : memref<256x32xf32, #tpu.memory_space<hbm>>) dst(%arg10 : memref<256x32xf32, #tpu.memory_space<vmem>>)
      } else {
      }
      %add3A_201 = arith.constant 1 : i32
      %add3A_202 = arith.addi %add3A_195, %add3A_201 : i32
      %lt3A_203 = arith.constant 40 : i32
      %lt3A_204 = arith.cmpi slt, %add3A_202, %lt3A_203 : i32
      %convert_element_type3A_205 = arith.extui %lt3A_204 : i1 to i32
      %cond3A_206 = arith.constant 0 : i32
      %cond3A_207 = arith.cmpi ne, %convert_element_type3A_205, %cond3A_206 : i32
      scf.if %cond3A_207 {
        %add3A_240 = arith.constant 1 : i32
        %add3A_241 = arith.addi %add3A_195, %add3A_240 : i32
        %mul3A_242 = arith.constant 2 : i32
        %mul3A_243 = arith.muli %add3A_241, %mul3A_242 : i32
        %add3A_244 = arith.constant 0 : i32
        %add3A_245 = arith.addi %mul3A_243, %add3A_244 : i32
        %dma_start3A_246 = arith.constant 0 : i32
        %dma_start3A_247 = tpu.memref_slice %arg7[%add3A_245, %dma_start3A_246] : memref<80x256xi32, #tpu.memory_space<vmem>> -> memref<1x256xi32, #tpu.memory_space<vmem>>
        %dma_start3A_248 = tpu.memref_squeeze %dma_start3A_247 : memref<1x256xi32, #tpu.memory_space<vmem>> -> memref<256xi32, #tpu.memory_space<vmem>>
        %dma_start3A_249 = arith.constant 0 : i32
        %dma_start3A_250 = arith.constant 0 : i32
        %dma_start3A_251 = tpu.memref_slice %arg2[%dma_start3A_249, %dma_start3A_250] : memref<10240x32xf32, #tpu.memory_space<hbm>> -> memref<10240x32xf32, #tpu.memory_space<hbm>>
        tpu.enqueue_indirect_dma source(%dma_start3A_251 : memref<10240x32xf32, #tpu.memory_space<hbm>>) target(%arg9 : memref<256x32xf32, #tpu.memory_space<vmem>>) offsets(%dma_start3A_248 : memref<256xi32, #tpu.memory_space<vmem>>) semaphore(%arg13 : memref<!tpu.dma_semaphore, #tpu.memory_space<semaphore_mem>>)
        %mul3A_252 = arith.constant 2 : i32
        %mul3A_253 = arith.muli %add3A_241, %mul3A_252 : i32
        %add3A_254 = arith.constant 1 : i32
        %add3A_255 = arith.addi %mul3A_253, %add3A_254 : i32
        %dma_start3A_256 = arith.constant 0 : i32
        %dma_start3A_257 = tpu.memref_slice %arg7[%add3A_255, %dma_start3A_256] : memref<80x256xi32, #tpu.memory_space<vmem>> -> memref<1x256xi32, #tpu.memory_space<vmem>>
        %dma_start3A_258 = tpu.memref_squeeze %dma_start3A_257 : memref<1x256xi32, #tpu.memory_space<vmem>> -> memref<256xi32, #tpu.memory_space<vmem>>
        %dma_start3A_259 = arith.constant 0 : i32
        %dma_start3A_260 = arith.constant 0 : i32
        %dma_start3A_261 = tpu.memref_slice %arg2[%dma_start3A_259, %dma_start3A_260] : memref<10240x32xf32, #tpu.memory_space<hbm>> -> memref<10240x32xf32, #tpu.memory_space<hbm>>
        tpu.enqueue_indirect_dma source(%dma_start3A_261 : memref<10240x32xf32, #tpu.memory_space<hbm>>) target(%arg10 : memref<256x32xf32, #tpu.memory_space<vmem>>) offsets(%dma_start3A_258 : memref<256xi32, #tpu.memory_space<vmem>>) semaphore(%arg13 : memref<!tpu.dma_semaphore, #tpu.memory_space<semaphore_mem>>)
      } else {
      }
      %dma_wait3A_208 = arith.constant 0 : i32
      %dma_wait3A_209 = arith.constant 0 : i32
      %dma_wait3A_210 = tpu.memref_slice %arg2[%dma_wait3A_208, %dma_wait3A_209] : memref<10240x32xf32, #tpu.memory_space<hbm>> -> memref<256x32xf32, #tpu.memory_space<hbm>>
      %dma_wait3A_211 = arith.constant 0 : i32
      %dma_wait3A_212 = arith.constant 0 : i32
      %dma_wait3A_213 = tpu.memref_slice %arg2[%dma_wait3A_211, %dma_wait3A_212] : memref<10240x32xf32, #tpu.memory_space<hbm>> -> memref<256x32xf32, #tpu.memory_space<hbm>>
      tpu.wait_dma2 semaphore(%arg14 : memref<!tpu.dma_semaphore, #tpu.memory_space<semaphore_mem>>) src(%dma_wait3A_213 : memref<256x32xf32, #tpu.memory_space<hbm>>) dst(%arg11 : memref<256x32xf32, #tpu.memory_space<vmem>>)
      %dma_wait3A_214 = arith.constant 0 : i32
      %dma_wait3A_215 = arith.constant 0 : i32
      %dma_wait3A_216 = tpu.memref_slice %arg2[%dma_wait3A_214, %dma_wait3A_215] : memref<10240x32xf32, #tpu.memory_space<hbm>> -> memref<256x32xf32, #tpu.memory_space<hbm>>
      %dma_wait3A_217 = arith.constant 0 : i32
      %dma_wait3A_218 = arith.constant 0 : i32
      %dma_wait3A_219 = tpu.memref_slice %arg2[%dma_wait3A_217, %dma_wait3A_218] : memref<10240x32xf32, #tpu.memory_space<hbm>> -> memref<256x32xf32, #tpu.memory_space<hbm>>
      tpu.wait_dma2 semaphore(%arg14 : memref<!tpu.dma_semaphore, #tpu.memory_space<semaphore_mem>>) src(%dma_wait3A_219 : memref<256x32xf32, #tpu.memory_space<hbm>>) dst(%arg12 : memref<256x32xf32, #tpu.memory_space<vmem>>)
      %mul3A_220 = arith.constant 2 : i32
      %mul3A_221 = arith.muli %add3A_195, %mul3A_220 : i32
      %add3A_222 = arith.constant 0 : i32
      %add3A_223 = arith.addi %mul3A_221, %add3A_222 : i32
      %dma_start3A_224 = arith.constant 0 : i32
      %dma_start3A_225 = tpu.memref_slice %arg8[%add3A_223, %dma_start3A_224] : memref<80x256xi32, #tpu.memory_space<vmem>> -> memref<1x256xi32, #tpu.memory_space<vmem>>
      %dma_start3A_226 = tpu.memref_squeeze %dma_start3A_225 : memref<1x256xi32, #tpu.memory_space<vmem>> -> memref<256xi32, #tpu.memory_space<vmem>>
      %dma_start3A_227 = arith.constant 0 : i32
      %dma_start3A_228 = arith.constant 0 : i32
      %dma_start3A_229 = tpu.memref_slice %arg19[%dma_start3A_227, %dma_start3A_228] : memref<10240x32xf32, #tpu.memory_space<vmem_shared>> -> memref<10240x32xf32, #tpu.memory_space<vmem_shared>>
      tpu.enqueue_indirect_dma source(%arg11 : memref<256x32xf32, #tpu.memory_space<vmem>>) target(%dma_start3A_229 : memref<10240x32xf32, #tpu.memory_space<vmem_shared>>) offsets(%dma_start3A_226 : memref<256xi32, #tpu.memory_space<vmem>>) semaphore(%arg16 : memref<!tpu.dma_semaphore, #tpu.memory_space<semaphore_mem>>) {add = true}
      %mul3A_230 = arith.constant 2 : i32
      %mul3A_231 = arith.muli %add3A_195, %mul3A_230 : i32
      %add3A_232 = arith.constant 1 : i32
      %add3A_233 = arith.addi %mul3A_231, %add3A_232 : i32
      %dma_start3A_234 = arith.constant 0 : i32
      %dma_start3A_235 = tpu.memref_slice %arg8[%add3A_233, %dma_start3A_234] : memref<80x256xi32, #tpu.memory_space<vmem>> -> memref<1x256xi32, #tpu.memory_space<vmem>>
      %dma_start3A_236 = tpu.memref_squeeze %dma_start3A_235 : memref<1x256xi32, #tpu.memory_space<vmem>> -> memref<256xi32, #tpu.memory_space<vmem>>
      %dma_start3A_237 = arith.constant 0 : i32
      %dma_start3A_238 = arith.constant 0 : i32
      %dma_start3A_239 = tpu.memref_slice %arg19[%dma_start3A_237, %dma_start3A_238] : memref<10240x32xf32, #tpu.memory_space<vmem_shared>> -> memref<10240x32xf32, #tpu.memory_space<vmem_shared>>
      tpu.enqueue_indirect_dma source(%arg12 : memref<256x32xf32, #tpu.memory_space<vmem>>) target(%dma_start3A_239 : memref<10240x32xf32, #tpu.memory_space<vmem_shared>>) offsets(%dma_start3A_236 : memref<256xi32, #tpu.memory_space<vmem>>) semaphore(%arg16 : memref<!tpu.dma_semaphore, #tpu.memory_space<semaphore_mem>>) {add = true}
    }
    %scan3A_61 = arith.constant 20 : i32
    %dma_wait3A_62 = arith.constant 0 : i32
    %dma_wait3A_63 = arith.constant 0 : i32
    %dma_wait3A_64 = tpu.memref_slice %arg2[%dma_wait3A_62, %dma_wait3A_63] : memref<10240x32xf32, #tpu.memory_space<hbm>> -> memref<256x32xf32, #tpu.memory_space<hbm>>
    %dma_wait3A_65 = arith.constant 0 : i32
    %dma_wait3A_66 = arith.constant 0 : i32
    %dma_wait3A_67 = tpu.memref_slice %arg2[%dma_wait3A_65, %dma_wait3A_66] : memref<10240x32xf32, #tpu.memory_space<hbm>> -> memref<256x32xf32, #tpu.memory_space<hbm>>
    tpu.wait_dma2 semaphore(%arg16 : memref<!tpu.dma_semaphore, #tpu.memory_space<semaphore_mem>>) src(%dma_wait3A_67 : memref<256x32xf32, #tpu.memory_space<hbm>>) dst(%arg11 : memref<256x32xf32, #tpu.memory_space<vmem>>)
    %dma_wait3A_68 = arith.constant 0 : i32
    %dma_wait3A_69 = arith.constant 0 : i32
    %dma_wait3A_70 = tpu.memref_slice %arg2[%dma_wait3A_68, %dma_wait3A_69] : memref<10240x32xf32, #tpu.memory_space<hbm>> -> memref<256x32xf32, #tpu.memory_space<hbm>>
    %dma_wait3A_71 = arith.constant 0 : i32
    %dma_wait3A_72 = arith.constant 0 : i32
    %dma_wait3A_73 = tpu.memref_slice %arg2[%dma_wait3A_71, %dma_wait3A_72] : memref<10240x32xf32, #tpu.memory_space<hbm>> -> memref<256x32xf32, #tpu.memory_space<hbm>>
    tpu.wait_dma2 semaphore(%arg16 : memref<!tpu.dma_semaphore, #tpu.memory_space<semaphore_mem>>) src(%dma_wait3A_73 : memref<256x32xf32, #tpu.memory_space<hbm>>) dst(%arg12 : memref<256x32xf32, #tpu.memory_space<vmem>>)
    %barrier3A_74 = arith.constant 0 : index
    tpu.barrier barrier_id(%barrier3A_74)
    %mul3A_75 = arith.constant 640 : i32
    %mul3A_76 = arith.muli %arg1, %mul3A_75 : i32
    %add3A_77 = arith.constant 0 : i32
    %add3A_78 = arith.addi %mul3A_76, %add3A_77 : i32
    %dma_start3A_79 = arith.constant 0 : i32
    %dma_start3A_80 = tpu.memref_slice %arg6[%arg0, %add3A_78, %dma_start3A_79] : memref<2x10240x32xf32, #tpu.memory_space<hbm>> -> memref<1x160x32xf32, #tpu.memory_space<hbm>>
    %dma_start3A_81 = tpu.memref_squeeze %dma_start3A_80 : memref<1x160x32xf32, #tpu.memory_space<hbm>> -> memref<160x32xf32, #tpu.memory_space<hbm>>
    %dma_start3A_82 = arith.constant 0 : i32
    %dma_start3A_83 = tpu.memref_slice %arg19[%add3A_78, %dma_start3A_82] : memref<10240x32xf32, #tpu.memory_space<vmem_shared>> -> memref<160x32xf32, #tpu.memory_space<vmem_shared>>
    tpu.enqueue_dma source(%dma_start3A_83 : memref<160x32xf32, #tpu.memory_space<vmem_shared>>) target(%dma_start3A_81 : memref<160x32xf32, #tpu.memory_space<hbm>>) target_semaphore(%arg18 : memref<!tpu.dma_semaphore, #tpu.memory_space<semaphore_mem>>)
    %mul3A_84 = arith.constant 640 : i32
    %mul3A_85 = arith.muli %arg1, %mul3A_84 : i32
    %add3A_86 = arith.constant 160 : i32
    %add3A_87 = arith.addi %mul3A_85, %add3A_86 : i32
    %dma_start3A_88 = arith.constant 0 : i32
    %dma_start3A_89 = tpu.memref_slice %arg6[%arg0, %add3A_87, %dma_start3A_88] : memref<2x10240x32xf32, #tpu.memory_space<hbm>> -> memref<1x160x32xf32, #tpu.memory_space<hbm>>
    %dma_start3A_90 = tpu.memref_squeeze %dma_start3A_89 : memref<1x160x32xf32, #tpu.memory_space<hbm>> -> memref<160x32xf32, #tpu.memory_space<hbm>>
    %dma_start3A_91 = arith.constant 0 : i32
    %dma_start3A_92 = tpu.memref_slice %arg19[%add3A_87, %dma_start3A_91] : memref<10240x32xf32, #tpu.memory_space<vmem_shared>> -> memref<160x32xf32, #tpu.memory_space<vmem_shared>>
    tpu.enqueue_dma source(%dma_start3A_92 : memref<160x32xf32, #tpu.memory_space<vmem_shared>>) target(%dma_start3A_90 : memref<160x32xf32, #tpu.memory_space<hbm>>) target_semaphore(%arg18 : memref<!tpu.dma_semaphore, #tpu.memory_space<semaphore_mem>>)
    %mul3A_93 = arith.constant 640 : i32
    %mul3A_94 = arith.muli %arg1, %mul3A_93 : i32
    %add3A_95 = arith.constant 320 : i32
    %add3A_96 = arith.addi %mul3A_94, %add3A_95 : i32
    %dma_start3A_97 = arith.constant 0 : i32
    %dma_start3A_98 = tpu.memref_slice %arg6[%arg0, %add3A_96, %dma_start3A_97] : memref<2x10240x32xf32, #tpu.memory_space<hbm>> -> memref<1x160x32xf32, #tpu.memory_space<hbm>>
    %dma_start3A_99 = tpu.memref_squeeze %dma_start3A_98 : memref<1x160x32xf32, #tpu.memory_space<hbm>> -> memref<160x32xf32, #tpu.memory_space<hbm>>
    %dma_start3A_100 = arith.constant 0 : i32
    %dma_start3A_101 = tpu.memref_slice %arg19[%add3A_96, %dma_start3A_100] : memref<10240x32xf32, #tpu.memory_space<vmem_shared>> -> memref<160x32xf32, #tpu.memory_space<vmem_shared>>
    tpu.enqueue_dma source(%dma_start3A_101 : memref<160x32xf32, #tpu.memory_space<vmem_shared>>) target(%dma_start3A_99 : memref<160x32xf32, #tpu.memory_space<hbm>>) target_semaphore(%arg18 : memref<!tpu.dma_semaphore, #tpu.memory_space<semaphore_mem>>)
    %mul3A_102 = arith.constant 640 : i32
    %mul3A_103 = arith.muli %arg1, %mul3A_102 : i32
    %add3A_104 = arith.constant 480 : i32
    %add3A_105 = arith.addi %mul3A_103, %add3A_104 : i32
    %dma_start3A_106 = arith.constant 0 : i32
    %dma_start3A_107 = tpu.memref_slice %arg6[%arg0, %add3A_105, %dma_start3A_106] : memref<2x10240x32xf32, #tpu.memory_space<hbm>> -> memref<1x160x32xf32, #tpu.memory_space<hbm>>
    %dma_start3A_108 = tpu.memref_squeeze %dma_start3A_107 : memref<1x160x32xf32, #tpu.memory_space<hbm>> -> memref<160x32xf32, #tpu.memory_space<hbm>>
    %dma_start3A_109 = arith.constant 0 : i32
    %dma_start3A_110 = tpu.memref_slice %arg19[%add3A_105, %dma_start3A_109] : memref<10240x32xf32, #tpu.memory_space<vmem_shared>> -> memref<160x32xf32, #tpu.memory_space<vmem_shared>>
    tpu.enqueue_dma source(%dma_start3A_110 : memref<160x32xf32, #tpu.memory_space<vmem_shared>>) target(%dma_start3A_108 : memref<160x32xf32, #tpu.memory_space<hbm>>) target_semaphore(%arg18 : memref<!tpu.dma_semaphore, #tpu.memory_space<semaphore_mem>>)
    %mul3A_111 = arith.constant 640 : i32
    %mul3A_112 = arith.muli %arg1, %mul3A_111 : i32
    %add3A_113 = arith.constant 0 : i32
    %add3A_114 = arith.addi %mul3A_112, %add3A_113 : i32
    %dma_wait3A_115 = arith.constant 0 : i32
    %dma_wait3A_116 = tpu.memref_slice %arg6[%arg0, %add3A_114, %dma_wait3A_115] : memref<2x10240x32xf32, #tpu.memory_space<hbm>> -> memref<1x160x32xf32, #tpu.memory_space<hbm>>
    %dma_wait3A_117 = tpu.memref_squeeze %dma_wait3A_116 : memref<1x160x32xf32, #tpu.memory_space<hbm>> -> memref<160x32xf32, #tpu.memory_space<hbm>>
    %dma_wait3A_118 = arith.constant 0 : i32
    %dma_wait3A_119 = tpu.memref_slice %arg19[%add3A_114, %dma_wait3A_118] : memref<10240x32xf32, #tpu.memory_space<vmem_shared>> -> memref<160x32xf32, #tpu.memory_space<vmem_shared>>
    tpu.wait_dma2 semaphore(%arg18 : memref<!tpu.dma_semaphore, #tpu.memory_space<semaphore_mem>>) src(%dma_wait3A_119 : memref<160x32xf32, #tpu.memory_space<vmem_shared>>) dst(%dma_wait3A_117 : memref<160x32xf32, #tpu.memory_space<hbm>>)
    %mul3A_120 = arith.constant 640 : i32
    %mul3A_121 = arith.muli %arg1, %mul3A_120 : i32
    %add3A_122 = arith.constant 160 : i32
    %add3A_123 = arith.addi %mul3A_121, %add3A_122 : i32
    %dma_wait3A_124 = arith.constant 0 : i32
    %dma_wait3A_125 = tpu.memref_slice %arg6[%arg0, %add3A_123, %dma_wait3A_124] : memref<2x10240x32xf32, #tpu.memory_space<hbm>> -> memref<1x160x32xf32, #tpu.memory_space<hbm>>
    %dma_wait3A_126 = tpu.memref_squeeze %dma_wait3A_125 : memref<1x160x32xf32, #tpu.memory_space<hbm>> -> memref<160x32xf32, #tpu.memory_space<hbm>>
    %dma_wait3A_127 = arith.constant 0 : i32
    %dma_wait3A_128 = tpu.memref_slice %arg19[%add3A_123, %dma_wait3A_127] : memref<10240x32xf32, #tpu.memory_space<vmem_shared>> -> memref<160x32xf32, #tpu.memory_space<vmem_shared>>
    tpu.wait_dma2 semaphore(%arg18 : memref<!tpu.dma_semaphore, #tpu.memory_space<semaphore_mem>>) src(%dma_wait3A_128 : memref<160x32xf32, #tpu.memory_space<vmem_shared>>) dst(%dma_wait3A_126 : memref<160x32xf32, #tpu.memory_space<hbm>>)
    %mul3A_129 = arith.constant 640 : i32
    %mul3A_130 = arith.muli %arg1, %mul3A_129 : i32
    %add3A_131 = arith.constant 320 : i32
    %add3A_132 = arith.addi %mul3A_130, %add3A_131 : i32
    %dma_wait3A_133 = arith.constant 0 : i32
    %dma_wait3A_134 = tpu.memref_slice %arg6[%arg0, %add3A_132, %dma_wait3A_133] : memref<2x10240x32xf32, #tpu.memory_space<hbm>> -> memref<1x160x32xf32, #tpu.memory_space<hbm>>
    %dma_wait3A_135 = tpu.memref_squeeze %dma_wait3A_134 : memref<1x160x32xf32, #tpu.memory_space<hbm>> -> memref<160x32xf32, #tpu.memory_space<hbm>>
    %dma_wait3A_136 = arith.constant 0 : i32
    %dma_wait3A_137 = tpu.memref_slice %arg19[%add3A_132, %dma_wait3A_136] : memref<10240x32xf32, #tpu.memory_space<vmem_shared>> -> memref<160x32xf32, #tpu.memory_space<vmem_shared>>
    tpu.wait_dma2 semaphore(%arg18 : memref<!tpu.dma_semaphore, #tpu.memory_space<semaphore_mem>>) src(%dma_wait3A_137 : memref<160x32xf32, #tpu.memory_space<vmem_shared>>) dst(%dma_wait3A_135 : memref<160x32xf32, #tpu.memory_space<hbm>>)
    %mul3A_138 = arith.constant 640 : i32
    %mul3A_139 = arith.muli %arg1, %mul3A_138 : i32
    %add3A_140 = arith.constant 480 : i32
    %add3A_141 = arith.addi %mul3A_139, %add3A_140 : i32
    %dma_wait3A_142 = arith.constant 0 : i32
    %dma_wait3A_143 = tpu.memref_slice %arg6[%arg0, %add3A_141, %dma_wait3A_142] : memref<2x10240x32xf32, #tpu.memory_space<hbm>> -> memref<1x160x32xf32, #tpu.memory_space<hbm>>
    %dma_wait3A_144 = tpu.memref_squeeze %dma_wait3A_143 : memref<1x160x32xf32, #tpu.memory_space<hbm>> -> memref<160x32xf32, #tpu.memory_space<hbm>>
    %dma_wait3A_145 = arith.constant 0 : i32
    %dma_wait3A_146 = tpu.memref_slice %arg19[%add3A_141, %dma_wait3A_145] : memref<10240x32xf32, #tpu.memory_space<vmem_shared>> -> memref<160x32xf32, #tpu.memory_space<vmem_shared>>
    tpu.wait_dma2 semaphore(%arg18 : memref<!tpu.dma_semaphore, #tpu.memory_space<semaphore_mem>>) src(%dma_wait3A_146 : memref<160x32xf32, #tpu.memory_space<vmem_shared>>) dst(%dma_wait3A_144 : memref<160x32xf32, #tpu.memory_space<hbm>>)
    return
  }
}

#map = affine_map<(d0, d1) -> (0, 0, 0)>
#map1 = affine_map<(d0, d1) -> (0)>
module attributes {stable_mosaic.version = 14 : i64} {
  func.func @body(%arg0: i32, %arg1: i32, %arg2: memref<32x80x256xi32, #tpu.memory_space<hbm>>, %arg3: memref<80xi32, #tpu.memory_space<hbm>>, %arg4: memref<2x80x128xf32, #tpu.memory_space<hbm>>, %arg5: memref<80x256xi32, #tpu.memory_space<vmem>>, %arg6: memref<10240xf32, #tpu.memory_space<vmem>>, %arg7: memref<80x128xf32, #tpu.memory_space<vmem>>, %arg8: memref<80xi32, #tpu.memory_space<vmem>>, %arg9: memref<80x128xf32, #tpu.memory_space<vmem_shared>>) attributes {dimension_semantics = [#tpu.dimension_semantics<core_parallel>, #tpu.dimension_semantics<subcore_parallel>], iteration_bounds = array<i64: 2, 16>, scalar_prefetch = 0 : i64, scratch_operands = 5 : i64, tpu.core_type = #tpu.core_type<sc_vector_subcore>, window_params = [{transform_indices = #map}, {transform_indices = #map1}, {transform_indices = #map}]} {
    %mul3A = arith.constant 2 : i32
    %mul3A_0 = arith.muli %arg1, %mul3A : i32
    %add3A = arith.addi %mul3A_0, %arg0 : i32
    "tpu.region"() ({
      %run_scoped3A = tpu.sem_alloc : memref<!tpu.dma_semaphore, #tpu.memory_space<semaphore_mem>>
      %dma_start3A = arith.constant 0 : i32
      %dma_start3A_34 = arith.constant 0 : i32
      %dma_start3A_35 = tpu.memref_slice %arg2[%add3A, %dma_start3A, %dma_start3A_34] : memref<32x80x256xi32, #tpu.memory_space<hbm>> -> memref<1x80x256xi32, #tpu.memory_space<hbm>>
      %dma_start3A_36 = tpu.memref_squeeze %dma_start3A_35 : memref<1x80x256xi32, #tpu.memory_space<hbm>> -> memref<80x256xi32, #tpu.memory_space<hbm>>
      %dma_start3A_37 = arith.constant 0 : i32
      %dma_start3A_38 = arith.constant 0 : i32
      %dma_start3A_39 = tpu.memref_slice %arg2[%add3A, %dma_start3A_37, %dma_start3A_38] : memref<32x80x256xi32, #tpu.memory_space<hbm>> -> memref<1x80x256xi32, #tpu.memory_space<hbm>>
      %dma_start3A_40 = tpu.memref_squeeze %dma_start3A_39 : memref<1x80x256xi32, #tpu.memory_space<hbm>> -> memref<80x256xi32, #tpu.memory_space<hbm>>
      tpu.enqueue_dma source(%dma_start3A_40 : memref<80x256xi32, #tpu.memory_space<hbm>>) target(%arg5 : memref<80x256xi32, #tpu.memory_space<vmem>>) target_semaphore(%run_scoped3A : memref<!tpu.dma_semaphore, #tpu.memory_space<semaphore_mem>>)
      %dma_wait3A = arith.constant 0 : i32
      %dma_wait3A_41 = arith.constant 0 : i32
      %dma_wait3A_42 = tpu.memref_slice %arg2[%add3A, %dma_wait3A, %dma_wait3A_41] : memref<32x80x256xi32, #tpu.memory_space<hbm>> -> memref<1x80x256xi32, #tpu.memory_space<hbm>>
      %dma_wait3A_43 = tpu.memref_squeeze %dma_wait3A_42 : memref<1x80x256xi32, #tpu.memory_space<hbm>> -> memref<80x256xi32, #tpu.memory_space<hbm>>
      %dma_wait3A_44 = arith.constant 0 : i32
      %dma_wait3A_45 = arith.constant 0 : i32
      %dma_wait3A_46 = tpu.memref_slice %arg2[%add3A, %dma_wait3A_44, %dma_wait3A_45] : memref<32x80x256xi32, #tpu.memory_space<hbm>> -> memref<1x80x256xi32, #tpu.memory_space<hbm>>
      %dma_wait3A_47 = tpu.memref_squeeze %dma_wait3A_46 : memref<1x80x256xi32, #tpu.memory_space<hbm>> -> memref<80x256xi32, #tpu.memory_space<hbm>>
      tpu.wait_dma2 semaphore(%run_scoped3A : memref<!tpu.dma_semaphore, #tpu.memory_space<semaphore_mem>>) src(%dma_wait3A_47 : memref<80x256xi32, #tpu.memory_space<hbm>>) dst(%arg5 : memref<80x256xi32, #tpu.memory_space<vmem>>)
      tpu.yield
    }) : () -> ()
    "tpu.region"() ({
      %run_scoped3A = tpu.sem_alloc : memref<!tpu.dma_semaphore, #tpu.memory_space<semaphore_mem>>
      tpu.enqueue_dma source(%arg3 : memref<80xi32, #tpu.memory_space<hbm>>) target(%arg8 : memref<80xi32, #tpu.memory_space<vmem>>) target_semaphore(%run_scoped3A : memref<!tpu.dma_semaphore, #tpu.memory_space<semaphore_mem>>)
      tpu.wait_dma2 semaphore(%run_scoped3A : memref<!tpu.dma_semaphore, #tpu.memory_space<semaphore_mem>>) src(%arg3 : memref<80xi32, #tpu.memory_space<hbm>>) dst(%arg8 : memref<80xi32, #tpu.memory_space<vmem>>)
      tpu.yield
    }) : () -> ()
    %broadcast_in_dim3A = arith.constant 0.000000e+00 : f32
    %broadcast_in_dim3A_1 = vector.broadcast %broadcast_in_dim3A : f32 to vector<16xf32>
    %scan3A = arith.constant 0 : i32
    %scan3A_2 = arith.constant 0 : i32
    %scan3A_3 = arith.constant 640 : i32
    %scan3A_4 = arith.addi %scan3A_2, %scan3A_3 : i32
    %scan3A_5 = arith.constant 1 : i32
    scf.for %scan3A_34 = %scan3A_2 to %scan3A_4 step %scan3A_5  : i32 {
      %mul3A_35 = arith.constant 16 : i32
      %mul3A_36 = arith.muli %scan3A_34, %mul3A_35 : i32
      %swap3A = arith.index_cast %mul3A_36 : i32 to index
      %swap3A_37 = tpu.vector_load %arg6[%swap3A] {strides = array<i32>} : memref<10240xf32, #tpu.memory_space<vmem>>, vector<16xf32>,
      tpu.vector_store %arg6[%swap3A], %broadcast_in_dim3A_1 {strides = array<i32>} : memref<10240xf32, #tpu.memory_space<vmem>>, vector<16xf32>,
    }
    %scan3A_6 = arith.constant 640 : i32
    %scan3A_7 = arith.constant 0 : i32
    %scan3A_8 = arith.constant 0 : i32
    %scan3A_9 = arith.constant 80 : i32
    %scan3A_10 = arith.addi %scan3A_8, %scan3A_9 : i32
    %scan3A_11 = arith.constant 1 : i32
    scf.for %scan3A_34 = %scan3A_8 to %scan3A_10 step %scan3A_11  : i32 {
      %swap3A = arith.index_cast %scan3A_34 : i32 to index
      %swap3A_35 = arith.constant 0 : index
      %swap3A_36 = tpu.vector_load %arg7[%swap3A, %swap3A_35] {strides = array<i32>} : memref<80x128xf32, #tpu.memory_space<vmem>>, vector<16xf32>,
      tpu.vector_store %arg7[%swap3A, %swap3A_35], %broadcast_in_dim3A_1 {strides = array<i32>} : memref<80x128xf32, #tpu.memory_space<vmem>>, vector<16xf32>,
      %swap3A_37 = arith.index_cast %scan3A_34 : i32 to index
      %swap3A_38 = arith.constant 16 : index
      %swap3A_39 = tpu.vector_load %arg7[%swap3A_37, %swap3A_38] {strides = array<i32>} : memref<80x128xf32, #tpu.memory_space<vmem>>, vector<16xf32>,
      tpu.vector_store %arg7[%swap3A_37, %swap3A_38], %broadcast_in_dim3A_1 {strides = array<i32>} : memref<80x128xf32, #tpu.memory_space<vmem>>, vector<16xf32>,
      %swap3A_40 = arith.index_cast %scan3A_34 : i32 to index
      %swap3A_41 = arith.constant 32 : index
      %swap3A_42 = tpu.vector_load %arg7[%swap3A_40, %swap3A_41] {strides = array<i32>} : memref<80x128xf32, #tpu.memory_space<vmem>>, vector<16xf32>,
      tpu.vector_store %arg7[%swap3A_40, %swap3A_41], %broadcast_in_dim3A_1 {strides = array<i32>} : memref<80x128xf32, #tpu.memory_space<vmem>>, vector<16xf32>,
      %swap3A_43 = arith.index_cast %scan3A_34 : i32 to index
      %swap3A_44 = arith.constant 48 : index
      %swap3A_45 = tpu.vector_load %arg7[%swap3A_43, %swap3A_44] {strides = array<i32>} : memref<80x128xf32, #tpu.memory_space<vmem>>, vector<16xf32>,
      tpu.vector_store %arg7[%swap3A_43, %swap3A_44], %broadcast_in_dim3A_1 {strides = array<i32>} : memref<80x128xf32, #tpu.memory_space<vmem>>, vector<16xf32>,
      %swap3A_46 = arith.index_cast %scan3A_34 : i32 to index
      %swap3A_47 = arith.constant 64 : index
      %swap3A_48 = tpu.vector_load %arg7[%swap3A_46, %swap3A_47] {strides = array<i32>} : memref<80x128xf32, #tpu.memory_space<vmem>>, vector<16xf32>,
      tpu.vector_store %arg7[%swap3A_46, %swap3A_47], %broadcast_in_dim3A_1 {strides = array<i32>} : memref<80x128xf32, #tpu.memory_space<vmem>>, vector<16xf32>,
      %swap3A_49 = arith.index_cast %scan3A_34 : i32 to index
      %swap3A_50 = arith.constant 80 : index
      %swap3A_51 = tpu.vector_load %arg7[%swap3A_49, %swap3A_50] {strides = array<i32>} : memref<80x128xf32, #tpu.memory_space<vmem>>, vector<16xf32>,
      tpu.vector_store %arg7[%swap3A_49, %swap3A_50], %broadcast_in_dim3A_1 {strides = array<i32>} : memref<80x128xf32, #tpu.memory_space<vmem>>, vector<16xf32>,
      %swap3A_52 = arith.index_cast %scan3A_34 : i32 to index
      %swap3A_53 = arith.constant 96 : index
      %swap3A_54 = tpu.vector_load %arg7[%swap3A_52, %swap3A_53] {strides = array<i32>} : memref<80x128xf32, #tpu.memory_space<vmem>>, vector<16xf32>,
      tpu.vector_store %arg7[%swap3A_52, %swap3A_53], %broadcast_in_dim3A_1 {strides = array<i32>} : memref<80x128xf32, #tpu.memory_space<vmem>>, vector<16xf32>,
      %swap3A_55 = arith.index_cast %scan3A_34 : i32 to index
      %swap3A_56 = arith.constant 112 : index
      %swap3A_57 = tpu.vector_load %arg7[%swap3A_55, %swap3A_56] {strides = array<i32>} : memref<80x128xf32, #tpu.memory_space<vmem>>, vector<16xf32>,
      tpu.vector_store %arg7[%swap3A_55, %swap3A_56], %broadcast_in_dim3A_1 {strides = array<i32>} : memref<80x128xf32, #tpu.memory_space<vmem>>, vector<16xf32>,
    }
    %scan3A_12 = arith.constant 80 : i32
    %eq3A = arith.constant 0 : i32
    %eq3A_13 = arith.cmpi eq, %arg1, %eq3A : i32
    %convert_element_type3A = arith.extui %eq3A_13 : i1 to i32
    %cond3A = arith.constant 0 : i32
    %cond3A_14 = arith.cmpi ne, %convert_element_type3A, %cond3A : i32
    scf.if %cond3A_14 {
      "tpu.region"() ({
        %run_scoped3A = tpu.sem_alloc : memref<!tpu.dma_semaphore, #tpu.memory_space<semaphore_mem>>
        tpu.enqueue_dma source(%arg7 : memref<80x128xf32, #tpu.memory_space<vmem>>) target(%arg9 : memref<80x128xf32, #tpu.memory_space<vmem_shared>>) target_semaphore(%run_scoped3A : memref<!tpu.dma_semaphore, #tpu.memory_space<semaphore_mem>>)
        tpu.wait_dma2 semaphore(%run_scoped3A : memref<!tpu.dma_semaphore, #tpu.memory_space<semaphore_mem>>) src(%arg7 : memref<80x128xf32, #tpu.memory_space<vmem>>) dst(%arg9 : memref<80x128xf32, #tpu.memory_space<vmem_shared>>)
        tpu.yield
      }) : () -> ()
    } else {
    }
    %broadcast_in_dim3A_15 = arith.constant 1.000000e+00 : f32
    %broadcast_in_dim3A_16 = vector.broadcast %broadcast_in_dim3A_15 : f32 to vector<16xf32>
    %scan3A_17 = arith.constant 0 : i32
    %scan3A_18 = arith.constant 0 : i32
    %scan3A_19 = arith.constant 80 : i32
    %scan3A_20 = arith.addi %scan3A_18, %scan3A_19 : i32
    %scan3A_21 = arith.constant 1 : i32
    scf.for %scan3A_34 = %scan3A_18 to %scan3A_20 step %scan3A_21  : i32 {
      %get3A = arith.index_cast %scan3A_34 : i32 to index
      %get3A_35 = arith.constant 0 : index
      %get3A_36 = tpu.vector_load %arg5[%get3A, %get3A_35] {strides = array<i32>} : memref<80x256xi32, #tpu.memory_space<vmem>>, vector<16xi32>,
      tpu.vector_store_idx %arg6[%get3A_36], %broadcast_in_dim3A_16 {add = true} : memref<10240xf32, #tpu.memory_space<vmem>>[vector<16xi32>], vector<16xf32>,
      %get3A_37 = arith.index_cast %scan3A_34 : i32 to index
      %get3A_38 = arith.constant 16 : index
      %get3A_39 = tpu.vector_load %arg5[%get3A_37, %get3A_38] {strides = array<i32>} : memref<80x256xi32, #tpu.memory_space<vmem>>, vector<16xi32>,
      tpu.vector_store_idx %arg6[%get3A_39], %broadcast_in_dim3A_16 {add = true} : memref<10240xf32, #tpu.memory_space<vmem>>[vector<16xi32>], vector<16xf32>,
      %get3A_40 = arith.index_cast %scan3A_34 : i32 to index
      %get3A_41 = arith.constant 32 : index
      %get3A_42 = tpu.vector_load %arg5[%get3A_40, %get3A_41] {strides = array<i32>} : memref<80x256xi32, #tpu.memory_space<vmem>>, vector<16xi32>,
      tpu.vector_store_idx %arg6[%get3A_42], %broadcast_in_dim3A_16 {add = true} : memref<10240xf32, #tpu.memory_space<vmem>>[vector<16xi32>], vector<16xf32>,
      %get3A_43 = arith.index_cast %scan3A_34 : i32 to index
      %get3A_44 = arith.constant 48 : index
      %get3A_45 = tpu.vector_load %arg5[%get3A_43, %get3A_44] {strides = array<i32>} : memref<80x256xi32, #tpu.memory_space<vmem>>, vector<16xi32>,
      tpu.vector_store_idx %arg6[%get3A_45], %broadcast_in_dim3A_16 {add = true} : memref<10240xf32, #tpu.memory_space<vmem>>[vector<16xi32>], vector<16xf32>,
      %get3A_46 = arith.index_cast %scan3A_34 : i32 to index
      %get3A_47 = arith.constant 64 : index
      %get3A_48 = tpu.vector_load %arg5[%get3A_46, %get3A_47] {strides = array<i32>} : memref<80x256xi32, #tpu.memory_space<vmem>>, vector<16xi32>,
      tpu.vector_store_idx %arg6[%get3A_48], %broadcast_in_dim3A_16 {add = true} : memref<10240xf32, #tpu.memory_space<vmem>>[vector<16xi32>], vector<16xf32>,
      %get3A_49 = arith.index_cast %scan3A_34 : i32 to index
      %get3A_50 = arith.constant 80 : index
      %get3A_51 = tpu.vector_load %arg5[%get3A_49, %get3A_50] {strides = array<i32>} : memref<80x256xi32, #tpu.memory_space<vmem>>, vector<16xi32>,
      tpu.vector_store_idx %arg6[%get3A_51], %broadcast_in_dim3A_16 {add = true} : memref<10240xf32, #tpu.memory_space<vmem>>[vector<16xi32>], vector<16xf32>,
      %get3A_52 = arith.index_cast %scan3A_34 : i32 to index
      %get3A_53 = arith.constant 96 : index
      %get3A_54 = tpu.vector_load %arg5[%get3A_52, %get3A_53] {strides = array<i32>} : memref<80x256xi32, #tpu.memory_space<vmem>>, vector<16xi32>,
      tpu.vector_store_idx %arg6[%get3A_54], %broadcast_in_dim3A_16 {add = true} : memref<10240xf32, #tpu.memory_space<vmem>>[vector<16xi32>], vector<16xf32>,
      %get3A_55 = arith.index_cast %scan3A_34 : i32 to index
      %get3A_56 = arith.constant 112 : index
      %get3A_57 = tpu.vector_load %arg5[%get3A_55, %get3A_56] {strides = array<i32>} : memref<80x256xi32, #tpu.memory_space<vmem>>, vector<16xi32>,
      tpu.vector_store_idx %arg6[%get3A_57], %broadcast_in_dim3A_16 {add = true} : memref<10240xf32, #tpu.memory_space<vmem>>[vector<16xi32>], vector<16xf32>,
      %get3A_58 = arith.index_cast %scan3A_34 : i32 to index
      %get3A_59 = arith.constant 128 : index
      %get3A_60 = tpu.vector_load %arg5[%get3A_58, %get3A_59] {strides = array<i32>} : memref<80x256xi32, #tpu.memory_space<vmem>>, vector<16xi32>,
      tpu.vector_store_idx %arg6[%get3A_60], %broadcast_in_dim3A_16 {add = true} : memref<10240xf32, #tpu.memory_space<vmem>>[vector<16xi32>], vector<16xf32>,
      %get3A_61 = arith.index_cast %scan3A_34 : i32 to index
      %get3A_62 = arith.constant 144 : index
      %get3A_63 = tpu.vector_load %arg5[%get3A_61, %get3A_62] {strides = array<i32>} : memref<80x256xi32, #tpu.memory_space<vmem>>, vector<16xi32>,
      tpu.vector_store_idx %arg6[%get3A_63], %broadcast_in_dim3A_16 {add = true} : memref<10240xf32, #tpu.memory_space<vmem>>[vector<16xi32>], vector<16xf32>,
      %get3A_64 = arith.index_cast %scan3A_34 : i32 to index
      %get3A_65 = arith.constant 160 : index
      %get3A_66 = tpu.vector_load %arg5[%get3A_64, %get3A_65] {strides = array<i32>} : memref<80x256xi32, #tpu.memory_space<vmem>>, vector<16xi32>,
      tpu.vector_store_idx %arg6[%get3A_66], %broadcast_in_dim3A_16 {add = true} : memref<10240xf32, #tpu.memory_space<vmem>>[vector<16xi32>], vector<16xf32>,
      %get3A_67 = arith.index_cast %scan3A_34 : i32 to index
      %get3A_68 = arith.constant 176 : index
      %get3A_69 = tpu.vector_load %arg5[%get3A_67, %get3A_68] {strides = array<i32>} : memref<80x256xi32, #tpu.memory_space<vmem>>, vector<16xi32>,
      tpu.vector_store_idx %arg6[%get3A_69], %broadcast_in_dim3A_16 {add = true} : memref<10240xf32, #tpu.memory_space<vmem>>[vector<16xi32>], vector<16xf32>,
      %get3A_70 = arith.index_cast %scan3A_34 : i32 to index
      %get3A_71 = arith.constant 192 : index
      %get3A_72 = tpu.vector_load %arg5[%get3A_70, %get3A_71] {strides = array<i32>} : memref<80x256xi32, #tpu.memory_space<vmem>>, vector<16xi32>,
      tpu.vector_store_idx %arg6[%get3A_72], %broadcast_in_dim3A_16 {add = true} : memref<10240xf32, #tpu.memory_space<vmem>>[vector<16xi32>], vector<16xf32>,
      %get3A_73 = arith.index_cast %scan3A_34 : i32 to index
      %get3A_74 = arith.constant 208 : index
      %get3A_75 = tpu.vector_load %arg5[%get3A_73, %get3A_74] {strides = array<i32>} : memref<80x256xi32, #tpu.memory_space<vmem>>, vector<16xi32>,
      tpu.vector_store_idx %arg6[%get3A_75], %broadcast_in_dim3A_16 {add = true} : memref<10240xf32, #tpu.memory_space<vmem>>[vector<16xi32>], vector<16xf32>,
      %get3A_76 = arith.index_cast %scan3A_34 : i32 to index
      %get3A_77 = arith.constant 224 : index
      %get3A_78 = tpu.vector_load %arg5[%get3A_76, %get3A_77] {strides = array<i32>} : memref<80x256xi32, #tpu.memory_space<vmem>>, vector<16xi32>,
      tpu.vector_store_idx %arg6[%get3A_78], %broadcast_in_dim3A_16 {add = true} : memref<10240xf32, #tpu.memory_space<vmem>>[vector<16xi32>], vector<16xf32>,
      %get3A_79 = arith.index_cast %scan3A_34 : i32 to index
      %get3A_80 = arith.constant 240 : index
      %get3A_81 = tpu.vector_load %arg5[%get3A_79, %get3A_80] {strides = array<i32>} : memref<80x256xi32, #tpu.memory_space<vmem>>, vector<16xi32>,
      tpu.vector_store_idx %arg6[%get3A_81], %broadcast_in_dim3A_16 {add = true} : memref<10240xf32, #tpu.memory_space<vmem>>[vector<16xi32>], vector<16xf32>,
    }
    %scan3A_22 = arith.constant 80 : i32
    %scan3A_23 = arith.constant 0 : i32
    %scan3A_24 = arith.constant 0 : i32
    %scan3A_25 = arith.constant 80 : i32
    %scan3A_26 = arith.addi %scan3A_24, %scan3A_25 : i32
    %scan3A_27 = arith.constant 1 : i32
    scf.for %scan3A_34 = %scan3A_24 to %scan3A_26 step %scan3A_27  : i32 {
      %mul3A_35 = arith.constant 128 : i32
      %mul3A_36 = arith.muli %scan3A_34, %mul3A_35 : i32
      %add3A_37 = arith.constant 0 : i32
      %add3A_38 = arith.addi %mul3A_36, %add3A_37 : i32
      %get3A = arith.index_cast %add3A_38 : i32 to index
      %get3A_39 = tpu.vector_load %arg6[%get3A] {strides = array<i32>} : memref<10240xf32, #tpu.memory_space<vmem>>, vector<16xf32>,
      %swap3A = arith.index_cast %scan3A_34 : i32 to index
      %swap3A_40 = arith.constant 0 : index
      %swap3A_41 = tpu.vector_load %arg7[%swap3A, %swap3A_40] {strides = array<i32>} : memref<80x128xf32, #tpu.memory_space<vmem>>, vector<16xf32>,
      tpu.vector_store %arg7[%swap3A, %swap3A_40], %get3A_39 {strides = array<i32>} : memref<80x128xf32, #tpu.memory_space<vmem>>, vector<16xf32>,
      %mul3A_42 = arith.constant 128 : i32
      %mul3A_43 = arith.muli %scan3A_34, %mul3A_42 : i32
      %add3A_44 = arith.constant 16 : i32
      %add3A_45 = arith.addi %mul3A_43, %add3A_44 : i32
      %get3A_46 = arith.index_cast %add3A_45 : i32 to index
      %get3A_47 = tpu.vector_load %arg6[%get3A_46] {strides = array<i32>} : memref<10240xf32, #tpu.memory_space<vmem>>, vector<16xf32>,
      %swap3A_48 = arith.index_cast %scan3A_34 : i32 to index
      %swap3A_49 = arith.constant 16 : index
      %swap3A_50 = tpu.vector_load %arg7[%swap3A_48, %swap3A_49] {strides = array<i32>} : memref<80x128xf32, #tpu.memory_space<vmem>>, vector<16xf32>,
      tpu.vector_store %arg7[%swap3A_48, %swap3A_49], %get3A_47 {strides = array<i32>} : memref<80x128xf32, #tpu.memory_space<vmem>>, vector<16xf32>,
      %mul3A_51 = arith.constant 128 : i32
      %mul3A_52 = arith.muli %scan3A_34, %mul3A_51 : i32
      %add3A_53 = arith.constant 32 : i32
      %add3A_54 = arith.addi %mul3A_52, %add3A_53 : i32
      %get3A_55 = arith.index_cast %add3A_54 : i32 to index
      %get3A_56 = tpu.vector_load %arg6[%get3A_55] {strides = array<i32>} : memref<10240xf32, #tpu.memory_space<vmem>>, vector<16xf32>,
      %swap3A_57 = arith.index_cast %scan3A_34 : i32 to index
      %swap3A_58 = arith.constant 32 : index
      %swap3A_59 = tpu.vector_load %arg7[%swap3A_57, %swap3A_58] {strides = array<i32>} : memref<80x128xf32, #tpu.memory_space<vmem>>, vector<16xf32>,
      tpu.vector_store %arg7[%swap3A_57, %swap3A_58], %get3A_56 {strides = array<i32>} : memref<80x128xf32, #tpu.memory_space<vmem>>, vector<16xf32>,
      %mul3A_60 = arith.constant 128 : i32
      %mul3A_61 = arith.muli %scan3A_34, %mul3A_60 : i32
      %add3A_62 = arith.constant 48 : i32
      %add3A_63 = arith.addi %mul3A_61, %add3A_62 : i32
      %get3A_64 = arith.index_cast %add3A_63 : i32 to index
      %get3A_65 = tpu.vector_load %arg6[%get3A_64] {strides = array<i32>} : memref<10240xf32, #tpu.memory_space<vmem>>, vector<16xf32>,
      %swap3A_66 = arith.index_cast %scan3A_34 : i32 to index
      %swap3A_67 = arith.constant 48 : index
      %swap3A_68 = tpu.vector_load %arg7[%swap3A_66, %swap3A_67] {strides = array<i32>} : memref<80x128xf32, #tpu.memory_space<vmem>>, vector<16xf32>,
      tpu.vector_store %arg7[%swap3A_66, %swap3A_67], %get3A_65 {strides = array<i32>} : memref<80x128xf32, #tpu.memory_space<vmem>>, vector<16xf32>,
      %mul3A_69 = arith.constant 128 : i32
      %mul3A_70 = arith.muli %scan3A_34, %mul3A_69 : i32
      %add3A_71 = arith.constant 64 : i32
      %add3A_72 = arith.addi %mul3A_70, %add3A_71 : i32
      %get3A_73 = arith.index_cast %add3A_72 : i32 to index
      %get3A_74 = tpu.vector_load %arg6[%get3A_73] {strides = array<i32>} : memref<10240xf32, #tpu.memory_space<vmem>>, vector<16xf32>,
      %swap3A_75 = arith.index_cast %scan3A_34 : i32 to index
      %swap3A_76 = arith.constant 64 : index
      %swap3A_77 = tpu.vector_load %arg7[%swap3A_75, %swap3A_76] {strides = array<i32>} : memref<80x128xf32, #tpu.memory_space<vmem>>, vector<16xf32>,
      tpu.vector_store %arg7[%swap3A_75, %swap3A_76], %get3A_74 {strides = array<i32>} : memref<80x128xf32, #tpu.memory_space<vmem>>, vector<16xf32>,
      %mul3A_78 = arith.constant 128 : i32
      %mul3A_79 = arith.muli %scan3A_34, %mul3A_78 : i32
      %add3A_80 = arith.constant 80 : i32
      %add3A_81 = arith.addi %mul3A_79, %add3A_80 : i32
      %get3A_82 = arith.index_cast %add3A_81 : i32 to index
      %get3A_83 = tpu.vector_load %arg6[%get3A_82] {strides = array<i32>} : memref<10240xf32, #tpu.memory_space<vmem>>, vector<16xf32>,
      %swap3A_84 = arith.index_cast %scan3A_34 : i32 to index
      %swap3A_85 = arith.constant 80 : index
      %swap3A_86 = tpu.vector_load %arg7[%swap3A_84, %swap3A_85] {strides = array<i32>} : memref<80x128xf32, #tpu.memory_space<vmem>>, vector<16xf32>,
      tpu.vector_store %arg7[%swap3A_84, %swap3A_85], %get3A_83 {strides = array<i32>} : memref<80x128xf32, #tpu.memory_space<vmem>>, vector<16xf32>,
      %mul3A_87 = arith.constant 128 : i32
      %mul3A_88 = arith.muli %scan3A_34, %mul3A_87 : i32
      %add3A_89 = arith.constant 96 : i32
      %add3A_90 = arith.addi %mul3A_88, %add3A_89 : i32
      %get3A_91 = arith.index_cast %add3A_90 : i32 to index
      %get3A_92 = tpu.vector_load %arg6[%get3A_91] {strides = array<i32>} : memref<10240xf32, #tpu.memory_space<vmem>>, vector<16xf32>,
      %swap3A_93 = arith.index_cast %scan3A_34 : i32 to index
      %swap3A_94 = arith.constant 96 : index
      %swap3A_95 = tpu.vector_load %arg7[%swap3A_93, %swap3A_94] {strides = array<i32>} : memref<80x128xf32, #tpu.memory_space<vmem>>, vector<16xf32>,
      tpu.vector_store %arg7[%swap3A_93, %swap3A_94], %get3A_92 {strides = array<i32>} : memref<80x128xf32, #tpu.memory_space<vmem>>, vector<16xf32>,
      %mul3A_96 = arith.constant 128 : i32
      %mul3A_97 = arith.muli %scan3A_34, %mul3A_96 : i32
      %add3A_98 = arith.constant 112 : i32
      %add3A_99 = arith.addi %mul3A_97, %add3A_98 : i32
      %get3A_100 = arith.index_cast %add3A_99 : i32 to index
      %get3A_101 = tpu.vector_load %arg6[%get3A_100] {strides = array<i32>} : memref<10240xf32, #tpu.memory_space<vmem>>, vector<16xf32>,
      %swap3A_102 = arith.index_cast %scan3A_34 : i32 to index
      %swap3A_103 = arith.constant 112 : index
      %swap3A_104 = tpu.vector_load %arg7[%swap3A_102, %swap3A_103] {strides = array<i32>} : memref<80x128xf32, #tpu.memory_space<vmem>>, vector<16xf32>,
      tpu.vector_store %arg7[%swap3A_102, %swap3A_103], %get3A_101 {strides = array<i32>} : memref<80x128xf32, #tpu.memory_space<vmem>>, vector<16xf32>,
    }
    %scan3A_28 = arith.constant 80 : i32
    %barrier3A = arith.constant 0 : index
    tpu.barrier barrier_id(%barrier3A)
    "tpu.region"() ({
      %run_scoped3A = tpu.sem_alloc : memref<!tpu.dma_semaphore, #tpu.memory_space<semaphore_mem>>
      %dma_start3A = arith.constant 0 : i32
      %dma_start3A_34 = arith.constant 0 : i32
      %dma_start3A_35 = tpu.memref_slice %arg9[%dma_start3A, %dma_start3A_34] : memref<80x128xf32, #tpu.memory_space<vmem_shared>> -> memref<80x128xf32, #tpu.memory_space<vmem_shared>>
      tpu.enqueue_indirect_dma source(%arg7 : memref<80x128xf32, #tpu.memory_space<vmem>>) target(%dma_start3A_35 : memref<80x128xf32, #tpu.memory_space<vmem_shared>>) offsets(%arg8 : memref<80xi32, #tpu.memory_space<vmem>>) semaphore(%run_scoped3A : memref<!tpu.dma_semaphore, #tpu.memory_space<semaphore_mem>>) {add = true}
      %dma_wait3A = arith.constant 0 : i32
      %dma_wait3A_36 = arith.constant 0 : i32
      %dma_wait3A_37 = tpu.memref_slice %arg9[%dma_wait3A, %dma_wait3A_36] : memref<80x128xf32, #tpu.memory_space<vmem_shared>> -> memref<80x128xf32, #tpu.memory_space<vmem_shared>>
      tpu.wait_indirect_dma semaphore(%run_scoped3A : memref<!tpu.dma_semaphore, #tpu.memory_space<semaphore_mem>>) src(%arg7 : memref<80x128xf32, #tpu.memory_space<vmem>>) dst(%dma_wait3A_37 : memref<80x128xf32, #tpu.memory_space<vmem_shared>>)
      tpu.yield
    }) : () -> ()
    %barrier3A_29 = arith.constant 0 : index
    tpu.barrier barrier_id(%barrier3A_29)
    %lt3A = arith.constant 10 : i32
    %lt3A_30 = arith.cmpi slt, %arg1, %lt3A : i32
    %convert_element_type3A_31 = arith.extui %lt3A_30 : i1 to i32
    %cond3A_32 = arith.constant 0 : i32
    %cond3A_33 = arith.cmpi ne, %convert_element_type3A_31, %cond3A_32 : i32
    scf.if %cond3A_33 {
      %mul3A_34 = arith.constant 8 : i32
      %mul3A_35 = arith.muli %arg1, %mul3A_34 : i32
      "tpu.region"() ({
        %run_scoped3A = tpu.sem_alloc : memref<!tpu.dma_semaphore, #tpu.memory_space<semaphore_mem>>
        %dma_start3A = arith.constant 0 : i32
        %dma_start3A_36 = tpu.memref_slice %arg4[%arg0, %mul3A_35, %dma_start3A] : memref<2x80x128xf32, #tpu.memory_space<hbm>> -> memref<1x8x128xf32, #tpu.memory_space<hbm>>
        %dma_start3A_37 = tpu.memref_squeeze %dma_start3A_36 : memref<1x8x128xf32, #tpu.memory_space<hbm>> -> memref<8x128xf32, #tpu.memory_space<hbm>>
        %dma_start3A_38 = arith.constant 0 : i32
        %dma_start3A_39 = tpu.memref_slice %arg9[%mul3A_35, %dma_start3A_38] : memref<80x128xf32, #tpu.memory_space<vmem_shared>> -> memref<8x128xf32, #tpu.memory_space<vmem_shared>>
        tpu.enqueue_dma source(%dma_start3A_39 : memref<8x128xf32, #tpu.memory_space<vmem_shared>>) target(%dma_start3A_37 : memref<8x128xf32, #tpu.memory_space<hbm>>) target_semaphore(%run_scoped3A : memref<!tpu.dma_semaphore, #tpu.memory_space<semaphore_mem>>)
        %dma_wait3A = arith.constant 0 : i32
        %dma_wait3A_40 = tpu.memref_slice %arg4[%arg0, %mul3A_35, %dma_wait3A] : memref<2x80x128xf32, #tpu.memory_space<hbm>> -> memref<1x8x128xf32, #tpu.memory_space<hbm>>
        %dma_wait3A_41 = tpu.memref_squeeze %dma_wait3A_40 : memref<1x8x128xf32, #tpu.memory_space<hbm>> -> memref<8x128xf32, #tpu.memory_space<hbm>>
        %dma_wait3A_42 = arith.constant 0 : i32
        %dma_wait3A_43 = tpu.memref_slice %arg9[%mul3A_35, %dma_wait3A_42] : memref<80x128xf32, #tpu.memory_space<vmem_shared>> -> memref<8x128xf32, #tpu.memory_space<vmem_shared>>
        tpu.wait_dma2 semaphore(%run_scoped3A : memref<!tpu.dma_semaphore, #tpu.memory_space<semaphore_mem>>) src(%dma_wait3A_43 : memref<8x128xf32, #tpu.memory_space<vmem_shared>>) dst(%dma_wait3A_41 : memref<8x128xf32, #tpu.memory_space<hbm>>)
        tpu.yield
      }) : () -> ()
    } else {
    }
    return
  }
}

module attributes {stable_mosaic.version = 14 : i64} {
  func.func @body(%arg0: i32, %arg1: memref<1280x128xf32, #tpu.memory_space<vmem>>, %arg2: memref<128x64xf32, #tpu.memory_space<vmem>>, %arg3: memref<1280x64xf32, #tpu.memory_space<vmem>>) attributes {dimension_semantics = [#tpu.dimension_semantics<arbitrary>], iteration_bounds = array<i64: 8>, scalar_prefetch = 0 : i64, scratch_operands = 0 : i64, tpu.core_type = #tpu.core_type<tc>, window_params = [{transform_indices = @transform_0, window_bounds = array<i64: 1280, 128>}, {pipeline_mode = #tpu.pipeline_mode<synchronous>, transform_indices = @transform_1, window_bounds = array<i64: 128, 64>}, {transform_indices = @transform_2, window_bounds = array<i64: 1280, 64>}]} {
    %get3A = arith.constant 0 : index
    %get3A_0 = arith.constant 0 : index
    %get3A_1 = vector.load %arg1[%get3A, %get3A_0] : memref<1280x128xf32, #tpu.memory_space<vmem>>, vector<1280x128xf32>
    %get3A_2 = arith.constant 0 : index
    %get3A_3 = arith.constant 0 : index
    %get3A_4 = vector.load %arg2[%get3A_2, %get3A_3] : memref<128x64xf32, #tpu.memory_space<vmem>>, vector<128x64xf32>
    %dot_general3A = arith.constant dense<0.000000e+00> : vector<1280x64xf32>
    %dot_general3A_5 = tpu.matmul %get3A_1, %get3A_4, %dot_general3A {dimension_numbers = #tpu.dot_dimension_numbers<[1], [0], [0], [1], [0, 0, 1, 1], [], []>, transpose_lhs_hint = false} : vector<1280x128xf32>, vector<128x64xf32>, vector<1280x64xf32> -> vector<1280x64xf32>
    %swap3A = arith.constant 0 : index
    %swap3A_6 = arith.constant 0 : index
    %swap3A_7 = vector.load %arg3[%swap3A, %swap3A_6] : memref<1280x64xf32, #tpu.memory_space<vmem>>, vector<1280x64xf32>
    tpu.vector_store %arg3[%swap3A, %swap3A_6], %dot_general3A_5 {strides = array<i32>} : memref<1280x64xf32, #tpu.memory_space<vmem>>, vector<1280x64xf32>,
    return
  }
  func.func @transform_0(%arg0: i32) -> (i32, i32) {
    %c0_i32 = arith.constant 0 : i32
    %c0_i32_0 = arith.constant 0 : i32
    return %arg0, %c0_i32 : i32, i32
  }
  func.func @transform_1(%arg0: i32) -> (i32, i32) {
    %c0_i32 = arith.constant 0 : i32
    %c0_i32_0 = arith.constant 0 : i32
    %c0_i32_1 = arith.constant 0 : i32
    return %c0_i32, %c0_i32_0 : i32, i32
  }
  func.func @transform_2(%arg0: i32) -> (i32, i32) {
    %c0_i32 = arith.constant 0 : i32
    %c0_i32_0 = arith.constant 0 : i32
    return %arg0, %c0_i32 : i32, i32
  }
}

module attributes {stable_mosaic.version = 14 : i64} {
  func.func @body(%arg0: i32, %arg1: memref<1280x64xf32, #tpu.memory_space<vmem>>, %arg2: memref<2x1280x1xf32, #tpu.memory_space<vmem>>, %arg3: memref<1280x64xf32, #tpu.memory_space<vmem>>, %arg4: memref<1280x1xf32, #tpu.memory_space<vmem>>) attributes {dimension_semantics = [#tpu.dimension_semantics<arbitrary>], iteration_bounds = array<i64: 8>, scalar_prefetch = 0 : i64, scratch_operands = 0 : i64, tpu.core_type = #tpu.core_type<tc>, window_params = [{transform_indices = @transform_0, window_bounds = array<i64: 1280, 64>}, {transform_indices = @transform_1, window_bounds = array<i64: 2, 1280, 1>}, {transform_indices = @transform_2, window_bounds = array<i64: 1280, 64>}, {transform_indices = @transform_3, window_bounds = array<i64: 1280, 1>}]} {
    %get3A = arith.constant 0 : index
    %get3A_0 = arith.constant 0 : index
    %get3A_1 = arith.constant 0 : index
    %get3A_2 = vector.load %arg2[%get3A, %get3A_0, %get3A_1] : memref<2x1280x1xf32, #tpu.memory_space<vmem>>, vector<1x1280x1xf32>
    %get3A_3 = vector.shape_cast %get3A_2 : vector<1x1280x1xf32> to vector<1280x1xf32>
    %get3A_4 = arith.constant 1 : index
    %get3A_5 = arith.constant 0 : index
    %get3A_6 = arith.constant 0 : index
    %get3A_7 = vector.load %arg2[%get3A_4, %get3A_5, %get3A_6] : memref<2x1280x1xf32, #tpu.memory_space<vmem>>, vector<1x1280x1xf32>
    %get3A_8 = vector.shape_cast %get3A_7 : vector<1x1280x1xf32> to vector<1280x1xf32>
    %add3A = arith.addf %get3A_3, %get3A_8 : vector<1280x1xf32>
    %mul3A = arith.constant 1280 : i32
    %mul3A_9 = arith.muli %arg0, %mul3A : i32
    %iota3A = tpu.iota {dimensions = array<i32: 0>} : vector<1280x1xi32>
    %add3A_10 = vector.broadcast %mul3A_9 : i32 to vector<1280x1xi32>
    %add3A_11 = arith.addi %add3A_10, %iota3A : vector<1280x1xi32>
    %lt3A = arith.constant 10000 : i32
    %lt3A_12 = vector.broadcast %lt3A : i32 to vector<1280x1xi32>
    %lt3A_13 = arith.cmpi slt, %add3A_11, %lt3A_12 : vector<1280x1xi32>
    %add3A_14 = arith.constant 1.000000e+00 : f32
    %add3A_15 = vector.broadcast %add3A_14 : f32 to vector<1280x1xf32>
    %add3A_16 = arith.addf %add3A, %add3A_15 : vector<1280x1xf32>
    %rsqrt3A = math.rsqrt %add3A_16 : vector<1280x1xf32>
    %jit3A = arith.constant 0.000000e+00 : f32
    %broadcast_in_dim3A = vector.broadcast %jit3A : f32 to vector<1280x1xf32>
    %select_n3A = arith.select %lt3A_13, %rsqrt3A, %broadcast_in_dim3A : vector<1280x1xi1>, vector<1280x1xf32>
    %swap3A = arith.constant 0 : index
    %swap3A_17 = arith.constant 0 : index
    %swap3A_18 = vector.load %arg4[%swap3A, %swap3A_17] : memref<1280x1xf32, #tpu.memory_space<vmem>>, vector<1280x1xf32>
    tpu.vector_store %arg4[%swap3A, %swap3A_17], %select_n3A {strides = array<i32>} : memref<1280x1xf32, #tpu.memory_space<vmem>>, vector<1280x1xf32>,
    %get3A_19 = arith.constant 0 : index
    %get3A_20 = arith.constant 0 : index
    %get3A_21 = vector.load %arg1[%get3A_19, %get3A_20] : memref<1280x64xf32, #tpu.memory_space<vmem>>, vector<1280x64xf32>
    %mul3A_22 = vector.broadcast %select_n3A : vector<1280x1xf32> to vector<1280x64xf32>
    %mul3A_23 = arith.mulf %get3A_21, %mul3A_22 : vector<1280x64xf32>
    %swap3A_24 = arith.constant 0 : index
    %swap3A_25 = arith.constant 0 : index
    %swap3A_26 = vector.load %arg3[%swap3A_24, %swap3A_25] : memref<1280x64xf32, #tpu.memory_space<vmem>>, vector<1280x64xf32>
    tpu.vector_store %arg3[%swap3A_24, %swap3A_25], %mul3A_23 {strides = array<i32>} : memref<1280x64xf32, #tpu.memory_space<vmem>>, vector<1280x64xf32>,
    return
  }
  func.func @transform_0(%arg0: i32) -> (i32, i32) {
    %c0_i32 = arith.constant 0 : i32
    %c0_i32_0 = arith.constant 0 : i32
    return %arg0, %c0_i32 : i32, i32
  }
  func.func @transform_1(%arg0: i32) -> (i32, i32, i32) {
    %c0_i32 = arith.constant 0 : i32
    %c0_i32_0 = arith.constant 0 : i32
    %c0_i32_1 = arith.constant 0 : i32
    return %c0_i32, %arg0, %c0_i32_0 : i32, i32, i32
  }
  func.func @transform_2(%arg0: i32) -> (i32, i32) {
    %c0_i32 = arith.constant 0 : i32
    %c0_i32_0 = arith.constant 0 : i32
    return %arg0, %c0_i32 : i32, i32
  }
  func.func @transform_3(%arg0: i32) -> (i32, i32) {
    %c0_i32 = arith.constant 0 : i32
    %c0_i32_0 = arith.constant 0 : i32
    return %arg0, %c0_i32 : i32, i32
  }
}

module attributes {stable_mosaic.version = 14 : i64} {
  func.func @body(%arg0: i32, %arg1: memref<2x1280x64xf32, #tpu.memory_space<vmem>>, %arg2: memref<1280x1xf32, #tpu.memory_space<vmem>>, %arg3: memref<1x64xf32, #tpu.memory_space<vmem>>, %arg4: memref<64x32xf32, #tpu.memory_space<vmem>>, %arg5: memref<1280x32xf32, #tpu.memory_space<vmem>>) attributes {dimension_semantics = [#tpu.dimension_semantics<arbitrary>], iteration_bounds = array<i64: 8>, scalar_prefetch = 0 : i64, scratch_operands = 0 : i64, tpu.core_type = #tpu.core_type<tc>, window_params = [{transform_indices = @transform_0, window_bounds = array<i64: 2, 1280, 64>}, {transform_indices = @transform_1, window_bounds = array<i64: 1280, 1>}, {pipeline_mode = #tpu.pipeline_mode<synchronous>, transform_indices = @transform_2, window_bounds = array<i64: 1, 64>}, {pipeline_mode = #tpu.pipeline_mode<synchronous>, transform_indices = @transform_3, window_bounds = array<i64: 64, 32>}, {transform_indices = @transform_4, window_bounds = array<i64: 1280, 32>}]} {
    %get3A = arith.constant 0 : index
    %get3A_0 = arith.constant 0 : index
    %get3A_1 = vector.load %arg2[%get3A, %get3A_0] : memref<1280x1xf32, #tpu.memory_space<vmem>>, vector<1280x1xf32>
    %get3A_2 = arith.constant 0 : index
    %get3A_3 = arith.constant 0 : index
    %get3A_4 = arith.constant 0 : index
    %get3A_5 = vector.load %arg1[%get3A_2, %get3A_3, %get3A_4] : memref<2x1280x64xf32, #tpu.memory_space<vmem>>, vector<1x1280x64xf32>
    %get3A_6 = vector.shape_cast %get3A_5 : vector<1x1280x64xf32> to vector<1280x64xf32>
    %get3A_7 = arith.constant 1 : index
    %get3A_8 = arith.constant 0 : index
    %get3A_9 = arith.constant 0 : index
    %get3A_10 = vector.load %arg1[%get3A_7, %get3A_8, %get3A_9] : memref<2x1280x64xf32, #tpu.memory_space<vmem>>, vector<1x1280x64xf32>
    %get3A_11 = vector.shape_cast %get3A_10 : vector<1x1280x64xf32> to vector<1280x64xf32>
    %add3A = arith.addf %get3A_6, %get3A_11 : vector<1280x64xf32>
    %mul3A = vector.broadcast %get3A_1 : vector<1280x1xf32> to vector<1280x64xf32>
    %mul3A_12 = arith.mulf %add3A, %mul3A : vector<1280x64xf32>
    %get3A_13 = arith.constant 0 : index
    %get3A_14 = arith.constant 0 : index
    %get3A_15 = vector.load %arg3[%get3A_13, %get3A_14] : memref<1x64xf32, #tpu.memory_space<vmem>>, vector<1x64xf32>
    %add3A_16 = vector.broadcast %get3A_15 : vector<1x64xf32> to vector<1280x64xf32>
    %add3A_17 = arith.addf %mul3A_12, %add3A_16 : vector<1280x64xf32>
    %max3A = arith.constant 0.000000e+00 : f32
    %max3A_18 = vector.broadcast %max3A : f32 to vector<1280x64xf32>
    %max3A_19 = arith.maximumf %add3A_17, %max3A_18 : vector<1280x64xf32>
    %get3A_20 = arith.constant 0 : index
    %get3A_21 = arith.constant 0 : index
    %get3A_22 = vector.load %arg4[%get3A_20, %get3A_21] : memref<64x32xf32, #tpu.memory_space<vmem>>, vector<64x32xf32>
    %dot_general3A = arith.constant dense<0.000000e+00> : vector<1280x32xf32>
    %dot_general3A_23 = tpu.matmul %max3A_19, %get3A_22, %dot_general3A {dimension_numbers = #tpu.dot_dimension_numbers<[1], [0], [0], [1], [0, 0, 1, 1], [], []>, transpose_lhs_hint = false} : vector<1280x64xf32>, vector<64x32xf32>, vector<1280x32xf32> -> vector<1280x32xf32>
    %mul3A_24 = vector.broadcast %get3A_1 : vector<1280x1xf32> to vector<1280x32xf32>
    %mul3A_25 = arith.mulf %dot_general3A_23, %mul3A_24 : vector<1280x32xf32>
    %swap3A = arith.constant 0 : index
    %swap3A_26 = arith.constant 0 : index
    %swap3A_27 = vector.load %arg5[%swap3A, %swap3A_26] : memref<1280x32xf32, #tpu.memory_space<vmem>>, vector<1280x32xf32>
    tpu.vector_store %arg5[%swap3A, %swap3A_26], %mul3A_25 {strides = array<i32>} : memref<1280x32xf32, #tpu.memory_space<vmem>>, vector<1280x32xf32>,
    return
  }
  func.func @transform_0(%arg0: i32) -> (i32, i32, i32) {
    %c0_i32 = arith.constant 0 : i32
    %c0_i32_0 = arith.constant 0 : i32
    %c0_i32_1 = arith.constant 0 : i32
    return %c0_i32, %arg0, %c0_i32_0 : i32, i32, i32
  }
  func.func @transform_1(%arg0: i32) -> (i32, i32) {
    %c0_i32 = arith.constant 0 : i32
    %c0_i32_0 = arith.constant 0 : i32
    return %arg0, %c0_i32 : i32, i32
  }
  func.func @transform_2(%arg0: i32) -> (i32, i32) {
    %c0_i32 = arith.constant 0 : i32
    %c0_i32_0 = arith.constant 0 : i32
    %c0_i32_1 = arith.constant 0 : i32
    return %c0_i32, %c0_i32_0 : i32, i32
  }
  func.func @transform_3(%arg0: i32) -> (i32, i32) {
    %c0_i32 = arith.constant 0 : i32
    %c0_i32_0 = arith.constant 0 : i32
    %c0_i32_1 = arith.constant 0 : i32
    return %c0_i32, %c0_i32_0 : i32, i32
  }
  func.func @transform_4(%arg0: i32) -> (i32, i32) {
    %c0_i32 = arith.constant 0 : i32
    %c0_i32_0 = arith.constant 0 : i32
    return %arg0, %c0_i32 : i32, i32
  }
}

module attributes {stable_mosaic.version = 14 : i64} {
  func.func @body(%arg0: i32, %arg1: memref<2x1280x32xf32, #tpu.memory_space<vmem>>, %arg2: memref<1280x1xf32, #tpu.memory_space<vmem>>, %arg3: memref<1x32xf32, #tpu.memory_space<vmem>>, %arg4: memref<32x16xf32, #tpu.memory_space<vmem>>, %arg5: memref<1280x16xf32, #tpu.memory_space<vmem>>) attributes {dimension_semantics = [#tpu.dimension_semantics<arbitrary>], iteration_bounds = array<i64: 8>, scalar_prefetch = 0 : i64, scratch_operands = 0 : i64, tpu.core_type = #tpu.core_type<tc>, window_params = [{transform_indices = @transform_0, window_bounds = array<i64: 2, 1280, 32>}, {transform_indices = @transform_1, window_bounds = array<i64: 1280, 1>}, {pipeline_mode = #tpu.pipeline_mode<synchronous>, transform_indices = @transform_2, window_bounds = array<i64: 1, 32>}, {pipeline_mode = #tpu.pipeline_mode<synchronous>, transform_indices = @transform_3, window_bounds = array<i64: 32, 16>}, {transform_indices = @transform_4, window_bounds = array<i64: 1280, 16>}]} {
    %get3A = arith.constant 0 : index
    %get3A_0 = arith.constant 0 : index
    %get3A_1 = vector.load %arg2[%get3A, %get3A_0] : memref<1280x1xf32, #tpu.memory_space<vmem>>, vector<1280x1xf32>
    %get3A_2 = arith.constant 0 : index
    %get3A_3 = arith.constant 0 : index
    %get3A_4 = arith.constant 0 : index
    %get3A_5 = vector.load %arg1[%get3A_2, %get3A_3, %get3A_4] : memref<2x1280x32xf32, #tpu.memory_space<vmem>>, vector<1x1280x32xf32>
    %get3A_6 = vector.shape_cast %get3A_5 : vector<1x1280x32xf32> to vector<1280x32xf32>
    %get3A_7 = arith.constant 1 : index
    %get3A_8 = arith.constant 0 : index
    %get3A_9 = arith.constant 0 : index
    %get3A_10 = vector.load %arg1[%get3A_7, %get3A_8, %get3A_9] : memref<2x1280x32xf32, #tpu.memory_space<vmem>>, vector<1x1280x32xf32>
    %get3A_11 = vector.shape_cast %get3A_10 : vector<1x1280x32xf32> to vector<1280x32xf32>
    %add3A = arith.addf %get3A_6, %get3A_11 : vector<1280x32xf32>
    %mul3A = vector.broadcast %get3A_1 : vector<1280x1xf32> to vector<1280x32xf32>
    %mul3A_12 = arith.mulf %add3A, %mul3A : vector<1280x32xf32>
    %get3A_13 = arith.constant 0 : index
    %get3A_14 = arith.constant 0 : index
    %get3A_15 = vector.load %arg3[%get3A_13, %get3A_14] : memref<1x32xf32, #tpu.memory_space<vmem>>, vector<1x32xf32>
    %add3A_16 = vector.broadcast %get3A_15 : vector<1x32xf32> to vector<1280x32xf32>
    %add3A_17 = arith.addf %mul3A_12, %add3A_16 : vector<1280x32xf32>
    %max3A = arith.constant 0.000000e+00 : f32
    %max3A_18 = vector.broadcast %max3A : f32 to vector<1280x32xf32>
    %max3A_19 = arith.maximumf %add3A_17, %max3A_18 : vector<1280x32xf32>
    %get3A_20 = arith.constant 0 : index
    %get3A_21 = arith.constant 0 : index
    %get3A_22 = vector.load %arg4[%get3A_20, %get3A_21] : memref<32x16xf32, #tpu.memory_space<vmem>>, vector<32x16xf32>
    %dot_general3A = arith.constant dense<0.000000e+00> : vector<1280x16xf32>
    %dot_general3A_23 = tpu.matmul %max3A_19, %get3A_22, %dot_general3A {dimension_numbers = #tpu.dot_dimension_numbers<[1], [0], [0], [1], [0, 0, 1, 1], [], []>, transpose_lhs_hint = false} : vector<1280x32xf32>, vector<32x16xf32>, vector<1280x16xf32> -> vector<1280x16xf32>
    %mul3A_24 = vector.broadcast %get3A_1 : vector<1280x1xf32> to vector<1280x16xf32>
    %mul3A_25 = arith.mulf %dot_general3A_23, %mul3A_24 : vector<1280x16xf32>
    %swap3A = arith.constant 0 : index
    %swap3A_26 = arith.constant 0 : index
    %swap3A_27 = vector.load %arg5[%swap3A, %swap3A_26] : memref<1280x16xf32, #tpu.memory_space<vmem>>, vector<1280x16xf32>
    tpu.vector_store %arg5[%swap3A, %swap3A_26], %mul3A_25 {strides = array<i32>} : memref<1280x16xf32, #tpu.memory_space<vmem>>, vector<1280x16xf32>,
    return
  }
  func.func @transform_0(%arg0: i32) -> (i32, i32, i32) {
    %c0_i32 = arith.constant 0 : i32
    %c0_i32_0 = arith.constant 0 : i32
    %c0_i32_1 = arith.constant 0 : i32
    return %c0_i32, %arg0, %c0_i32_0 : i32, i32, i32
  }
  func.func @transform_1(%arg0: i32) -> (i32, i32) {
    %c0_i32 = arith.constant 0 : i32
    %c0_i32_0 = arith.constant 0 : i32
    return %arg0, %c0_i32 : i32, i32
  }
  func.func @transform_2(%arg0: i32) -> (i32, i32) {
    %c0_i32 = arith.constant 0 : i32
    %c0_i32_0 = arith.constant 0 : i32
    %c0_i32_1 = arith.constant 0 : i32
    return %c0_i32, %c0_i32_0 : i32, i32
  }
  func.func @transform_3(%arg0: i32) -> (i32, i32) {
    %c0_i32 = arith.constant 0 : i32
    %c0_i32_0 = arith.constant 0 : i32
    %c0_i32_1 = arith.constant 0 : i32
    return %c0_i32, %c0_i32_0 : i32, i32
  }
  func.func @transform_4(%arg0: i32) -> (i32, i32) {
    %c0_i32 = arith.constant 0 : i32
    %c0_i32_0 = arith.constant 0 : i32
    return %arg0, %c0_i32 : i32, i32
  }
}

module attributes {stable_mosaic.version = 14 : i64} {
  func.func @body(%arg0: i32, %arg1: memref<2x1280x16xf32, #tpu.memory_space<vmem>>, %arg2: memref<1280x1xf32, #tpu.memory_space<vmem>>, %arg3: memref<1x16xf32, #tpu.memory_space<vmem>>, %arg4: memref<1280x16xf32, #tpu.memory_space<vmem>>) attributes {dimension_semantics = [#tpu.dimension_semantics<arbitrary>], iteration_bounds = array<i64: 8>, scalar_prefetch = 0 : i64, scratch_operands = 0 : i64, tpu.core_type = #tpu.core_type<tc>, window_params = [{transform_indices = @transform_0, window_bounds = array<i64: 2, 1280, 16>}, {transform_indices = @transform_1, window_bounds = array<i64: 1280, 1>}, {pipeline_mode = #tpu.pipeline_mode<synchronous>, transform_indices = @transform_2, window_bounds = array<i64: 1, 16>}, {transform_indices = @transform_3, window_bounds = array<i64: 1280, 16>}]} {
    %get3A = arith.constant 0 : index
    %get3A_0 = arith.constant 0 : index
    %get3A_1 = arith.constant 0 : index
    %get3A_2 = vector.load %arg1[%get3A, %get3A_0, %get3A_1] : memref<2x1280x16xf32, #tpu.memory_space<vmem>>, vector<1x1280x16xf32>
    %get3A_3 = vector.shape_cast %get3A_2 : vector<1x1280x16xf32> to vector<1280x16xf32>
    %get3A_4 = arith.constant 1 : index
    %get3A_5 = arith.constant 0 : index
    %get3A_6 = arith.constant 0 : index
    %get3A_7 = vector.load %arg1[%get3A_4, %get3A_5, %get3A_6] : memref<2x1280x16xf32, #tpu.memory_space<vmem>>, vector<1x1280x16xf32>
    %get3A_8 = vector.shape_cast %get3A_7 : vector<1x1280x16xf32> to vector<1280x16xf32>
    %add3A = arith.addf %get3A_3, %get3A_8 : vector<1280x16xf32>
    %get3A_9 = arith.constant 0 : index
    %get3A_10 = arith.constant 0 : index
    %get3A_11 = vector.load %arg2[%get3A_9, %get3A_10] : memref<1280x1xf32, #tpu.memory_space<vmem>>, vector<1280x1xf32>
    %mul3A = vector.broadcast %get3A_11 : vector<1280x1xf32> to vector<1280x16xf32>
    %mul3A_12 = arith.mulf %add3A, %mul3A : vector<1280x16xf32>
    %get3A_13 = arith.constant 0 : index
    %get3A_14 = arith.constant 0 : index
    %get3A_15 = vector.load %arg3[%get3A_13, %get3A_14] : memref<1x16xf32, #tpu.memory_space<vmem>>, vector<1x16xf32>
    %add3A_16 = vector.broadcast %get3A_15 : vector<1x16xf32> to vector<1280x16xf32>
    %add3A_17 = arith.addf %mul3A_12, %add3A_16 : vector<1280x16xf32>
    %swap3A = arith.constant 0 : index
    %swap3A_18 = arith.constant 0 : index
    %swap3A_19 = vector.load %arg4[%swap3A, %swap3A_18] : memref<1280x16xf32, #tpu.memory_space<vmem>>, vector<1280x16xf32>
    tpu.vector_store %arg4[%swap3A, %swap3A_18], %add3A_17 {strides = array<i32>} : memref<1280x16xf32, #tpu.memory_space<vmem>>, vector<1280x16xf32>,
    return
  }
  func.func @transform_0(%arg0: i32) -> (i32, i32, i32) {
    %c0_i32 = arith.constant 0 : i32
    %c0_i32_0 = arith.constant 0 : i32
    %c0_i32_1 = arith.constant 0 : i32
    return %c0_i32, %arg0, %c0_i32_0 : i32, i32, i32
  }
  func.func @transform_1(%arg0: i32) -> (i32, i32) {
    %c0_i32 = arith.constant 0 : i32
    %c0_i32_0 = arith.constant 0 : i32
    return %arg0, %c0_i32 : i32, i32
  }
  func.func @transform_2(%arg0: i32) -> (i32, i32) {
    %c0_i32 = arith.constant 0 : i32
    %c0_i32_0 = arith.constant 0 : i32
    %c0_i32_1 = arith.constant 0 : i32
    return %c0_i32, %c0_i32_0 : i32, i32
  }
  func.func @transform_3(%arg0: i32) -> (i32, i32) {
    %c0_i32 = arith.constant 0 : i32
    %c0_i32_0 = arith.constant 0 : i32
    return %arg0, %c0_i32 : i32, i32
  }
}

</mosaic_0001>

<sc_bundles>
// kernel: kernel.11.cloned.1.call-start
scs
__scs_entry_jumppad:
0x0: {  	(pc) =	sbr.rel $0x88, $3  }
0x1: {  	(tag) =	ssettag $0x0;
	lr =	simm.s32 $0x1  }
0x2: {  	[smem:$0x3F99] =	sst lr;
	_ =	strace $0xD0000000  }
0x3: {  	_ = 	snop  }
0x4: {  	_ = 	snop  }
0x5: {  	_ = 	snop  }
0x6: {  	_ = 	snop  }
0x7: {  	_ = 	snop  }
__scs_overlays_trampoline_lowered:
0x8: {  	[smem:$0x3FA8] =	sst s0  }
0x9: {  	[smem:$0x3FA9] =	sst s1  }
0xa: {  	[smem:$0x3FAA] =	sst s2  }
0xb: {  	[smem:$0x3FAB] =	sst s3  }
0xc: {  	[smem:$0x3FAC] =	sst s4  }
0xd: {  	[smem:$0x3FAD] =	sst s5  }
0xe: {  	[smem:$0x3FAE] =	sst s6  }
0xf: {  	[smem:$0x3FAF] =	sst s7  }
0x10: {  	[smem:$0x3FB0] =	sst s8  }
0x11: {  	[smem:$0x3FB1] =	sst s9;
	s0 =	simm.s32 @!p0 $0x0  }
0x12: {  	s1 =	sld [smem:$0x3F97];
	s0 =	simm.s32 @p0 $0x1  }
0x13: {  	[smem:$0x3FB2] =	sst s0;
	s0 =	simm.s32 @!p1 $0x0  }
0x14: {  	s2 =	sld [smem:$0x3F96];
	s0 =	simm.s32 @p1 $0x1  }
0x15: {  	[smem:$0x3FB3] =	sst s0;
	s0 =	simm.s32 @!p2 $0x0  }
0x16: {  	s3 =	sld [smem:$0x3FDB];
	s0 =	simm.s32 @p2 $0x1  }
0x17: {  	s4 =	simm.s32 $0x1BF5;
	[smem:$0x3FB5] =	sst s0  }
0x18: {  	s0 =	sld [smem:$0x3F98];
	_ =	swait.ge [sflag:s4], $0x0  }
0x19: {  	s7 =	sld [smem:$0x3F99]  }
0x1a: {  	s8 =	sadd.s32 $0xFFFFE003, lr  }
0x1b: {  	s9 =	sadd.s32 $0xFFFFFEF7, lr;
	s5 =	simm.s32 $0xFFFFFFFF;
	p2 =	slt.u32 s8, $0xFFFFF086  }
0x1c: {  	p1 =	slt.u32 s9, $0xF7A;
	s5 =	simm.s32 @!p2 $0x0  }
0x1d: {  	s5 =	simm.s32 @p1 $0x1;
	p0 =	seq.s32 s7, s2  }
0x1e: {  	s7 =	smul.u32 @!p0 $0xF7A, s2;
	p2 =	seq.s32 @!p0 s5, $0x0  }
0x1f: {  	s9 =	smul.u32 $0xF7A, s1;
	s8 =	simm.s32 @!p0 $0x1BF5;
	p2 =	por !p2, p0  }
0x20: {  	[sflag:s8] =	ssyncset.s32 @!p0 $0xFFFFF086;
	s6 =	sadd.s32 @!p0 s3, s7;
	s7 =	simm.s32 @!p0 $0x108  }
0x21: {  	s3 =	sadd.s32 s3, s9;
	s6 =	sadd.s32 @!p0 $0x88, s6;
	s7 =	simm.s32 @p2 $0x1082  }
0x22: {  	[simem:s7], [sflag:s8] =	dma.local @!p0 [hbm:s6], $0xF7A  }
0x23: {  	s9 =	sor.u32 $0xD0000000, s2;
	s6 =	simm.s32 $0x108;
	_ =	swait.ge @!p0 [sflag:s8], $0x0  }
0x24: {  	s3 =	sadd.s32 $0x88, s3;
	s6 =	simm.s32 @!p1 $0x1082;
	[sflag:s4] =	ssyncset.s32 $0xFFFFF086  }
0x25: {  	[simem:s6], [sflag:s4] =	dma.local [hbm:s3], $0xF7A  }
0x26: {  	[smem:$0x3F99] =	sst s1;
	(tag) =	ssettag s2;
	_ =	strace s9  }
0x27: {  	s1 =	sld [smem:$0x3FA9]  }
0x28: {  	s2 =	sld [smem:$0x3FAA]  }
0x29: {  	s4 =	sld [smem:$0x3FAC]  }
0x2a: {  	p0 =	seq.s32 s5, $0x0;
	s5 =	sld [smem:$0x3FAD]  }
0x2b: {  	s6 =	sld [smem:$0x3FAE]  }
0x2c: {  	s7 =	sld [smem:$0x3FAF]  }
0x2d: {  	s3 =	simm.s32 $0x108;
	s8 =	sld [smem:$0x3FB0]  }
0x2e: {  	s3 =	simm.s32 @!p0 $0x1082;
	s9 =	sld [smem:$0x3FB1]  }
0x2f: {  	lr =	sadd.s32 s0, s3;
	s0 =	sld [smem:$0x3FA8]  }
0x30: {  	s3 =	sld [smem:$0x3FAB]  }
0x31: {  	[smem:$0x3FB4] =	sst s10  }
0x32: {  	s10 =	sld [smem:$0x3FB2];
	_ =	sdelay $0x3  }
0x33: {  	p0 =	seq.s32 s10, $0x1;
	s10 =	sld [smem:$0x3FB4];
	_ =	sdelay $0x3  }
0x34: {  	[smem:$0x3FB4] =	sst s10  }
0x35: {  	s10 =	sld [smem:$0x3FB3];
	_ =	sdelay $0x3  }
0x36: {  	p1 =	seq.s32 s10, $0x1;
	s10 =	sld [smem:$0x3FB4];
	_ =	sdelay $0x3  }
0x37: {  	[smem:$0x3FB4] =	sst s10  }
0x38: {  	s10 =	sld [smem:$0x3FB5]  }
0x39: {  	_ = 	snop;
	(pc) =	sbr.ind lr, $3  }
0x3a: {  	_ = 	snop  }
0x3b: {  	_ = 	snop  }
0x3c: {  	p2 =	seq.s32 s10, $0x1;
	s10 =	sld [smem:$0x3FB4]  }
0x3d: {  	_ =	shalt  }
0x3e: {  	_ =	shalt  }
0x3f: {  	_ =	shalt  }
0x40: {  	_ =	shalt  }
0x41: {  	_ =	shalt  }
0x42: {  	_ =	shalt  }
0x43: {  	_ =	shalt  }
0x44: {  	_ =	shalt  }
0x45: {  	_ =	shalt  }
0x46: {  	_ =	shalt  }
0x47: {  	_ =	shalt  }
0x48: {  	_ =	shalt  }
0x49: {  	_ =	shalt  }
0x4a: {  	_ =	shalt  }
0x4b: {  	_ =	shalt  }
0x4c: {  	_ =	shalt  }
0x4d: {  	_ =	shalt  }
0x4e: {  	_ =	shalt  }
0x4f: {  	_ =	shalt  }
0x50: {  	_ =	shalt  }
0x51: {  	_ =	shalt  }
0x52: {  	_ =	shalt  }
0x53: {  	_ =	shalt  }
0x54: {  	_ =	shalt  }
0x55: {  	_ =	shalt  }
0x56: {  	_ =	shalt  }
0x57: {  	_ =	shalt  }
0x58: {  	_ =	shalt  }
0x59: {  	_ =	shalt  }
0x5a: {  	_ =	shalt  }
0x5b: {  	_ =	shalt  }
0x5c: {  	_ =	shalt  }
0x5d: {  	_ =	shalt  }
0x5e: {  	_ =	shalt  }
0x5f: {  	_ =	shalt  }
0x60: {  	_ =	shalt  }
0x61: {  	_ =	shalt  }
0x62: {  	_ =	shalt  }
0x63: {  	_ =	shalt  }
0x64: {  	_ =	shalt  }
0x65: {  	_ =	shalt  }
0x66: {  	_ =	shalt  }
0x67: {  	_ =	shalt  }
0x68: {  	_ =	shalt  }
0x69: {  	_ =	shalt  }
0x6a: {  	_ =	shalt  }
0x6b: {  	_ =	shalt  }
0x6c: {  	_ =	shalt  }
0x6d: {  	_ =	shalt  }
0x6e: {  	_ =	shalt  }
0x6f: {  	_ =	shalt  }
0x70: {  	_ =	shalt  }
0x71: {  	_ =	shalt  }
0x72: {  	_ =	shalt  }
0x73: {  	_ =	shalt  }
0x74: {  	_ =	shalt  }
0x75: {  	_ =	shalt  }
0x76: {  	_ =	shalt  }
0x77: {  	_ =	shalt  }
0x78: {  	_ =	shalt  }
0x79: {  	_ =	shalt  }
0x7a: {  	_ =	shalt  }
0x7b: {  	_ =	shalt  }
0x7c: {  	_ =	shalt  }
0x7d: {  	_ =	shalt  }
0x7e: {  	_ =	shalt  }
0x7f: {  	_ =	shalt  }
0x80: {  	_ =	shalt  }
0x81: {  	_ =	shalt  }
0x82: {  	_ =	shalt  }
0x83: {  	_ =	shalt  }
0x84: {  	_ =	shalt  }
0x85: {  	_ =	shalt  }
0x86: {  	_ =	shalt  }
0x87: {  	_ =	shalt  }
.Lfunc_end0:
.L_simem_size_0:
called_computation_lowered:
.L_overlay_start_0:
0x88: {  	s2 =	sld [smem:$0x3FD9]  }
0x89: {  	s3 =	sld [smem:$0x3FFE];
	_ =	sdelay $0x1  }
0x8a: {  	s1 =	srdreg.scid  }
0x8b: {  	s0 =	sand.u32 $0x1, s1  }
0x8c: {  	s17 =	sshll.u32 s0, $0xA;
	s2 =	sadd.s32 s3, s2  }
0x8d: {  	s2 =	sadd.s32 s2, s17  }
0x8e: {  	[smem:$0x3FC0] =	sst s2  }
0x8f: {  	_ = 	snop  }
0x90: {  	s2 =	sld [smem:$0x3FD0];
	(tm) =	ssettm $0x1  }
0x91: {  	s18 =	sld [smem:$0x3FFB];
	_ =	sdelay $0x3  }
0x92: {  	_ =	strace s18  }
0x93: {  	s3 =	sld [smem:$0x3FFC];
	_ =	sdelay $0x3  }
0x94: {  	_ =	strace s3  }
0x95: {  	s3 =	sld [smem:$0x3FFD];
	_ =	sdelay $0x3  }
0x96: {  	_ =	strace s3  }
0x97: {  	_ =	strace $0x8FFFFFFF  }
0x98: {  	s19 =	sld [smem:$0x3FDB];
	_ =	sdelay $0x1  }
0x99: {  	s4 =	simm.s32 $_scs_section_size  }
0x9a: {  	s5 =	simm.s32 $_size__tile_overlayer_lowered;
	s6 =	simm.s32 $_tile_overlayer_lowered  }
0x9b: {  	s22 =	simm.s32 $0x1BFF;
	s21 =	sshll.u32 s6, $0x1;
	s3 =	sadd.s32 s4, s19  }
0x9c: {  	s7 =	simm.s32 $0x0;
	s20 =	sshll.u32 s5, $0x1;
	s5 =	sadd.s32 s21, s3  }
0x9d: {  	[timem:s7], [sflag:s22] =	dma.local [hbm:s5], s20  }
0x9e: {  	_ =	swait.ge [sflag:s22], s20  }
0x9f: {  	s4 =	ssub.s32 $0x0, s20;
	[sflag:s22] =	ssyncset.done $0x0  }
0xa0: {  	[sflag:s22] =	ssyncadd.s32 s4;
	_ =	sdelay $0x1  }
0xa1: {  	s23 =	simm.s32 $0x1B8B  }
0xa2: {  	_ =	swait.ge [sflag:s23], $0x1  }
0xa3: {  	[sflag:s23] =	ssyncset.done $0x0  }
0xa4: {  	s25 =	simm.s32 $0x1B8E;
	s24 =	sld [smem:$0x3FFE];
	[sflag:s23] =	ssyncadd.s32 $0xFFFFFFFF  }
0xa5: {  	s26 =	simm.s32 $execute0_lowered;
	[smem:$0x3FD2] =	sst s25  }
0xa6: {  	s5 =	sshll.u32 s26, $0x1;
	_ =	strace $0x80000046;
	[dreg:$0x1] =	wrdreg $0xFFFFFFFF  }
0xa7: {  	s28 =	simm.s32 $_size_execute0_lowered;
	s3 =	sadd.s32 s3, s5;
	[dreg:$0x0] =	wrdreg $0x0  }
0xa8: {  	s5 =	sshll.u32 s28, $0x1;
	[dreg:$0x2] =	wrdreg s3  }
0xa9: {  	[dreg:$0x3] =	wrdreg s5  }
0xaa: {  	[dreg:$0x4] =	wrdreg $0xC0  }
0xab: {  	_ =	task [dreg:s7], $0x5FFFF  }
0xac: {  	[dreg:$0x1] =	wrdreg $0xFFFFFFFF  }
0xad: {  	[dreg:$0x0] =	wrdreg $0x60  }
0xae: {  	[dreg:$0x2] =	wrdreg s24  }
0xaf: {  	[dreg:$0x3] =	wrdreg s2  }
0xb0: {  	[dreg:$0x4] =	wrdreg $0xA0500  }
0xb1: {  	[dreg:$0x5] =	wrdreg $0x9  }
0xb2: {  	_ =	task.clear_ibuf [dreg:s7], $0x6FFFF;
	_ =	strace $0x90000046  }
0xb3: {  	s29 =	simm.s32 $0x9;
	_ =	strace $0x80000048  }
0xb4: {  	_ =	swait.ge [sflag:s29], $0x1  }
0xb5: {  	[sflag:s29] =	ssyncadd.s32 $0xFFFFFFFF  }
0xb6: {  	_ =	strace $0x90000048  }
0xb7: {  	_ =	sfence  }
0xb8: {  	s30 =	sld [smem:$0x0];
	_ =	sdelay $0x2  }
0xb9: {  	s31 =	sshll.u32 s1, $0xD;
	s1 =	sshrl.u32 s1, $0x2  }
0xba: {  	s3 =	sand.u32 $0x4000, s31;
	s1 =	sadd.s32 s1, s30  }
0xbb: {  	s0 =	sor.u32 s3, s0;
	s1 =	sshll.u32 s1, $0x11  }
0xbc: {  	s0 =	sor.u32 s1, s0  }
0xbd: {  	s0 =	sadd.s32 $0x8F2B, s0  }
0xbe: {  	[sflag:s0] =	ssyncadd.remote.s32 $0x1  }
0xbf: {  	_ =	sfence.sel $0xFFFF  }
0xc0: {  	[dreg:$0x0] =	wrdreg $0xFFFFFFFF;
	(pc) =	sbr.abs _section_cstart, $3  }
0xc1: {  	[dreg:$0x1] =	wrdreg $0xFFFFFFFF  }
0xc2: {  	_ =	task.clear_ibuf [dreg:s7], $0x2FFFF;
	_ =	strace $0x9FFFFFFF  }
0xc3: {  	(tm) =	ssettm $0x7FFFFFFF  }
tec
execute0_lowered:
.L_overlay_start_1:
0x0: {  	(tag) =	ssettag $0x1  }
0x1: {  	s4 =	rddreg [dreg:$0x0]  }
0x2: {  	s6 =	rddreg [dreg:$0x1];
	s0 =	srdreg.scid  }
0x3: {  	s1 =	stileid.u32;
	s2 =	rddreg [dreg:$0x2]  }
0x4: {  	s3 =	simm.s32 $0x0;
	s11 =	simm.s32 $0x50;
	s12 =	simm.s32 $0x7800  }
0x5: {  	s14 =	simm.s32 $0x0;
	s5 =	sand.u32 $0x1, s0;
	s0 =	rddreg [dreg:$0x3]  }
0x6: {  	s7 =	sshll.u32 s1, $0x1;
	[smem:$0x7FF] =	sst s3;
	s9 =	sshll.u32 s1, $0xA  }
0x7: {  	p0 =	sne.s32 s1, $0x0;
	p1 =	sgt.u32 s1, $0x9;
	s7 =	sor.u32 s5, s7  }
0x8: {  	_ =	strace $0x80000047;
	s8 =	smul.u32 $0x2800, s5;
	s5 =	ssub.s32 $0x2, s5  }
0x9: {  	s13 =	sadd.s32 s9, s2;
	s7 =	smul.u32 $0xA00, s7;
	s10 =	sshrl.u32 s5, $0x1  }
0xa: {  	s13 =	sshrl.u32 @!p1 s13, $0x3;
	s8 =	sadd.s32 s9, s8;
	s10 =	ssub.s32 s5, s10  }
0xb: {  	s9 =	simm.s32 $0xA000;
	s7 =	sadd.s32 s7, s4;
	s4 =	sadd.s32 $0x2AA00, s4  }
0xc: {  	s31 =	sshrl.u32 s8, $0x3;
	s8 =	simm.s32 $0x1;
	s5 =	sadd.s32 $0x16A00, s7  }
0xd: {  	v0 =	vimm.f32 $0.0e+00;
	v1 =	vimm.f32 $1.000000000e+00;
	s6 =	sadd.s32 s6, s31;
	s7 =	smax.u32 s10, $0x1;
	s10 =	simm.s32 $0x5000  }
.LBB2_1:
0xe: {  	[tilespmem:s3], [sflag:$0x1] =	stream.linear.gather [hbm4b:s5+s3], $0x5000, $0x38;
	[tilespmem:$0xA2D0] =	vst v63  }
0xf: {  	_ =	swait.ge [sflag:s8], $0x5000  }
0x10: {  	[sflag:s8] =	ssyncset.done $0x0  }
0x11: {  	[sflag:s8] =	ssyncadd.s32 $0xFFFFB000  }
0x12: {  	[tilespmem:s9], [sflag:$0x1] =	stream.linear.gather [hbm4b:s4+s3], $0x50, $0x38;
	[tilespmem:$0xA2D0] =	vst v63  }
0x13: {  	_ =	swait.ge [sflag:s8], $0x50  }
0x14: {  	[sflag:s8] =	ssyncset.done $0x0  }
0x15: {  	s15 =	simm.s32 $0x0;
	[sflag:s8] =	ssyncadd.s32 $0xFFFFFFB0  }
.LBB2_2:
0x16: {  	p2 =	sne.s32 s15, $0x9FC0  }
.Ltmp0:
0x17: {  	_ = 	snop;
	(pc) =	sbr.rel @p2 .LBB2_2-.Ltmp0, $3  }
0x18: {  	_ =	sdelay $0x1  }
0x19: {  	s16 =	sshra.s32 s15, $0x2  }
0x1a: {  	s15 =	sadd.s32 $0x40, s15;
	[tilespmem:s16+$0x5000] =	vst v0  }
0x1b: {  	s15 =	simm.s32 $0x0;
	s16 =	simm.s32 $0x200  }
.LBB2_4:
0x1c: {  	p2 =	sne.s32 s16, $0x9E00;
	[tilespmem:s15+$0x7870] =	vst v0  }
0x1d: {  	[tilespmem:s15+$0x7800] =	vst v0  }
0x1e: {  	[tilespmem:s15+$0x7810] =	vst v0  }
.Ltmp1:
0x1f: {  	[tilespmem:s15+$0x7820] =	vst v0;
	(pc) =	sbr.rel @p2 .LBB2_4-.Ltmp1, $4  }
0x20: {  	[tilespmem:s15+$0x7830] =	vst v0  }
0x21: {  	[tilespmem:s15+$0x7840] =	vst v0  }
0x22: {  	[tilespmem:s15+$0x7850] =	vst v0  }
0x23: {  	[tilespmem:s15+$0x7860] =	vst v0;
	s15 =	sshra.s32 s16, $0x2;
	s16 =	sadd.s32 $0x200, s16  }
0x24: {  	[tilespmem:s15+$0x7870] =	vst v0  }
0x25: {  	[tilespmem:s15+$0x7800] =	vst v0  }
0x26: {  	[tilespmem:s15+$0x7810] =	vst v0  }
0x27: {  	[tilespmem:s15+$0x7820] =	vst v0  }
0x28: {  	[tilespmem:s15+$0x7830] =	vst v0  }
0x29: {  	[tilespmem:s15+$0x7840] =	vst v0  }
0x2a: {  	[tilespmem:s15+$0x7850] =	vst v0  }
0x2b: {  	[tilespmem:s15+$0x7860] =	vst v0;
	s15 =	simm.s32 @!p0 $0x7800  }
0x2c: {  	[spmem:s2] =	stream.linear.scatter @!p0 [tilespmem:s15], [sflag:$0x1], $0x2800, $0x38;
	[tilespmem:$0xA2D0] =	vst v63  }
0x2d: {  	s15 =	simm.s32 @!p0 $0x1  }
0x2e: {  	_ =	swait.ge @!p0 [sflag:s15], $0x2800  }
0x2f: {  	[sflag:s15] =	ssyncset.done @!p0 $0x0  }
0x30: {  	[sflag:s15] =	ssyncadd.s32 @!p0 $0xFFFFD800;
	s15 =	simm.s32 $0x0  }
.LBB2_6:
0x31: {  	s16 =	sshra.s32 s15, $0x2  }
0x32: {  	v2 =	vld [tilespmem:s16+$0x0];
	_ =	sdelay $0x7  }
0x33: {  	[tilespmem:v2+s10+$0x0] =	vst.idx.add.f32.msk $0xffff, v1  }
0x34: {  	v2 =	vld [tilespmem:s16+$0x10];
	_ =	sdelay $0x7  }
0x35: {  	[tilespmem:v2+s10+$0x0] =	vst.idx.add.f32.msk $0xffff, v1  }
0x36: {  	v2 =	vld [tilespmem:s16+$0x20];
	_ =	sdelay $0x7  }
0x37: {  	[tilespmem:v2+s10+$0x0] =	vst.idx.add.f32.msk $0xffff, v1  }
0x38: {  	v2 =	vld [tilespmem:s16+$0x30];
	_ =	sdelay $0x7  }
0x39: {  	[tilespmem:v2+s10+$0x0] =	vst.idx.add.f32.msk $0xffff, v1  }
0x3a: {  	v2 =	vld [tilespmem:s16+$0x40];
	_ =	sdelay $0x7  }
0x3b: {  	[tilespmem:v2+s10+$0x0] =	vst.idx.add.f32.msk $0xffff, v1  }
0x3c: {  	v2 =	vld [tilespmem:s16+$0x50];
	_ =	sdelay $0x7  }
0x3d: {  	[tilespmem:v2+s10+$0x0] =	vst.idx.add.f32.msk $0xffff, v1  }
0x3e: {  	v2 =	vld [tilespmem:s16+$0x60];
	_ =	sdelay $0x7  }
0x3f: {  	[tilespmem:v2+s10+$0x0] =	vst.idx.add.f32.msk $0xffff, v1  }
0x40: {  	v2 =	vld [tilespmem:s16+$0x70];
	_ =	sdelay $0x7  }
0x41: {  	[tilespmem:v2+s10+$0x0] =	vst.idx.add.f32.msk $0xffff, v1  }
0x42: {  	v2 =	vld [tilespmem:s16+$0x80];
	_ =	sdelay $0x7  }
0x43: {  	[tilespmem:v2+s10+$0x0] =	vst.idx.add.f32.msk $0xffff, v1  }
0x44: {  	v2 =	vld [tilespmem:s16+$0x90];
	_ =	sdelay $0x7  }
0x45: {  	[tilespmem:v2+s10+$0x0] =	vst.idx.add.f32.msk $0xffff, v1  }
0x46: {  	v2 =	vld [tilespmem:s16+$0xA0];
	_ =	sdelay $0x7  }
0x47: {  	[tilespmem:v2+s10+$0x0] =	vst.idx.add.f32.msk $0xffff, v1  }
0x48: {  	v2 =	vld [tilespmem:s16+$0xB0];
	_ =	sdelay $0x7  }
0x49: {  	[tilespmem:v2+s10+$0x0] =	vst.idx.add.f32.msk $0xffff, v1  }
0x4a: {  	v2 =	vld [tilespmem:s16+$0xC0];
	_ =	sdelay $0x7  }
0x4b: {  	[tilespmem:v2+s10+$0x0] =	vst.idx.add.f32.msk $0xffff, v1  }
0x4c: {  	v2 =	vld [tilespmem:s16+$0xD0];
	_ =	sdelay $0x7  }
0x4d: {  	[tilespmem:v2+s10+$0x0] =	vst.idx.add.f32.msk $0xffff, v1  }
0x4e: {  	v2 =	vld [tilespmem:s16+$0xE0];
	_ =	sdelay $0x7  }
0x4f: {  	[tilespmem:v2+s10+$0x0] =	vst.idx.add.f32.msk $0xffff, v1  }
0x50: {  	v2 =	vld [tilespmem:s16+$0xF0];
	_ =	sdelay $0x2  }
0x51: {  	p2 =	sne.s32 s15, $0x13C00  }
.Ltmp2:
0x52: {  	_ = 	snop;
	(pc) =	sbr.rel @p2 .LBB2_6-.Ltmp2, $2  }
0x53: {  	_ =	sdelay $0x2  }
0x54: {  	s15 =	sadd.s32 $0x400, s15;
	[tilespmem:v2+s10+$0x0] =	vst.idx.add.f32.msk $0xffff, v1  }
0x55: {  	s15 =	simm.s32 $0x0  }
0x56: {  	v5 =	vld [tilespmem:s15+$0x5070]  }
0x57: {  	v6 =	vld [tilespmem:s15+$0x5000]  }
0x58: {  	v7 =	vld [tilespmem:s15+$0x5010]  }
0x59: {  	v4 =	vld [tilespmem:s15+$0x5020]  }
0x5a: {  	v2 =	vld [tilespmem:s15+$0x5030]  }
0x5b: {  	v3 =	vld [tilespmem:s15+$0x5040];
	[tilespmem:s15+$0x7870] =	vst v5  }
0x5c: {  	[tilespmem:s15+$0x7800] =	vst v6;
	v5 =	vld [tilespmem:s15+$0x5050]  }
0x5d: {  	s16 =	simm.s32 $0x80;
	s17 =	simm.s32 $0x400;
	[tilespmem:s15+$0x7810] =	vst v7;
	v6 =	vld [tilespmem:s15+$0x5060]  }
.LBB2_8:
0x5e: {  	p2 =	sne.s32 s17, $0x9E00;
	v7 =	vld [tilespmem:s16+$0x5070];
	[tilespmem:s15+$0x7820] =	vst v4  }
0x5f: {  	v8 =	vld [tilespmem:s16+$0x5000];
	[tilespmem:s15+$0x7830] =	vst v2  }
0x60: {  	v9 =	vld [tilespmem:s16+$0x5010];
	[tilespmem:s15+$0x7840] =	vst v3  }
.Ltmp3:
0x61: {  	v4 =	vld [tilespmem:s16+$0x5020];
	[tilespmem:s15+$0x7850] =	vst v5;
	(pc) =	sbr.rel @p2 .LBB2_8-.Ltmp3, $4  }
0x62: {  	v2 =	vld [tilespmem:s16+$0x5030];
	[tilespmem:s15+$0x7860] =	vst v6;
	s15 =	smov.u32 s16  }
0x63: {  	v3 =	vld [tilespmem:s15+$0x5040];
	[tilespmem:s15+$0x7870] =	vst v7  }
0x64: {  	[tilespmem:s15+$0x7800] =	vst v8;
	v5 =	vld [tilespmem:s15+$0x5050]  }
0x65: {  	s16 =	sshra.s32 s17, $0x2;
	s17 =	sadd.s32 $0x200, s17;
	[tilespmem:s15+$0x7810] =	vst v9;
	v6 =	vld [tilespmem:s15+$0x5060]  }
0x66: {  	v7 =	vld [tilespmem:s16+$0x5070];
	[tilespmem:s15+$0x7820] =	vst v4  }
0x67: {  	v4 =	vld [tilespmem:s16+$0x5000];
	[tilespmem:s15+$0x7830] =	vst v2  }
0x68: {  	v2 =	vld [tilespmem:s16+$0x5010];
	[tilespmem:s15+$0x7840] =	vst v3  }
0x69: {  	v3 =	vld [tilespmem:s16+$0x5020];
	[tilespmem:s15+$0x7850] =	vst v5  }
0x6a: {  	v5 =	vld [tilespmem:s16+$0x5030];
	[tilespmem:s15+$0x7860] =	vst v6  }
0x6b: {  	v6 =	vld [tilespmem:s16+$0x5040];
	[tilespmem:s16+$0x7870] =	vst v7  }
0x6c: {  	v63 =	vld [tilespmem:s16+$0x5050];
	[tilespmem:s16+$0x7800] =	vst v4  }
0x6d: {  	[tilespmem:s16+$0x7810] =	vst v2;
	v2 =	vld [tilespmem:s16+$0x5060]  }
0x6e: {  	[tilespmem:s16+$0x7820] =	vst v3  }
0x6f: {  	[tilespmem:s16+$0x7830] =	vst v5  }
0x70: {  	[tilespmem:s16+$0x7840] =	vst v6  }
0x71: {  	[tilespmem:s16+$0x7850] =	vst v63  }
0x72: {  	[tilespmem:s16+$0x7860] =	vst v2  }
0x73: {  	[bflag:$0x0] =	sbarrier.arrive $0xFFFF  }
0x74: {  	[spmem:s2] =	stream.indirect.scatter.add.f32 [tilespmem:s12], [sflag:$0x1], $0x80, s9, s11, $0xb8;
	[tilespmem:$0xA2D0] =	vst v63  }
0x75: {  	_ =	swait.ge [sflag:s8], $0x2800  }
0x76: {  	[sflag:s8] =	ssyncset.done $0x0  }
0x77: {  	s14 =	sadd.s32 $0x1, s14;
	s15 =	sshll.u32 @!p1 s1, $0x6;
	[sflag:s8] =	ssyncadd.s32 $0xFFFFD800  }
0x78: {  	p2 =	sne.s32 s14, s7;
	s15 =	sor.u32 @!p1 $0x1C01, s15;
	[bflag:$0x0] =	sbarrier.arrive $0xFFFF  }
0x79: {  	[hbm:s6], [sflag:s15] =	dma.local @!p1 [spmem:s13], $0x80  }
.Ltmp4:
0x7a: {  	_ = 	snop;
	(pc) =	sbr.rel @p2 .LBB2_1-.Ltmp4, $4  }
0x7b: {  	s15 =	simm.s32 @!p1 $0x1  }
0x7c: {  	_ =	swait.ge @!p1 [sflag:s15], $0x80  }
0x7d: {  	[sflag:s15] =	ssyncset.done @!p1 $0x0  }
0x7e: {  	[sflag:s15] =	ssyncadd.s32 @!p1 $0xFFFFFF80  }
0x7f: {  	_ =	sfence.sel $0x180000  }
0x80: {  	[bflag:$0x0] =	sbarrier.arrive $0xFFFF  }
0x81: {  	_ =	strace $0x90000047  }
0x82: {  	s0 =	sadd.s32 @!p0 $0x100000, s0;
	[bflag:$0x2] =	sbarrier.arrive $0xFFFF  }
0x83: {  	[sflag:s0] =	ssyncadd.tile.s32 @!p0 $0x1;
	_ =	shalt  }
.Lfunc_end2:
_tile_overlayer_lowered:
.L_overlay_start_2:
0x84: {  	(tag) =	ssettag $0x2  }
0x85: {  	s0 =	rddreg [dreg:$0x0];
	s2 =	stileid.u32  }
0x86: {  	s1 =	rddreg [dreg:$0x1];
	p0 =	sne.s32 s2, $0x0  }
0x87: {  	s3 =	rddreg [dreg:$0x2];
	[bflag:$0x3] =	sbarrier.arrive $0xFFFF;
	s2 =	simm.s32 @!p0 $0x1C01  }
0x88: {  	[timem:s3], [sflag:s2] =	dma.local @!p0 [hbm:s0], s1  }
0x89: {  	s0 =	simm.s32 @!p0 $0x1  }
0x8a: {  	_ =	swait.ge @!p0 [sflag:s0], s1  }
0x8b: {  	s1 =	ssub.s32 @!p0 $0x0, s1;
	[sflag:s0] =	ssyncset.done @!p0 $0x0  }
0x8c: {  	[sflag:s0] =	ssyncadd.s32 @!p0 s1  }
0x8d: {  	[bflag:$0x3] =	sbarrier.arrive $0xFFFF  }
0x8e: {  	_ =	shalt  }

// kernel: kernel.14.cloned.1.call-start
scs
__scs_entry_jumppad:
0x0: {  	(pc) =	sbr.rel $0x88, $3  }
0x1: {  	(tag) =	ssettag $0x0;
	lr =	simm.s32 $0x1  }
0x2: {  	[smem:$0x3F99] =	sst lr;
	_ =	strace $0xD0000000  }
0x3: {  	_ = 	snop  }
0x4: {  	_ = 	snop  }
0x5: {  	_ = 	snop  }
0x6: {  	_ = 	snop  }
0x7: {  	_ = 	snop  }
__scs_overlays_trampoline_lowered:
0x8: {  	[smem:$0x3FA8] =	sst s0  }
0x9: {  	[smem:$0x3FA9] =	sst s1  }
0xa: {  	[smem:$0x3FAA] =	sst s2  }
0xb: {  	[smem:$0x3FAB] =	sst s3  }
0xc: {  	[smem:$0x3FAC] =	sst s4  }
0xd: {  	[smem:$0x3FAD] =	sst s5  }
0xe: {  	[smem:$0x3FAE] =	sst s6  }
0xf: {  	[smem:$0x3FAF] =	sst s7  }
0x10: {  	[smem:$0x3FB0] =	sst s8  }
0x11: {  	[smem:$0x3FB1] =	sst s9;
	s0 =	simm.s32 @!p0 $0x0  }
0x12: {  	s1 =	sld [smem:$0x3F97];
	s0 =	simm.s32 @p0 $0x1  }
0x13: {  	[smem:$0x3FB2] =	sst s0;
	s0 =	simm.s32 @!p1 $0x0  }
0x14: {  	s2 =	sld [smem:$0x3F96];
	s0 =	simm.s32 @p1 $0x1  }
0x15: {  	[smem:$0x3FB3] =	sst s0;
	s0 =	simm.s32 @!p2 $0x0  }
0x16: {  	s3 =	sld [smem:$0x3FDB];
	s0 =	simm.s32 @p2 $0x1  }
0x17: {  	s4 =	simm.s32 $0x1BF5;
	[smem:$0x3FB5] =	sst s0  }
0x18: {  	s0 =	sld [smem:$0x3F98];
	_ =	swait.ge [sflag:s4], $0x0  }
0x19: {  	s7 =	sld [smem:$0x3F99]  }
0x1a: {  	s8 =	sadd.s32 $0xFFFFE003, lr  }
0x1b: {  	s9 =	sadd.s32 $0xFFFFFEF7, lr;
	s5 =	simm.s32 $0xFFFFFFFF;
	p2 =	slt.u32 s8, $0xFFFFF086  }
0x1c: {  	p1 =	slt.u32 s9, $0xF7A;
	s5 =	simm.s32 @!p2 $0x0  }
0x1d: {  	s5 =	simm.s32 @p1 $0x1;
	p0 =	seq.s32 s7, s2  }
0x1e: {  	s7 =	smul.u32 @!p0 $0xF7A, s2;
	p2 =	seq.s32 @!p0 s5, $0x0  }
0x1f: {  	s9 =	smul.u32 $0xF7A, s1;
	s8 =	simm.s32 @!p0 $0x1BF5;
	p2 =	por !p2, p0  }
0x20: {  	[sflag:s8] =	ssyncset.s32 @!p0 $0xFFFFF086;
	s6 =	sadd.s32 @!p0 s3, s7;
	s7 =	simm.s32 @!p0 $0x108  }
0x21: {  	s3 =	sadd.s32 s3, s9;
	s6 =	sadd.s32 @!p0 $0x88, s6;
	s7 =	simm.s32 @p2 $0x1082  }
0x22: {  	[simem:s7], [sflag:s8] =	dma.local @!p0 [hbm:s6], $0xF7A  }
0x23: {  	s9 =	sor.u32 $0xD0000000, s2;
	s6 =	simm.s32 $0x108;
	_ =	swait.ge @!p0 [sflag:s8], $0x0  }
0x24: {  	s3 =	sadd.s32 $0x88, s3;
	s6 =	simm.s32 @!p1 $0x1082;
	[sflag:s4] =	ssyncset.s32 $0xFFFFF086  }
0x25: {  	[simem:s6], [sflag:s4] =	dma.local [hbm:s3], $0xF7A  }
0x26: {  	[smem:$0x3F99] =	sst s1;
	(tag) =	ssettag s2;
	_ =	strace s9  }
0x27: {  	s1 =	sld [smem:$0x3FA9]  }
0x28: {  	s2 =	sld [smem:$0x3FAA]  }
0x29: {  	s4 =	sld [smem:$0x3FAC]  }
0x2a: {  	p0 =	seq.s32 s5, $0x0;
	s5 =	sld [smem:$0x3FAD]  }
0x2b: {  	s6 =	sld [smem:$0x3FAE]  }
0x2c: {  	s7 =	sld [smem:$0x3FAF]  }
0x2d: {  	s3 =	simm.s32 $0x108;
	s8 =	sld [smem:$0x3FB0]  }
0x2e: {  	s3 =	simm.s32 @!p0 $0x1082;
	s9 =	sld [smem:$0x3FB1]  }
0x2f: {  	lr =	sadd.s32 s0, s3;
	s0 =	sld [smem:$0x3FA8]  }
0x30: {  	s3 =	sld [smem:$0x3FAB]  }
0x31: {  	[smem:$0x3FB4] =	sst s10  }
0x32: {  	s10 =	sld [smem:$0x3FB2];
	_ =	sdelay $0x3  }
0x33: {  	p0 =	seq.s32 s10, $0x1;
	s10 =	sld [smem:$0x3FB4];
	_ =	sdelay $0x3  }
0x34: {  	[smem:$0x3FB4] =	sst s10  }
0x35: {  	s10 =	sld [smem:$0x3FB3];
	_ =	sdelay $0x3  }
0x36: {  	p1 =	seq.s32 s10, $0x1;
	s10 =	sld [smem:$0x3FB4];
	_ =	sdelay $0x3  }
0x37: {  	[smem:$0x3FB4] =	sst s10  }
0x38: {  	s10 =	sld [smem:$0x3FB5]  }
0x39: {  	_ = 	snop;
	(pc) =	sbr.ind lr, $3  }
0x3a: {  	_ = 	snop  }
0x3b: {  	_ = 	snop  }
0x3c: {  	p2 =	seq.s32 s10, $0x1;
	s10 =	sld [smem:$0x3FB4]  }
0x3d: {  	_ =	shalt  }
0x3e: {  	_ =	shalt  }
0x3f: {  	_ =	shalt  }
0x40: {  	_ =	shalt  }
0x41: {  	_ =	shalt  }
0x42: {  	_ =	shalt  }
0x43: {  	_ =	shalt  }
0x44: {  	_ =	shalt  }
0x45: {  	_ =	shalt  }
0x46: {  	_ =	shalt  }
0x47: {  	_ =	shalt  }
0x48: {  	_ =	shalt  }
0x49: {  	_ =	shalt  }
0x4a: {  	_ =	shalt  }
0x4b: {  	_ =	shalt  }
0x4c: {  	_ =	shalt  }
0x4d: {  	_ =	shalt  }
0x4e: {  	_ =	shalt  }
0x4f: {  	_ =	shalt  }
0x50: {  	_ =	shalt  }
0x51: {  	_ =	shalt  }
0x52: {  	_ =	shalt  }
0x53: {  	_ =	shalt  }
0x54: {  	_ =	shalt  }
0x55: {  	_ =	shalt  }
0x56: {  	_ =	shalt  }
0x57: {  	_ =	shalt  }
0x58: {  	_ =	shalt  }
0x59: {  	_ =	shalt  }
0x5a: {  	_ =	shalt  }
0x5b: {  	_ =	shalt  }
0x5c: {  	_ =	shalt  }
0x5d: {  	_ =	shalt  }
0x5e: {  	_ =	shalt  }
0x5f: {  	_ =	shalt  }
0x60: {  	_ =	shalt  }
0x61: {  	_ =	shalt  }
0x62: {  	_ =	shalt  }
0x63: {  	_ =	shalt  }
0x64: {  	_ =	shalt  }
0x65: {  	_ =	shalt  }
0x66: {  	_ =	shalt  }
0x67: {  	_ =	shalt  }
0x68: {  	_ =	shalt  }
0x69: {  	_ =	shalt  }
0x6a: {  	_ =	shalt  }
0x6b: {  	_ =	shalt  }
0x6c: {  	_ =	shalt  }
0x6d: {  	_ =	shalt  }
0x6e: {  	_ =	shalt  }
0x6f: {  	_ =	shalt  }
0x70: {  	_ =	shalt  }
0x71: {  	_ =	shalt  }
0x72: {  	_ =	shalt  }
0x73: {  	_ =	shalt  }
0x74: {  	_ =	shalt  }
0x75: {  	_ =	shalt  }
0x76: {  	_ =	shalt  }
0x77: {  	_ =	shalt  }
0x78: {  	_ =	shalt  }
0x79: {  	_ =	shalt  }
0x7a: {  	_ =	shalt  }
0x7b: {  	_ =	shalt  }
0x7c: {  	_ =	shalt  }
0x7d: {  	_ =	shalt  }
0x7e: {  	_ =	shalt  }
0x7f: {  	_ =	shalt  }
0x80: {  	_ =	shalt  }
0x81: {  	_ =	shalt  }
0x82: {  	_ =	shalt  }
0x83: {  	_ =	shalt  }
0x84: {  	_ =	shalt  }
0x85: {  	_ =	shalt  }
0x86: {  	_ =	shalt  }
0x87: {  	_ =	shalt  }
.Lfunc_end0:
.L_simem_size_0:
called_computation.1_lowered:
.L_overlay_start_0:
0x88: {  	s2 =	sld [smem:$0x3FD9]  }
0x89: {  	s3 =	sld [smem:$0x3FFE];
	_ =	sdelay $0x1  }
0x8a: {  	s1 =	srdreg.scid  }
0x8b: {  	s0 =	sand.u32 $0x1, s1  }
0x8c: {  	s16 =	sshll.u32 s0, $0xA;
	s2 =	sadd.s32 s3, s2  }
0x8d: {  	s2 =	sadd.s32 s2, s16  }
0x8e: {  	[smem:$0x3FC0] =	sst s2  }
0x8f: {  	_ = 	snop  }
0x90: {  	(tm) =	ssettm $0x1  }
0x91: {  	s17 =	sld [smem:$0x3FFB];
	_ =	sdelay $0x3  }
0x92: {  	_ =	strace s17  }
0x93: {  	s2 =	sld [smem:$0x3FFC];
	_ =	sdelay $0x3  }
0x94: {  	_ =	strace s2  }
0x95: {  	s2 =	sld [smem:$0x3FFD];
	_ =	sdelay $0x3  }
0x96: {  	_ =	strace s2  }
0x97: {  	_ =	strace $0x8FFFFFFF  }
0x98: {  	s18 =	sld [smem:$0x3FDB];
	_ =	sdelay $0x1  }
0x99: {  	s19 =	simm.s32 $_scs_section_size  }
0x9a: {  	s4 =	simm.s32 $_size__tile_overlayer_lowered;
	s5 =	simm.s32 $_tile_overlayer_lowered  }
0x9b: {  	s22 =	simm.s32 $0x1BFF;
	s21 =	sshll.u32 s5, $0x1;
	s2 =	sadd.s32 s19, s18  }
0x9c: {  	s6 =	simm.s32 $0x0;
	s20 =	sshll.u32 s4, $0x1;
	s4 =	sadd.s32 s21, s2  }
0x9d: {  	[timem:s6], [sflag:s22] =	dma.local [hbm:s4], s20  }
0x9e: {  	_ =	swait.ge [sflag:s22], s20  }
0x9f: {  	s3 =	ssub.s32 $0x0, s20;
	[sflag:s22] =	ssyncset.done $0x0  }
0xa0: {  	[sflag:s22] =	ssyncadd.s32 s3;
	_ =	sdelay $0x1  }
0xa1: {  	s23 =	simm.s32 $0x1B8B  }
0xa2: {  	_ =	swait.ge [sflag:s23], $0x1  }
0xa3: {  	[sflag:s23] =	ssyncset.done $0x0  }
0xa4: {  	s25 =	simm.s32 $0x1B8E;
	s24 =	sld [smem:$0x3FFE];
	[sflag:s23] =	ssyncadd.s32 $0xFFFFFFFF  }
0xa5: {  	s26 =	simm.s32 $execute0_lowered;
	[smem:$0x3FD2] =	sst s25  }
0xa6: {  	s4 =	sshll.u32 s26, $0x1;
	_ =	strace $0x80000049;
	[dreg:$0x1] =	wrdreg $0xFFFFFFFF  }
0xa7: {  	s28 =	simm.s32 $_size_execute0_lowered;
	s2 =	sadd.s32 s2, s4;
	[dreg:$0x0] =	wrdreg $0x0  }
0xa8: {  	s4 =	sshll.u32 s28, $0x1;
	[dreg:$0x2] =	wrdreg s2  }
0xa9: {  	[dreg:$0x3] =	wrdreg s4  }
0xaa: {  	[dreg:$0x4] =	wrdreg $0xC0  }
0xab: {  	_ =	task [dreg:s6], $0x5FFFF  }
0xac: {  	[dreg:$0x1] =	wrdreg $0xFFFFFFFF  }
0xad: {  	[dreg:$0x0] =	wrdreg $0x60  }
0xae: {  	[dreg:$0x2] =	wrdreg s24  }
0xaf: {  	[dreg:$0x3] =	wrdreg $0x120000  }
0xb0: {  	[dreg:$0x4] =	wrdreg $0x9  }
0xb1: {  	_ =	task.clear_ibuf [dreg:s6], $0x5FFFF;
	_ =	strace $0x90000049  }
0xb2: {  	s29 =	simm.s32 $0x9;
	_ =	strace $0x8000004B  }
0xb3: {  	_ =	swait.ge [sflag:s29], $0x1  }
0xb4: {  	[sflag:s29] =	ssyncadd.s32 $0xFFFFFFFF  }
0xb5: {  	_ =	strace $0x9000004B  }
0xb6: {  	_ =	sfence  }
0xb7: {  	s30 =	sld [smem:$0x0];
	_ =	sdelay $0x2  }
0xb8: {  	s31 =	sshll.u32 s1, $0xD;
	s1 =	sshrl.u32 s1, $0x2  }
0xb9: {  	s3 =	sand.u32 $0x4000, s31;
	s1 =	sadd.s32 s1, s30  }
0xba: {  	s0 =	sor.u32 s3, s0;
	s1 =	sshll.u32 s1, $0x11  }
0xbb: {  	s0 =	sor.u32 s1, s0  }
0xbc: {  	s0 =	sadd.s32 $0x8F2B, s0  }
0xbd: {  	[sflag:s0] =	ssyncadd.remote.s32 $0x1  }
0xbe: {  	_ =	sfence.sel $0xFFFF  }
0xbf: {  	[dreg:$0x0] =	wrdreg $0xFFFFFFFF;
	(pc) =	sbr.abs _section_cstart, $3  }
0xc0: {  	[dreg:$0x1] =	wrdreg $0xFFFFFFFF  }
0xc1: {  	_ =	task.clear_ibuf [dreg:s6], $0x2FFFF;
	_ =	strace $0x9FFFFFFF  }
0xc2: {  	(tm) =	ssettm $0x7FFFFFFF  }
0xc3: {  	_ =	shalt  }
tec
execute0_lowered:
.L_overlay_start_1:
0x0: {  	(tag) =	ssettag $0x1  }
0x1: {  	s0 =	rddreg [dreg:$0x0]  }
0x2: {  	s2 =	rddreg [dreg:$0x1]  }
0x3: {  	s1 =	srdreg.scid;
	s18 =	stileid.u32  }
0x4: {  	s3 =	simm.s32 $0x0;
	s19 =	simm.s32 $0x6;
	s20 =	simm.s32 $0xE000  }
0x5: {  	s28 =	simm.s32 $0x2;
	s30 =	simm.s32 $0x4;
	s1 =	sand.u32 $0x1, s1  }
0x6: {  	s4 =	sshll.u32 s18, $0x1;
	[smem:$0x7FF] =	sst s3;
	s12 =	sadd.s32 $0x3EA00, s0  }
0x7: {  	s9 =	smul.u32 $0xA000, s18;
	s31 =	sshll.u32 s18, $0x6;
	s18 =	simm.s32 $0xA000  }
0x8: {  	s4 =	sor.u32 s1, s4;
	_ =	strace $0x8000004A;
	s6 =	ssub.s32 $0x2, s1  }
0x9: {  	s10 =	smul.u32 $0xA0000, s1;
	p0 =	seq.s32 s1, $0x0;
	s1 =	simm.s32 $0x9F00  }
0xa: {  	s5 =	smul.u32 $0xA00, s4;
	s4 =	sadd.s32 $0x2AA00, s0;
	s21 =	sshrl.u32 s6, $0x1  }
0xb: {  	s22 =	sadd.s32 s9, s2;
	s13 =	sadd.s32 $0x2800, s9;
	s14 =	sshrl.u32 s9, $0x3  }
0xc: {  	s15 =	sadd.s32 $0x5000, s9;
	s17 =	sadd.s32 $0x7800, s9;
	s11 =	ssub.s32 s6, s21  }
0xd: {  	s25 =	sadd.s32 s9, s10;
	s8 =	sadd.s32 s10, s13;
	s16 =	sadd.s32 s10, s15  }
0xe: {  	s23 =	sadd.s32 s13, s2;
	s10 =	sadd.s32 s10, s17;
	s24 =	sadd.s32 s15, s2  }
0xf: {  	s29 =	sadd.s32 s17, s2;
	s12 =	smov.u32 @p0 s4;
	s13 =	sor.u32 $0x1C06, s31  }
0x10: {  	s15 =	sshrl.u32 s22, $0x3;
	s17 =	simm.s32 $0x100;
	s21 =	simm.s32 $0x1  }
0x11: {  	s22 =	simm.s32 $0x3;
	s7 =	sadd.s32 s5, s0;
	s0 =	sadd.s32 $0x52A00, s0  }
0x12: {  	s8 =	sshrl.u32 s8, $0x3;
	s26 =	sshrl.u32 s16, $0x3;
	s10 =	sshrl.u32 s10, $0x3  }
0x13: {  	s11 =	smax.u32 s11, $0x1;
	s12 =	sadd.s32 s12, s14;
	s14 =	simm.s32 $0x5000  }
0x14: {  	s16 =	simm.s32 $0x5;
	s23 =	sshrl.u32 s23, $0x3;
	s24 =	sshrl.u32 s24, $0x3  }
0x15: {  	s5 =	sadd.s32 $0x2A00, s7;
	s6 =	sadd.s32 $0x16A00, s7;
	s7 =	sshrl.u32 s25, $0x3  }
0x16: {  	s8 =	sadd.s32 s0, s8;
	s9 =	sadd.s32 s0, s26;
	s10 =	sadd.s32 s0, s10  }
0x17: {  	s25 =	sshrl.u32 s29, $0x3;
	s26 =	simm.s32 $0x0;
	s7 =	sadd.s32 s0, s7  }
.LBB2_1:
0x18: {  	[tilespmem:s3], [sflag:$0x5] =	stream.linear.gather [hbm4b:s5+s3], $0x5000, $0x38;
	[tilespmem:$0x1C000] =	vst v63  }
0x19: {  	_ = 	snop  }
0x1a: {  	[tilespmem:s14], [sflag:$0x5] =	stream.linear.gather [hbm4b:s6+s3], $0x5000, $0x38;
	[tilespmem:$0x1C000] =	vst v63  }
0x1b: {  	[spmem:s15], [sflag:s13] =	dma.local [hbm:s12], $0x1400  }
0x1c: {  	_ =	swait.ge [sflag:s16], $0x5000  }
0x1d: {  	[sflag:s16] =	ssyncset.done $0x0  }
0x1e: {  	[sflag:s16] =	ssyncadd.s32 $0xFFFFB000  }
0x1f: {  	_ =	swait.ge [sflag:s16], $0x5000  }
0x20: {  	[sflag:s16] =	ssyncset.done $0x0  }
0x21: {  	[sflag:s16] =	ssyncadd.s32 $0xFFFFB000  }
0x22: {  	[tilespmem:s18], [sflag:$0x1] =	stream.indirect.gather [hbm4b:s4+s17], $0x40, s3, s17, $0xb8;
	[tilespmem:$0x1C000] =	vst v63  }
0x23: {  	_ =	swait.ge [sflag:s19], $0x1400  }
0x24: {  	[sflag:s19] =	ssyncset.done $0x0  }
0x25: {  	[sflag:s19] =	ssyncadd.s32 $0xFFFFEC00  }
0x26: {  	[bflag:$0x0] =	sbarrier.arrive $0xFFFF  }
0x27: {  	[tilespmem:s20], [sflag:$0x2] =	stream.indirect.gather [hbm4b:s4+s17], $0x40, s17, s17, $0xb8;
	[tilespmem:$0x1C000] =	vst v63  }
0x28: {  	_ =	swait.ge [sflag:s21], $0x4000  }
0x29: {  	[sflag:s21] =	ssyncset.done $0x0  }
0x2a: {  	[sflag:s21] =	ssyncadd.s32 $0xFFFFC000  }
0x2b: {  	[spmem:s2] =	stream.indirect.scatter.add.f32 [tilespmem:s18], [sflag:$0x3], $0x40, s14, s17, $0xb8;
	[tilespmem:$0x1C000] =	vst v63  }
0x2c: {  	_ =	swait.ge [sflag:s22], $0x4000  }
0x2d: {  	[sflag:s22] =	ssyncset.done $0x0  }
0x2e: {  	s0 =	simm.s32 $0x200;
	[sflag:s22] =	ssyncadd.s32 $0xFFFFC000  }
0x2f: {  	[tilespmem:s18], [sflag:$0x1] =	stream.indirect.gather [hbm4b:s4+s17], $0x40, s0, s17, $0xb8;
	[tilespmem:$0x1C000] =	vst v63  }
0x30: {  	_ =	swait.ge [sflag:s28], $0x4000  }
0x31: {  	[sflag:s28] =	ssyncset.done $0x0  }
0x32: {  	s0 =	simm.s32 $0x5100;
	[sflag:s28] =	ssyncadd.s32 $0xFFFFC000  }
0x33: {  	[spmem:s2] =	stream.indirect.scatter.add.f32 [tilespmem:s20], [sflag:$0x4], $0x40, s0, s17, $0xb8;
	[tilespmem:$0x1C000] =	vst v63  }
0x34: {  	_ =	swait.ge [sflag:s30], $0x4000  }
0x35: {  	[sflag:s30] =	ssyncset.done $0x0  }
0x36: {  	s29 =	simm.s32 $0x300;
	[sflag:s30] =	ssyncadd.s32 $0xFFFFC000  }
0x37: {  	[tilespmem:s20], [sflag:$0x2] =	stream.indirect.gather [hbm4b:s4+s17], $0x40, s29, s17, $0xb8;
	[tilespmem:$0x1C000] =	vst v63  }
0x38: {  	_ =	swait.ge [sflag:s21], $0x4000  }
0x39: {  	[sflag:s21] =	ssyncset.done $0x0  }
0x3a: {  	s29 =	simm.s32 $0x5200;
	[sflag:s21] =	ssyncadd.s32 $0xFFFFC000  }
0x3b: {  	[spmem:s2] =	stream.indirect.scatter.add.f32 [tilespmem:s18], [sflag:$0x3], $0x40, s29, s17, $0xb8;
	[tilespmem:$0x1C000] =	vst v63  }
0x3c: {  	_ =	swait.ge [sflag:s22], $0x4000  }
0x3d: {  	[sflag:s22] =	ssyncset.done $0x0  }
0x3e: {  	s29 =	simm.s32 $0x400;
	[sflag:s22] =	ssyncadd.s32 $0xFFFFC000  }
0x3f: {  	[tilespmem:s18], [sflag:$0x1] =	stream.indirect.gather [hbm4b:s4+s17], $0x40, s29, s17, $0xb8;
	[tilespmem:$0x1C000] =	vst v63  }
0x40: {  	_ =	swait.ge [sflag:s28], $0x4000  }
0x41: {  	[sflag:s28] =	ssyncset.done $0x0  }
0x42: {  	s31 =	simm.s32 $0x5300;
	s29 =	simm.s32 $0xFFFED800;
	[sflag:s28] =	ssyncadd.s32 $0xFFFFC000  }
.LBB2_2:
0x43: {  	[spmem:s2] =	stream.indirect.scatter.add.f32 [tilespmem:s20], [sflag:$0x4], $0x40, s31, s17, $0xb8;
	[tilespmem:$0x1C000] =	vst v63  }
0x44: {  	s31 =	smov.u32 s29  }
0x45: {  	p0 =	sne.s32 s29, $0xFFFFF800;
	s29 =	sadd.s32 $0x800, s29;
	_ =	swait.ge [sflag:s30], $0x4000  }
0x46: {  	s31 =	sshra.s32 s31, $0x2;
	[sflag:s30] =	ssyncset.done $0x0  }
0x47: {  	s0 =	sadd.s32 $0x4F00, s31;
	[sflag:s30] =	ssyncadd.s32 $0xFFFFC000  }
0x48: {  	[tilespmem:s20], [sflag:$0x2] =	stream.indirect.gather [hbm4b:s4+s17], $0x40, s0, s17, $0xb8;
	[tilespmem:$0x1C000] =	vst v63  }
0x49: {  	_ =	swait.ge [sflag:s21], $0x4000  }
0x4a: {  	[sflag:s21] =	ssyncset.done $0x0  }
0x4b: {  	s0 =	sadd.s32 $0x9E00, s31;
	[sflag:s21] =	ssyncadd.s32 $0xFFFFC000  }
0x4c: {  	[spmem:s2] =	stream.indirect.scatter.add.f32 [tilespmem:s18], [sflag:$0x3], $0x40, s0, s17, $0xb8;
	[tilespmem:$0x1C000] =	vst v63  }
0x4d: {  	_ =	swait.ge [sflag:s22], $0x4000  }
0x4e: {  	[sflag:s22] =	ssyncset.done $0x0  }
.Ltmp0:
0x4f: {  	s0 =	sadd.s32 $0x5000, s31;
	[sflag:s22] =	ssyncadd.s32 $0xFFFFC000;
	(pc) =	sbr.rel @p0 .LBB2_2-.Ltmp0, $4  }
0x50: {  	[tilespmem:s18], [sflag:$0x1] =	stream.indirect.gather [hbm4b:s4+s17], $0x40, s0, s17, $0xb8;
	[tilespmem:$0x1C000] =	vst v63  }
0x51: {  	_ =	swait.ge [sflag:s28], $0x4000  }
0x52: {  	[sflag:s28] =	ssyncset.done $0x0  }
0x53: {  	s31 =	sadd.s32 $0x9F00, s31;
	[sflag:s28] =	ssyncadd.s32 $0xFFFFC000  }
0x54: {  	[spmem:s2] =	stream.indirect.scatter.add.f32 [tilespmem:s20], [sflag:$0x4], $0x40, s31, s17, $0xb8;
	[tilespmem:$0x1C000] =	vst v63  }
0x55: {  	_ =	swait.ge [sflag:s30], $0x4000  }
0x56: {  	[sflag:s30] =	ssyncset.done $0x0  }
0x57: {  	s0 =	simm.s32 $0x4F00;
	[sflag:s30] =	ssyncadd.s32 $0xFFFFC000  }
0x58: {  	[tilespmem:s20], [sflag:$0x2] =	stream.indirect.gather [hbm4b:s4+s17], $0x40, s0, s17, $0xb8;
	[tilespmem:$0x1C000] =	vst v63  }
0x59: {  	_ =	swait.ge [sflag:s21], $0x4000  }
0x5a: {  	[sflag:s21] =	ssyncset.done $0x0  }
0x5b: {  	s31 =	simm.s32 $0x9E00;
	[sflag:s21] =	ssyncadd.s32 $0xFFFFC000  }
0x5c: {  	[spmem:s2] =	stream.indirect.scatter.add.f32 [tilespmem:s18], [sflag:$0x3], $0x40, s31, s17, $0xb8;
	[tilespmem:$0x1C000] =	vst v63  }
0x5d: {  	_ =	swait.ge [sflag:s22], $0x4000  }
0x5e: {  	[sflag:s22] =	ssyncset.done $0x0  }
0x5f: {  	[sflag:s22] =	ssyncadd.s32 $0xFFFFC000  }
0x60: {  	_ =	swait.ge [sflag:s28], $0x4000  }
0x61: {  	[sflag:s28] =	ssyncset.done $0x0  }
0x62: {  	[sflag:s28] =	ssyncadd.s32 $0xFFFFC000  }
0x63: {  	[spmem:s2] =	stream.indirect.scatter.add.f32 [tilespmem:s20], [sflag:$0x4], $0x40, s1, s17, $0xb8;
	[tilespmem:$0x1C000] =	vst v63  }
0x64: {  	_ =	swait.ge [sflag:s30], $0x4000  }
0x65: {  	[sflag:s30] =	ssyncset.done $0x0  }
0x66: {  	[sflag:s30] =	ssyncadd.s32 $0xFFFFC000  }
0x67: {  	[bflag:$0x0] =	sbarrier.arrive $0xFFFF  }
0x68: {  	[hbm:s7], [sflag:s13] =	dma.local [spmem:s15], $0x500  }
0x69: {  	[hbm:s8], [sflag:s13] =	dma.local [spmem:s23], $0x500  }
0x6a: {  	[hbm:s9], [sflag:s13] =	dma.local [spmem:s24], $0x500  }
0x6b: {  	[hbm:s10], [sflag:s13] =	dma.local [spmem:s25], $0x500  }
0x6c: {  	_ =	swait.ge [sflag:s19], $0x500  }
0x6d: {  	[sflag:s19] =	ssyncset.done $0x0  }
0x6e: {  	[sflag:s19] =	ssyncadd.s32 $0xFFFFFB00  }
0x6f: {  	_ =	swait.ge [sflag:s19], $0x500  }
0x70: {  	[sflag:s19] =	ssyncset.done $0x0  }
0x71: {  	s26 =	sadd.s32 $0x1, s26;
	[sflag:s19] =	ssyncadd.s32 $0xFFFFFB00  }
0x72: {  	p0 =	sne.s32 s26, s11;
	_ =	swait.ge [sflag:s19], $0x500  }
.Ltmp1:
0x73: {  	[sflag:s19] =	ssyncset.done $0x0;
	(pc) =	sbr.rel @p0 .LBB2_1-.Ltmp1, $4  }
0x74: {  	[sflag:s19] =	ssyncadd.s32 $0xFFFFFB00  }
0x75: {  	_ =	swait.ge [sflag:s19], $0x500  }
0x76: {  	[sflag:s19] =	ssyncset.done $0x0  }
0x77: {  	[sflag:s19] =	ssyncadd.s32 $0xFFFFFB00  }
0x78: {  	_ =	sfence.sel $0x180000  }
0x79: {  	[bflag:$0x0] =	sbarrier.arrive $0xFFFF  }
0x7a: {  	_ =	strace $0x9000004A  }
0x7b: {  	s0 =	stileid.u32;
	[bflag:$0x2] =	sbarrier.arrive $0xFFFF  }
0x7c: {  	p0 =	sne.s32 s0, $0x0;
	s0 =	rddreg [dreg:$0x2]  }
0x7d: {  	s0 =	sadd.s32 @!p0 $0x100000, s0  }
0x7e: {  	[sflag:s0] =	ssyncadd.tile.s32 @!p0 $0x1;
	_ =	shalt  }
.Lfunc_end2:
_tile_overlayer_lowered:
.L_overlay_start_2:
0x7f: {  	(tag) =	ssettag $0x2  }
0x80: {  	s0 =	rddreg [dreg:$0x0];
	s2 =	stileid.u32  }
0x81: {  	s1 =	rddreg [dreg:$0x1];
	p0 =	sne.s32 s2, $0x0  }
0x82: {  	s3 =	rddreg [dreg:$0x2];
	[bflag:$0x3] =	sbarrier.arrive $0xFFFF;
	s2 =	simm.s32 @!p0 $0x1C07  }
0x83: {  	[timem:s3], [sflag:s2] =	dma.local @!p0 [hbm:s0], s1  }
0x84: {  	s0 =	simm.s32 @!p0 $0x7  }
0x85: {  	_ =	swait.ge @!p0 [sflag:s0], s1  }
0x86: {  	s1 =	ssub.s32 @!p0 $0x0, s1;
	[sflag:s0] =	ssyncset.done @!p0 $0x0  }
0x87: {  	[sflag:s0] =	ssyncadd.s32 @!p0 s1  }
0x88: {  	[bflag:$0x3] =	sbarrier.arrive $0xFFFF  }
0x89: {  	_ =	shalt  }

// kernel: kernel.17.cloned.1.call-start
scs
__scs_entry_jumppad:
0x0: {  	(pc) =	sbr.rel $0x88, $3  }
0x1: {  	(tag) =	ssettag $0x0;
	lr =	simm.s32 $0x1  }
0x2: {  	[smem:$0x3F99] =	sst lr;
	_ =	strace $0xD0000000  }
0x3: {  	_ = 	snop  }
0x4: {  	_ = 	snop  }
0x5: {  	_ = 	snop  }
0x6: {  	_ = 	snop  }
0x7: {  	_ = 	snop  }
__scs_overlays_trampoline_lowered:
0x8: {  	[smem:$0x3FA8] =	sst s0  }
0x9: {  	[smem:$0x3FA9] =	sst s1  }
0xa: {  	[smem:$0x3FAA] =	sst s2  }
0xb: {  	[smem:$0x3FAB] =	sst s3  }
0xc: {  	[smem:$0x3FAC] =	sst s4  }
0xd: {  	[smem:$0x3FAD] =	sst s5  }
0xe: {  	[smem:$0x3FAE] =	sst s6  }
0xf: {  	[smem:$0x3FAF] =	sst s7  }
0x10: {  	[smem:$0x3FB0] =	sst s8  }
0x11: {  	[smem:$0x3FB1] =	sst s9;
	s0 =	simm.s32 @!p0 $0x0  }
0x12: {  	s1 =	sld [smem:$0x3F97];
	s0 =	simm.s32 @p0 $0x1  }
0x13: {  	[smem:$0x3FB2] =	sst s0;
	s0 =	simm.s32 @!p1 $0x0  }
0x14: {  	s2 =	sld [smem:$0x3F96];
	s0 =	simm.s32 @p1 $0x1  }
0x15: {  	[smem:$0x3FB3] =	sst s0;
	s0 =	simm.s32 @!p2 $0x0  }
0x16: {  	s3 =	sld [smem:$0x3FDB];
	s0 =	simm.s32 @p2 $0x1  }
0x17: {  	s4 =	simm.s32 $0x1BF5;
	[smem:$0x3FB5] =	sst s0  }
0x18: {  	s0 =	sld [smem:$0x3F98];
	_ =	swait.ge [sflag:s4], $0x0  }
0x19: {  	s7 =	sld [smem:$0x3F99]  }
0x1a: {  	s8 =	sadd.s32 $0xFFFFE003, lr  }
0x1b: {  	s9 =	sadd.s32 $0xFFFFFEF7, lr;
	s5 =	simm.s32 $0xFFFFFFFF;
	p2 =	slt.u32 s8, $0xFFFFF086  }
0x1c: {  	p1 =	slt.u32 s9, $0xF7A;
	s5 =	simm.s32 @!p2 $0x0  }
0x1d: {  	s5 =	simm.s32 @p1 $0x1;
	p0 =	seq.s32 s7, s2  }
0x1e: {  	s7 =	smul.u32 @!p0 $0xF7A, s2;
	p2 =	seq.s32 @!p0 s5, $0x0  }
0x1f: {  	s9 =	smul.u32 $0xF7A, s1;
	s8 =	simm.s32 @!p0 $0x1BF5;
	p2 =	por !p2, p0  }
0x20: {  	[sflag:s8] =	ssyncset.s32 @!p0 $0xFFFFF086;
	s6 =	sadd.s32 @!p0 s3, s7;
	s7 =	simm.s32 @!p0 $0x108  }
0x21: {  	s3 =	sadd.s32 s3, s9;
	s6 =	sadd.s32 @!p0 $0x88, s6;
	s7 =	simm.s32 @p2 $0x1082  }
0x22: {  	[simem:s7], [sflag:s8] =	dma.local @!p0 [hbm:s6], $0xF7A  }
0x23: {  	s9 =	sor.u32 $0xD0000000, s2;
	s6 =	simm.s32 $0x108;
	_ =	swait.ge @!p0 [sflag:s8], $0x0  }
0x24: {  	s3 =	sadd.s32 $0x88, s3;
	s6 =	simm.s32 @!p1 $0x1082;
	[sflag:s4] =	ssyncset.s32 $0xFFFFF086  }
0x25: {  	[simem:s6], [sflag:s4] =	dma.local [hbm:s3], $0xF7A  }
0x26: {  	[smem:$0x3F99] =	sst s1;
	(tag) =	ssettag s2;
	_ =	strace s9  }
0x27: {  	s1 =	sld [smem:$0x3FA9]  }
0x28: {  	s2 =	sld [smem:$0x3FAA]  }
0x29: {  	s4 =	sld [smem:$0x3FAC]  }
0x2a: {  	p0 =	seq.s32 s5, $0x0;
	s5 =	sld [smem:$0x3FAD]  }
0x2b: {  	s6 =	sld [smem:$0x3FAE]  }
0x2c: {  	s7 =	sld [smem:$0x3FAF]  }
0x2d: {  	s3 =	simm.s32 $0x108;
	s8 =	sld [smem:$0x3FB0]  }
0x2e: {  	s3 =	simm.s32 @!p0 $0x1082;
	s9 =	sld [smem:$0x3FB1]  }
0x2f: {  	lr =	sadd.s32 s0, s3;
	s0 =	sld [smem:$0x3FA8]  }
0x30: {  	s3 =	sld [smem:$0x3FAB]  }
0x31: {  	[smem:$0x3FB4] =	sst s10  }
0x32: {  	s10 =	sld [smem:$0x3FB2];
	_ =	sdelay $0x3  }
0x33: {  	p0 =	seq.s32 s10, $0x1;
	s10 =	sld [smem:$0x3FB4];
	_ =	sdelay $0x3  }
0x34: {  	[smem:$0x3FB4] =	sst s10  }
0x35: {  	s10 =	sld [smem:$0x3FB3];
	_ =	sdelay $0x3  }
0x36: {  	p1 =	seq.s32 s10, $0x1;
	s10 =	sld [smem:$0x3FB4];
	_ =	sdelay $0x3  }
0x37: {  	[smem:$0x3FB4] =	sst s10  }
0x38: {  	s10 =	sld [smem:$0x3FB5]  }
0x39: {  	_ = 	snop;
	(pc) =	sbr.ind lr, $3  }
0x3a: {  	_ = 	snop  }
0x3b: {  	_ = 	snop  }
0x3c: {  	p2 =	seq.s32 s10, $0x1;
	s10 =	sld [smem:$0x3FB4]  }
0x3d: {  	_ =	shalt  }
0x3e: {  	_ =	shalt  }
0x3f: {  	_ =	shalt  }
0x40: {  	_ =	shalt  }
0x41: {  	_ =	shalt  }
0x42: {  	_ =	shalt  }
0x43: {  	_ =	shalt  }
0x44: {  	_ =	shalt  }
0x45: {  	_ =	shalt  }
0x46: {  	_ =	shalt  }
0x47: {  	_ =	shalt  }
0x48: {  	_ =	shalt  }
0x49: {  	_ =	shalt  }
0x4a: {  	_ =	shalt  }
0x4b: {  	_ =	shalt  }
0x4c: {  	_ =	shalt  }
0x4d: {  	_ =	shalt  }
0x4e: {  	_ =	shalt  }
0x4f: {  	_ =	shalt  }
0x50: {  	_ =	shalt  }
0x51: {  	_ =	shalt  }
0x52: {  	_ =	shalt  }
0x53: {  	_ =	shalt  }
0x54: {  	_ =	shalt  }
0x55: {  	_ =	shalt  }
0x56: {  	_ =	shalt  }
0x57: {  	_ =	shalt  }
0x58: {  	_ =	shalt  }
0x59: {  	_ =	shalt  }
0x5a: {  	_ =	shalt  }
0x5b: {  	_ =	shalt  }
0x5c: {  	_ =	shalt  }
0x5d: {  	_ =	shalt  }
0x5e: {  	_ =	shalt  }
0x5f: {  	_ =	shalt  }
0x60: {  	_ =	shalt  }
0x61: {  	_ =	shalt  }
0x62: {  	_ =	shalt  }
0x63: {  	_ =	shalt  }
0x64: {  	_ =	shalt  }
0x65: {  	_ =	shalt  }
0x66: {  	_ =	shalt  }
0x67: {  	_ =	shalt  }
0x68: {  	_ =	shalt  }
0x69: {  	_ =	shalt  }
0x6a: {  	_ =	shalt  }
0x6b: {  	_ =	shalt  }
0x6c: {  	_ =	shalt  }
0x6d: {  	_ =	shalt  }
0x6e: {  	_ =	shalt  }
0x6f: {  	_ =	shalt  }
0x70: {  	_ =	shalt  }
0x71: {  	_ =	shalt  }
0x72: {  	_ =	shalt  }
0x73: {  	_ =	shalt  }
0x74: {  	_ =	shalt  }
0x75: {  	_ =	shalt  }
0x76: {  	_ =	shalt  }
0x77: {  	_ =	shalt  }
0x78: {  	_ =	shalt  }
0x79: {  	_ =	shalt  }
0x7a: {  	_ =	shalt  }
0x7b: {  	_ =	shalt  }
0x7c: {  	_ =	shalt  }
0x7d: {  	_ =	shalt  }
0x7e: {  	_ =	shalt  }
0x7f: {  	_ =	shalt  }
0x80: {  	_ =	shalt  }
0x81: {  	_ =	shalt  }
0x82: {  	_ =	shalt  }
0x83: {  	_ =	shalt  }
0x84: {  	_ =	shalt  }
0x85: {  	_ =	shalt  }
0x86: {  	_ =	shalt  }
0x87: {  	_ =	shalt  }
.Lfunc_end0:
.L_simem_size_0:
called_computation.2_lowered:
.L_overlay_start_0:
0x88: {  	s2 =	sld [smem:$0x3FD9]  }
0x89: {  	s3 =	sld [smem:$0x3FFE];
	_ =	sdelay $0x1  }
0x8a: {  	s1 =	srdreg.scid  }
0x8b: {  	s0 =	sand.u32 $0x1, s1  }
0x8c: {  	s16 =	sshll.u32 s0, $0xA;
	s2 =	sadd.s32 s3, s2  }
0x8d: {  	s2 =	sadd.s32 s2, s16  }
0x8e: {  	[smem:$0x3FC0] =	sst s2  }
0x8f: {  	_ = 	snop  }
0x90: {  	(tm) =	ssettm $0x1  }
0x91: {  	s17 =	sld [smem:$0x3FFB];
	_ =	sdelay $0x3  }
0x92: {  	_ =	strace s17  }
0x93: {  	s2 =	sld [smem:$0x3FFC];
	_ =	sdelay $0x3  }
0x94: {  	_ =	strace s2  }
0x95: {  	s2 =	sld [smem:$0x3FFD];
	_ =	sdelay $0x3  }
0x96: {  	_ =	strace s2  }
0x97: {  	_ =	strace $0x8FFFFFFF  }
0x98: {  	s18 =	sld [smem:$0x3FDB];
	_ =	sdelay $0x1  }
0x99: {  	s19 =	simm.s32 $_scs_section_size  }
0x9a: {  	s4 =	simm.s32 $_size__tile_overlayer_lowered;
	s5 =	simm.s32 $_tile_overlayer_lowered  }
0x9b: {  	s22 =	simm.s32 $0x1BFF;
	s21 =	sshll.u32 s5, $0x1;
	s2 =	sadd.s32 s19, s18  }
0x9c: {  	s6 =	simm.s32 $0x0;
	s20 =	sshll.u32 s4, $0x1;
	s4 =	sadd.s32 s21, s2  }
0x9d: {  	[timem:s6], [sflag:s22] =	dma.local [hbm:s4], s20  }
0x9e: {  	_ =	swait.ge [sflag:s22], s20  }
0x9f: {  	s3 =	ssub.s32 $0x0, s20;
	[sflag:s22] =	ssyncset.done $0x0  }
0xa0: {  	[sflag:s22] =	ssyncadd.s32 s3;
	_ =	sdelay $0x1  }
0xa1: {  	s23 =	simm.s32 $0x1B8B  }
0xa2: {  	_ =	swait.ge [sflag:s23], $0x1  }
0xa3: {  	[sflag:s23] =	ssyncset.done $0x0  }
0xa4: {  	s25 =	simm.s32 $0x1B8E;
	s24 =	sld [smem:$0x3FFE];
	[sflag:s23] =	ssyncadd.s32 $0xFFFFFFFF  }
0xa5: {  	s26 =	simm.s32 $execute0_lowered;
	[smem:$0x3FD2] =	sst s25  }
0xa6: {  	s4 =	sshll.u32 s26, $0x1;
	_ =	strace $0x8000004C;
	[dreg:$0x1] =	wrdreg $0xFFFFFFFF  }
0xa7: {  	s28 =	simm.s32 $_size_execute0_lowered;
	s2 =	sadd.s32 s2, s4;
	[dreg:$0x0] =	wrdreg $0x0  }
0xa8: {  	s4 =	sshll.u32 s28, $0x1;
	[dreg:$0x2] =	wrdreg s2  }
0xa9: {  	[dreg:$0x3] =	wrdreg s4  }
0xaa: {  	[dreg:$0x4] =	wrdreg $0xC0  }
0xab: {  	_ =	task [dreg:s6], $0x5FFFF  }
0xac: {  	[dreg:$0x1] =	wrdreg $0xFFFFFFFF  }
0xad: {  	[dreg:$0x0] =	wrdreg $0x60  }
0xae: {  	[dreg:$0x2] =	wrdreg s24  }
0xaf: {  	[dreg:$0x3] =	wrdreg $0x120000  }
0xb0: {  	[dreg:$0x4] =	wrdreg $0x9  }
0xb1: {  	_ =	task.clear_ibuf [dreg:s6], $0x5FFFF;
	_ =	strace $0x9000004C  }
0xb2: {  	s29 =	simm.s32 $0x9;
	_ =	strace $0x8000004E  }
0xb3: {  	_ =	swait.ge [sflag:s29], $0x1  }
0xb4: {  	[sflag:s29] =	ssyncadd.s32 $0xFFFFFFFF  }
0xb5: {  	_ =	strace $0x9000004E  }
0xb6: {  	_ =	sfence  }
0xb7: {  	s30 =	sld [smem:$0x0];
	_ =	sdelay $0x2  }
0xb8: {  	s31 =	sshll.u32 s1, $0xD;
	s1 =	sshrl.u32 s1, $0x2  }
0xb9: {  	s3 =	sand.u32 $0x4000, s31;
	s1 =	sadd.s32 s1, s30  }
0xba: {  	s0 =	sor.u32 s3, s0;
	s1 =	sshll.u32 s1, $0x11  }
0xbb: {  	s0 =	sor.u32 s1, s0  }
0xbc: {  	s0 =	sadd.s32 $0x8F2B, s0  }
0xbd: {  	[sflag:s0] =	ssyncadd.remote.s32 $0x1  }
0xbe: {  	_ =	sfence.sel $0xFFFF  }
0xbf: {  	[dreg:$0x0] =	wrdreg $0xFFFFFFFF;
	(pc) =	sbr.abs _section_cstart, $3  }
0xc0: {  	[dreg:$0x1] =	wrdreg $0xFFFFFFFF  }
0xc1: {  	_ =	task.clear_ibuf [dreg:s6], $0x2FFFF;
	_ =	strace $0x9FFFFFFF  }
0xc2: {  	(tm) =	ssettm $0x7FFFFFFF  }
0xc3: {  	_ =	shalt  }
tec
execute0_lowered:
.L_overlay_start_1:
0x0: {  	(tag) =	ssettag $0x1  }
0x1: {  	s0 =	rddreg [dreg:$0x0]  }
0x2: {  	s2 =	rddreg [dreg:$0x1];
	s1 =	srdreg.scid  }
0x3: {  	s17 =	stileid.u32;
	s3 =	simm.s32 $0x0;
	s18 =	simm.s32 $0xA000  }
0x4: {  	s28 =	simm.s32 $0x10000;
	s29 =	simm.s32 $0x1;
	s31 =	simm.s32 $0x3  }
0x5: {  	s1 =	sand.u32 $0x1, s1;
	s4 =	sshll.u32 s17, $0x1;
	[smem:$0x7FF] =	sst s3  }
0x6: {  	s12 =	sadd.s32 $0x34A00, s0;
	s8 =	smul.u32 $0x5000, s17;
	s30 =	sshll.u32 s17, $0x6  }
0x7: {  	s17 =	simm.s32 $0x100;
	s5 =	sor.u32 s1, s4;
	_ =	strace $0x8000004D  }
0x8: {  	s4 =	sadd.s32 $0x2AA00, s0;
	s6 =	ssub.s32 $0x2, s1;
	s9 =	smul.u32 $0x50000, s1  }
0x9: {  	p0 =	seq.s32 s1, $0x0;
	s5 =	smul.u32 $0xA00, s5;
	s19 =	sshrl.u32 s6, $0x1  }
0xa: {  	s15 =	sadd.s32 s8, s2;
	s10 =	sadd.s32 $0x1400, s8;
	s13 =	sshrl.u32 s8, $0x3  }
0xb: {  	s14 =	sadd.s32 $0x2800, s8;
	s16 =	sadd.s32 $0x3C00, s8;
	s12 =	smov.u32 @p0 s4  }
0xc: {  	s11 =	ssub.s32 s6, s19;
	s21 =	sadd.s32 s8, s9;
	s22 =	sadd.s32 s9, s10  }
0xd: {  	s23 =	sadd.s32 s9, s14;
	s9 =	sadd.s32 s9, s16;
	s25 =	sadd.s32 s14, s2  }
0xe: {  	s26 =	sadd.s32 s16, s2;
	s12 =	sadd.s32 s12, s13;
	s13 =	sor.u32 $0x1C06, s30  }
0xf: {  	s14 =	simm.s32 $0x5000;
	s15 =	sshrl.u32 s15, $0x3;
	s16 =	simm.s32 $0x5  }
0x10: {  	s19 =	simm.s32 $0xC000;
	s7 =	sadd.s32 s5, s0;
	s0 =	sadd.s32 $0x3EA00, s0  }
0x11: {  	s1 =	sshrl.u32 s21, $0x3;
	s21 =	sadd.s32 s10, s2;
	s24 =	sshrl.u32 s9, $0x3  }
0x12: {  	s11 =	smax.u32 s11, $0x1;
	s20 =	sadd.s32 $0x2A00, s7;
	s6 =	sadd.s32 $0x16A00, s7  }
0x13: {  	s7 =	sadd.s32 s0, s1;
	s1 =	sshrl.u32 s22, $0x3;
	s10 =	sadd.s32 s0, s24  }
0x14: {  	s22 =	simm.s32 $0xE000;
	s24 =	sshrl.u32 s25, $0x3;
	s25 =	sshrl.u32 s26, $0x3  }
0x15: {  	[dreg:$0x3] =	wrdreg s20;
	s8 =	sadd.s32 s0, s1;
	s1 =	sshrl.u32 s23, $0x3  }
0x16: {  	s20 =	simm.s32 $0x6;
	s23 =	sshrl.u32 s21, $0x3;
	s21 =	simm.s32 $0x2  }
0x17: {  	s9 =	sadd.s32 s0, s1;
	s0 =	simm.s32 $0x4;
	s1 =	simm.s32 $0x0  }
.LBB2_1:
0x18: {  	s5 =	rddreg [dreg:$0x3]  }
0x19: {  	[tilespmem:s3], [sflag:$0x5] =	stream.linear.gather [hbm4b:s5+s3], $0x5000, $0x38;
	[tilespmem:$0x17000] =	vst v63  }
0x1a: {  	_ = 	snop  }
0x1b: {  	[tilespmem:s14], [sflag:$0x5] =	stream.linear.gather [hbm4b:s6+s3], $0x5000, $0x38;
	[tilespmem:$0x17000] =	vst v63  }
0x1c: {  	[spmem:s15], [sflag:s13] =	dma.local [hbm:s12], $0xA00  }
0x1d: {  	_ =	swait.ge [sflag:s16], $0x5000  }
0x1e: {  	[sflag:s16] =	ssyncset.done $0x0  }
0x1f: {  	[sflag:s16] =	ssyncadd.s32 $0xFFFFB000  }
0x20: {  	_ =	swait.ge [sflag:s16], $0x5000  }
0x21: {  	[sflag:s16] =	ssyncset.done $0x0  }
0x22: {  	[sflag:s16] =	ssyncadd.s32 $0xFFFFB000  }
0x23: {  	[tilespmem:s18], [sflag:$0x1] =	stream.indirect.gather [hbm4b:s4+s17], $0x20, s3, s17, $0xb8;
	[tilespmem:$0x17000] =	vst v63  }
0x24: {  	_ = 	snop  }
0x25: {  	[tilespmem:s19], [sflag:$0x1] =	stream.indirect.gather [hbm4b:s4+s17], $0x20, s17, s17, $0xb8;
	[tilespmem:$0x17000] =	vst v63  }
0x26: {  	_ =	swait.ge [sflag:s20], $0xA00  }
0x27: {  	[sflag:s20] =	ssyncset.done $0x0  }
0x28: {  	[sflag:s20] =	ssyncadd.s32 $0xFFFFF600  }
0x29: {  	s26 =	simm.s32 $0x200;
	[bflag:$0x0] =	sbarrier.arrive $0xFFFF  }
0x2a: {  	[tilespmem:s22], [sflag:$0x2] =	stream.indirect.gather [hbm4b:s4+s17], $0x20, s26, s17, $0xb8;
	[tilespmem:$0x17000] =	vst v63  }
0x2b: {  	s26 =	simm.s32 $0x300  }
0x2c: {  	[tilespmem:s28], [sflag:$0x2] =	stream.indirect.gather [hbm4b:s4+s17], $0x20, s26, s17, $0xb8;
	[tilespmem:$0x17000] =	vst v63  }
0x2d: {  	_ =	swait.ge [sflag:s29], $0x2000  }
0x2e: {  	[sflag:s29] =	ssyncset.done $0x0  }
0x2f: {  	[sflag:s29] =	ssyncadd.s32 $0xFFFFE000  }
0x30: {  	_ =	swait.ge [sflag:s29], $0x2000  }
0x31: {  	[sflag:s29] =	ssyncset.done $0x0  }
0x32: {  	[sflag:s29] =	ssyncadd.s32 $0xFFFFE000  }
0x33: {  	[spmem:s2] =	stream.indirect.scatter.add.f32 [tilespmem:s18], [sflag:$0x3], $0x20, s14, s17, $0xb8;
	[tilespmem:$0x17000] =	vst v63  }
0x34: {  	s26 =	simm.s32 $0x5100  }
0x35: {  	[spmem:s2] =	stream.indirect.scatter.add.f32 [tilespmem:s19], [sflag:$0x3], $0x20, s26, s17, $0xb8;
	[tilespmem:$0x17000] =	vst v63  }
0x36: {  	_ =	swait.ge [sflag:s31], $0x2000  }
0x37: {  	[sflag:s31] =	ssyncset.done $0x0  }
0x38: {  	[sflag:s31] =	ssyncadd.s32 $0xFFFFE000  }
0x39: {  	_ =	swait.ge [sflag:s31], $0x2000  }
0x3a: {  	[sflag:s31] =	ssyncset.done $0x0  }
0x3b: {  	s26 =	simm.s32 $0x400;
	[sflag:s31] =	ssyncadd.s32 $0xFFFFE000  }
0x3c: {  	[tilespmem:s18], [sflag:$0x1] =	stream.indirect.gather [hbm4b:s4+s17], $0x20, s26, s17, $0xb8;
	[tilespmem:$0x17000] =	vst v63  }
0x3d: {  	s26 =	simm.s32 $0x500  }
0x3e: {  	[tilespmem:s19], [sflag:$0x1] =	stream.indirect.gather [hbm4b:s4+s17], $0x20, s26, s17, $0xb8;
	[tilespmem:$0x17000] =	vst v63  }
0x3f: {  	_ =	swait.ge [sflag:s21], $0x2000  }
0x40: {  	[sflag:s21] =	ssyncset.done $0x0  }
0x41: {  	[sflag:s21] =	ssyncadd.s32 $0xFFFFE000  }
0x42: {  	_ =	swait.ge [sflag:s21], $0x2000  }
0x43: {  	[sflag:s21] =	ssyncset.done $0x0  }
0x44: {  	s26 =	simm.s32 $0x5200;
	[sflag:s21] =	ssyncadd.s32 $0xFFFFE000  }
0x45: {  	[spmem:s2] =	stream.indirect.scatter.add.f32 [tilespmem:s22], [sflag:$0x4], $0x20, s26, s17, $0xb8;
	[tilespmem:$0x17000] =	vst v63  }
0x46: {  	s26 =	simm.s32 $0x5300  }
0x47: {  	[spmem:s2] =	stream.indirect.scatter.add.f32 [tilespmem:s28], [sflag:$0x4], $0x20, s26, s17, $0xb8;
	[tilespmem:$0x17000] =	vst v63  }
0x48: {  	_ =	swait.ge [sflag:s0], $0x2000  }
0x49: {  	[sflag:s0] =	ssyncset.done $0x0  }
0x4a: {  	[sflag:s0] =	ssyncadd.s32 $0xFFFFE000  }
0x4b: {  	_ =	swait.ge [sflag:s0], $0x2000  }
0x4c: {  	[sflag:s0] =	ssyncset.done $0x0  }
0x4d: {  	s26 =	simm.s32 $0x600;
	[sflag:s0] =	ssyncadd.s32 $0xFFFFE000  }
0x4e: {  	[tilespmem:s22], [sflag:$0x2] =	stream.indirect.gather [hbm4b:s4+s17], $0x20, s26, s17, $0xb8;
	[tilespmem:$0x17000] =	vst v63  }
0x4f: {  	s5 =	simm.s32 $0x700  }
0x50: {  	[tilespmem:s28], [sflag:$0x2] =	stream.indirect.gather [hbm4b:s4+s17], $0x20, s5, s17, $0xb8;
	[tilespmem:$0x17000] =	vst v63  }
0x51: {  	_ =	swait.ge [sflag:s29], $0x2000  }
0x52: {  	[sflag:s29] =	ssyncset.done $0x0  }
0x53: {  	[sflag:s29] =	ssyncadd.s32 $0xFFFFE000  }
0x54: {  	_ =	swait.ge [sflag:s29], $0x2000  }
0x55: {  	[sflag:s29] =	ssyncset.done $0x0  }
0x56: {  	s5 =	simm.s32 $0x5400;
	[sflag:s29] =	ssyncadd.s32 $0xFFFFE000  }
0x57: {  	[spmem:s2] =	stream.indirect.scatter.add.f32 [tilespmem:s18], [sflag:$0x3], $0x20, s5, s17, $0xb8;
	[tilespmem:$0x17000] =	vst v63  }
0x58: {  	s5 =	simm.s32 $0x5500  }
0x59: {  	[spmem:s2] =	stream.indirect.scatter.add.f32 [tilespmem:s19], [sflag:$0x3], $0x20, s5, s17, $0xb8;
	[tilespmem:$0x17000] =	vst v63  }
0x5a: {  	_ =	swait.ge [sflag:s31], $0x2000  }
0x5b: {  	[sflag:s31] =	ssyncset.done $0x0  }
0x5c: {  	[sflag:s31] =	ssyncadd.s32 $0xFFFFE000  }
0x5d: {  	_ =	swait.ge [sflag:s31], $0x2000  }
0x5e: {  	[sflag:s31] =	ssyncset.done $0x0  }
0x5f: {  	s5 =	simm.s32 $0x800;
	[sflag:s31] =	ssyncadd.s32 $0xFFFFE000  }
0x60: {  	[tilespmem:s18], [sflag:$0x1] =	stream.indirect.gather [hbm4b:s4+s17], $0x20, s5, s17, $0xb8;
	[tilespmem:$0x17000] =	vst v63  }
0x61: {  	s5 =	simm.s32 $0x900  }
0x62: {  	[tilespmem:s19], [sflag:$0x1] =	stream.indirect.gather [hbm4b:s4+s17], $0x20, s5, s17, $0xb8;
	[tilespmem:$0x17000] =	vst v63  }
0x63: {  	_ =	swait.ge [sflag:s21], $0x2000  }
0x64: {  	[sflag:s21] =	ssyncset.done $0x0  }
0x65: {  	[sflag:s21] =	ssyncadd.s32 $0xFFFFE000  }
0x66: {  	_ =	swait.ge [sflag:s21], $0x2000  }
0x67: {  	s30 =	simm.s32 $0x5700;
	[sflag:s21] =	ssyncset.done $0x0  }
0x68: {  	s26 =	simm.s32 $0x1000;
	s5 =	simm.s32 $0x5600;
	[sflag:s21] =	ssyncadd.s32 $0xFFFFE000  }
0x69: {  	[spmem:s2] =	stream.indirect.scatter.add.f32 [tilespmem:s22], [sflag:$0x4], $0x20, s5, s17, $0xb8;
	[tilespmem:$0x17000] =	vst v63  }
.LBB2_2:
0x6a: {  	[spmem:s2] =	stream.indirect.scatter.add.f32 [tilespmem:s28], [sflag:$0x4], $0x20, s30, s17, $0xb8;
	[tilespmem:$0x17000] =	vst v63  }
0x6b: {  	s30 =	smov.u32 s26  }
0x6c: {  	p0 =	sne.s32 s26, $0x11000;
	s26 =	sadd.s32 $0x1000, s26;
	_ =	swait.ge [sflag:s0], $0x2000  }
0x6d: {  	[sflag:s0] =	ssyncset.done $0x0  }
0x6e: {  	[sflag:s0] =	ssyncadd.s32 $0xFFFFE000  }
0x6f: {  	_ =	swait.ge [sflag:s0], $0x2000  }
0x70: {  	s30 =	sshra.s32 s30, $0x2;
	[sflag:s0] =	ssyncset.done $0x0  }
0x71: {  	s5 =	sadd.s32 $0x600, s30;
	[sflag:s0] =	ssyncadd.s32 $0xFFFFE000  }
0x72: {  	[tilespmem:s22], [sflag:$0x2] =	stream.indirect.gather [hbm4b:s4+s17], $0x20, s5, s17, $0xb8;
	[tilespmem:$0x17000] =	vst v63  }
0x73: {  	s5 =	sadd.s32 $0x700, s30  }
0x74: {  	[tilespmem:s28], [sflag:$0x2] =	stream.indirect.gather [hbm4b:s4+s17], $0x20, s5, s17, $0xb8;
	[tilespmem:$0x17000] =	vst v63  }
0x75: {  	_ =	swait.ge [sflag:s29], $0x2000  }
0x76: {  	[sflag:s29] =	ssyncset.done $0x0  }
0x77: {  	[sflag:s29] =	ssyncadd.s32 $0xFFFFE000  }
0x78: {  	_ =	swait.ge [sflag:s29], $0x2000  }
0x79: {  	[sflag:s29] =	ssyncset.done $0x0  }
0x7a: {  	s5 =	sadd.s32 $0x5400, s30;
	[sflag:s29] =	ssyncadd.s32 $0xFFFFE000  }
0x7b: {  	[spmem:s2] =	stream.indirect.scatter.add.f32 [tilespmem:s18], [sflag:$0x3], $0x20, s5, s17, $0xb8;
	[tilespmem:$0x17000] =	vst v63  }
0x7c: {  	s5 =	sadd.s32 $0x5500, s30  }
0x7d: {  	[spmem:s2] =	stream.indirect.scatter.add.f32 [tilespmem:s19], [sflag:$0x3], $0x20, s5, s17, $0xb8;
	[tilespmem:$0x17000] =	vst v63  }
0x7e: {  	_ =	swait.ge [sflag:s31], $0x2000  }
0x7f: {  	[sflag:s31] =	ssyncset.done $0x0  }
0x80: {  	[sflag:s31] =	ssyncadd.s32 $0xFFFFE000  }
0x81: {  	_ =	swait.ge [sflag:s31], $0x2000  }
0x82: {  	[sflag:s31] =	ssyncset.done $0x0  }
0x83: {  	s5 =	sadd.s32 $0x800, s30;
	[sflag:s31] =	ssyncadd.s32 $0xFFFFE000  }
0x84: {  	[tilespmem:s18], [sflag:$0x1] =	stream.indirect.gather [hbm4b:s4+s17], $0x20, s5, s17, $0xb8;
	[tilespmem:$0x17000] =	vst v63  }
0x85: {  	s5 =	sadd.s32 $0x900, s30  }
0x86: {  	[tilespmem:s19], [sflag:$0x1] =	stream.indirect.gather [hbm4b:s4+s17], $0x20, s5, s17, $0xb8;
	[tilespmem:$0x17000] =	vst v63  }
0x87: {  	_ =	swait.ge [sflag:s21], $0x2000  }
0x88: {  	[sflag:s21] =	ssyncset.done $0x0  }
0x89: {  	[sflag:s21] =	ssyncadd.s32 $0xFFFFE000  }
.Ltmp0:
0x8a: {  	_ =	swait.ge [sflag:s21], $0x2000;
	(pc) =	sbr.rel @p0 .LBB2_2-.Ltmp0, $4  }
0x8b: {  	[sflag:s21] =	ssyncset.done $0x0  }
0x8c: {  	s5 =	sadd.s32 $0x5600, s30;
	[sflag:s21] =	ssyncadd.s32 $0xFFFFE000  }
0x8d: {  	[spmem:s2] =	stream.indirect.scatter.add.f32 [tilespmem:s22], [sflag:$0x4], $0x20, s5, s17, $0xb8;
	[tilespmem:$0x17000] =	vst v63  }
0x8e: {  	s30 =	sadd.s32 $0x5700, s30  }
0x8f: {  	[spmem:s2] =	stream.indirect.scatter.add.f32 [tilespmem:s28], [sflag:$0x4], $0x20, s30, s17, $0xb8;
	[tilespmem:$0x17000] =	vst v63  }
0x90: {  	_ =	swait.ge [sflag:s0], $0x2000  }
0x91: {  	[sflag:s0] =	ssyncset.done $0x0  }
0x92: {  	[sflag:s0] =	ssyncadd.s32 $0xFFFFE000  }
0x93: {  	_ =	swait.ge [sflag:s0], $0x2000  }
0x94: {  	[sflag:s0] =	ssyncset.done $0x0  }
0x95: {  	s5 =	simm.s32 $0x4E00;
	[sflag:s0] =	ssyncadd.s32 $0xFFFFE000  }
0x96: {  	[tilespmem:s22], [sflag:$0x2] =	stream.indirect.gather [hbm4b:s4+s17], $0x20, s5, s17, $0xb8;
	[tilespmem:$0x17000] =	vst v63  }
0x97: {  	s30 =	simm.s32 $0x4F00  }
0x98: {  	[tilespmem:s28], [sflag:$0x2] =	stream.indirect.gather [hbm4b:s4+s17], $0x20, s30, s17, $0xb8;
	[tilespmem:$0x17000] =	vst v63  }
0x99: {  	_ =	swait.ge [sflag:s29], $0x2000  }
0x9a: {  	[sflag:s29] =	ssyncset.done $0x0  }
0x9b: {  	[sflag:s29] =	ssyncadd.s32 $0xFFFFE000  }
0x9c: {  	_ =	swait.ge [sflag:s29], $0x2000  }
0x9d: {  	[sflag:s29] =	ssyncset.done $0x0  }
0x9e: {  	s26 =	simm.s32 $0x9C00;
	[sflag:s29] =	ssyncadd.s32 $0xFFFFE000  }
0x9f: {  	[spmem:s2] =	stream.indirect.scatter.add.f32 [tilespmem:s18], [sflag:$0x3], $0x20, s26, s17, $0xb8;
	[tilespmem:$0x17000] =	vst v63  }
0xa0: {  	s30 =	simm.s32 $0x9D00  }
0xa1: {  	[spmem:s2] =	stream.indirect.scatter.add.f32 [tilespmem:s19], [sflag:$0x3], $0x20, s30, s17, $0xb8;
	[tilespmem:$0x17000] =	vst v63  }
0xa2: {  	_ =	swait.ge [sflag:s31], $0x2000  }
0xa3: {  	[sflag:s31] =	ssyncset.done $0x0  }
0xa4: {  	[sflag:s31] =	ssyncadd.s32 $0xFFFFE000  }
0xa5: {  	_ =	swait.ge [sflag:s31], $0x2000  }
0xa6: {  	[sflag:s31] =	ssyncset.done $0x0  }
0xa7: {  	[sflag:s31] =	ssyncadd.s32 $0xFFFFE000  }
0xa8: {  	_ =	swait.ge [sflag:s21], $0x2000  }
0xa9: {  	[sflag:s21] =	ssyncset.done $0x0  }
0xaa: {  	[sflag:s21] =	ssyncadd.s32 $0xFFFFE000  }
0xab: {  	_ =	swait.ge [sflag:s21], $0x2000  }
0xac: {  	[sflag:s21] =	ssyncset.done $0x0  }
0xad: {  	s26 =	simm.s32 $0x9E00;
	[sflag:s21] =	ssyncadd.s32 $0xFFFFE000  }
0xae: {  	[spmem:s2] =	stream.indirect.scatter.add.f32 [tilespmem:s22], [sflag:$0x4], $0x20, s26, s17, $0xb8;
	[tilespmem:$0x17000] =	vst v63  }
0xaf: {  	s30 =	simm.s32 $0x9F00  }
0xb0: {  	[spmem:s2] =	stream.indirect.scatter.add.f32 [tilespmem:s28], [sflag:$0x4], $0x20, s30, s17, $0xb8;
	[tilespmem:$0x17000] =	vst v63  }
0xb1: {  	_ =	swait.ge [sflag:s0], $0x2000  }
0xb2: {  	[sflag:s0] =	ssyncset.done $0x0  }
0xb3: {  	[sflag:s0] =	ssyncadd.s32 $0xFFFFE000  }
0xb4: {  	_ =	swait.ge [sflag:s0], $0x2000  }
0xb5: {  	[sflag:s0] =	ssyncset.done $0x0  }
0xb6: {  	[sflag:s0] =	ssyncadd.s32 $0xFFFFE000  }
0xb7: {  	[bflag:$0x0] =	sbarrier.arrive $0xFFFF  }
0xb8: {  	[hbm:s7], [sflag:s13] =	dma.local [spmem:s15], $0x280  }
0xb9: {  	[hbm:s8], [sflag:s13] =	dma.local [spmem:s23], $0x280  }
0xba: {  	[hbm:s9], [sflag:s13] =	dma.local [spmem:s24], $0x280  }
0xbb: {  	[hbm:s10], [sflag:s13] =	dma.local [spmem:s25], $0x280  }
0xbc: {  	_ =	swait.ge [sflag:s20], $0x280  }
0xbd: {  	[sflag:s20] =	ssyncset.done $0x0  }
0xbe: {  	[sflag:s20] =	ssyncadd.s32 $0xFFFFFD80  }
0xbf: {  	_ =	swait.ge [sflag:s20], $0x280  }
0xc0: {  	[sflag:s20] =	ssyncset.done $0x0  }
0xc1: {  	s1 =	sadd.s32 $0x1, s1;
	[sflag:s20] =	ssyncadd.s32 $0xFFFFFD80  }
0xc2: {  	p0 =	sne.s32 s1, s11;
	_ =	swait.ge [sflag:s20], $0x280  }
.Ltmp1:
0xc3: {  	[sflag:s20] =	ssyncset.done $0x0;
	(pc) =	sbr.rel @p0 .LBB2_1-.Ltmp1, $4  }
0xc4: {  	[sflag:s20] =	ssyncadd.s32 $0xFFFFFD80  }
0xc5: {  	_ =	swait.ge [sflag:s20], $0x280  }
0xc6: {  	[sflag:s20] =	ssyncset.done $0x0  }
0xc7: {  	[sflag:s20] =	ssyncadd.s32 $0xFFFFFD80  }
0xc8: {  	_ =	sfence.sel $0x180000  }
0xc9: {  	[bflag:$0x0] =	sbarrier.arrive $0xFFFF  }
0xca: {  	_ =	strace $0x9000004D  }
0xcb: {  	s0 =	stileid.u32;
	[bflag:$0x2] =	sbarrier.arrive $0xFFFF  }
0xcc: {  	p0 =	sne.s32 s0, $0x0;
	s0 =	rddreg [dreg:$0x2]  }
0xcd: {  	s0 =	sadd.s32 @!p0 $0x100000, s0  }
0xce: {  	[sflag:s0] =	ssyncadd.tile.s32 @!p0 $0x1;
	_ =	shalt  }
.Lfunc_end2:
_tile_overlayer_lowered:
.L_overlay_start_2:
0xcf: {  	(tag) =	ssettag $0x2  }
0xd0: {  	s0 =	rddreg [dreg:$0x0];
	s2 =	stileid.u32  }
0xd1: {  	s1 =	rddreg [dreg:$0x1];
	p0 =	sne.s32 s2, $0x0  }
0xd2: {  	s3 =	rddreg [dreg:$0x2];
	[bflag:$0x3] =	sbarrier.arrive $0xFFFF;
	s2 =	simm.s32 @!p0 $0x1C07  }
0xd3: {  	[timem:s3], [sflag:s2] =	dma.local @!p0 [hbm:s0], s1  }
0xd4: {  	s0 =	simm.s32 @!p0 $0x7  }
0xd5: {  	_ =	swait.ge @!p0 [sflag:s0], s1  }
0xd6: {  	s1 =	ssub.s32 @!p0 $0x0, s1;
	[sflag:s0] =	ssyncset.done @!p0 $0x0  }
0xd7: {  	[sflag:s0] =	ssyncadd.s32 @!p0 s1  }
0xd8: {  	[bflag:$0x3] =	sbarrier.arrive $0xFFFF  }
0xd9: {  	_ =	shalt  }

// kernel: kernel.20.cloned.1.call-start
scs
__scs_entry_jumppad:
0x0: {  	(pc) =	sbr.rel $0x88, $3  }
0x1: {  	(tag) =	ssettag $0x0;
	lr =	simm.s32 $0x1  }
0x2: {  	[smem:$0x3F99] =	sst lr;
	_ =	strace $0xD0000000  }
0x3: {  	_ = 	snop  }
0x4: {  	_ = 	snop  }
0x5: {  	_ = 	snop  }
0x6: {  	_ = 	snop  }
0x7: {  	_ = 	snop  }
__scs_overlays_trampoline_lowered:
0x8: {  	[smem:$0x3FA8] =	sst s0  }
0x9: {  	[smem:$0x3FA9] =	sst s1  }
0xa: {  	[smem:$0x3FAA] =	sst s2  }
0xb: {  	[smem:$0x3FAB] =	sst s3  }
0xc: {  	[smem:$0x3FAC] =	sst s4  }
0xd: {  	[smem:$0x3FAD] =	sst s5  }
0xe: {  	[smem:$0x3FAE] =	sst s6  }
0xf: {  	[smem:$0x3FAF] =	sst s7  }
0x10: {  	[smem:$0x3FB0] =	sst s8  }
0x11: {  	[smem:$0x3FB1] =	sst s9;
	s0 =	simm.s32 @!p0 $0x0  }
0x12: {  	s1 =	sld [smem:$0x3F97];
	s0 =	simm.s32 @p0 $0x1  }
0x13: {  	[smem:$0x3FB2] =	sst s0;
	s0 =	simm.s32 @!p1 $0x0  }
0x14: {  	s2 =	sld [smem:$0x3F96];
	s0 =	simm.s32 @p1 $0x1  }
0x15: {  	[smem:$0x3FB3] =	sst s0;
	s0 =	simm.s32 @!p2 $0x0  }
0x16: {  	s3 =	sld [smem:$0x3FDB];
	s0 =	simm.s32 @p2 $0x1  }
0x17: {  	s4 =	simm.s32 $0x1BF5;
	[smem:$0x3FB5] =	sst s0  }
0x18: {  	s0 =	sld [smem:$0x3F98];
	_ =	swait.ge [sflag:s4], $0x0  }
0x19: {  	s7 =	sld [smem:$0x3F99]  }
0x1a: {  	s8 =	sadd.s32 $0xFFFFE003, lr  }
0x1b: {  	s9 =	sadd.s32 $0xFFFFFEF7, lr;
	s5 =	simm.s32 $0xFFFFFFFF;
	p2 =	slt.u32 s8, $0xFFFFF086  }
0x1c: {  	p1 =	slt.u32 s9, $0xF7A;
	s5 =	simm.s32 @!p2 $0x0  }
0x1d: {  	s5 =	simm.s32 @p1 $0x1;
	p0 =	seq.s32 s7, s2  }
0x1e: {  	s7 =	smul.u32 @!p0 $0xF7A, s2;
	p2 =	seq.s32 @!p0 s5, $0x0  }
0x1f: {  	s9 =	smul.u32 $0xF7A, s1;
	s8 =	simm.s32 @!p0 $0x1BF5;
	p2 =	por !p2, p0  }
0x20: {  	[sflag:s8] =	ssyncset.s32 @!p0 $0xFFFFF086;
	s6 =	sadd.s32 @!p0 s3, s7;
	s7 =	simm.s32 @!p0 $0x108  }
0x21: {  	s3 =	sadd.s32 s3, s9;
	s6 =	sadd.s32 @!p0 $0x88, s6;
	s7 =	simm.s32 @p2 $0x1082  }
0x22: {  	[simem:s7], [sflag:s8] =	dma.local @!p0 [hbm:s6], $0xF7A  }
0x23: {  	s9 =	sor.u32 $0xD0000000, s2;
	s6 =	simm.s32 $0x108;
	_ =	swait.ge @!p0 [sflag:s8], $0x0  }
0x24: {  	s3 =	sadd.s32 $0x88, s3;
	s6 =	simm.s32 @!p1 $0x1082;
	[sflag:s4] =	ssyncset.s32 $0xFFFFF086  }
0x25: {  	[simem:s6], [sflag:s4] =	dma.local [hbm:s3], $0xF7A  }
0x26: {  	[smem:$0x3F99] =	sst s1;
	(tag) =	ssettag s2;
	_ =	strace s9  }
0x27: {  	s1 =	sld [smem:$0x3FA9]  }
0x28: {  	s2 =	sld [smem:$0x3FAA]  }
0x29: {  	s4 =	sld [smem:$0x3FAC]  }
0x2a: {  	p0 =	seq.s32 s5, $0x0;
	s5 =	sld [smem:$0x3FAD]  }
0x2b: {  	s6 =	sld [smem:$0x3FAE]  }
0x2c: {  	s7 =	sld [smem:$0x3FAF]  }
0x2d: {  	s3 =	simm.s32 $0x108;
	s8 =	sld [smem:$0x3FB0]  }
0x2e: {  	s3 =	simm.s32 @!p0 $0x1082;
	s9 =	sld [smem:$0x3FB1]  }
0x2f: {  	lr =	sadd.s32 s0, s3;
	s0 =	sld [smem:$0x3FA8]  }
0x30: {  	s3 =	sld [smem:$0x3FAB]  }
0x31: {  	[smem:$0x3FB4] =	sst s10  }
0x32: {  	s10 =	sld [smem:$0x3FB2];
	_ =	sdelay $0x3  }
0x33: {  	p0 =	seq.s32 s10, $0x1;
	s10 =	sld [smem:$0x3FB4];
	_ =	sdelay $0x3  }
0x34: {  	[smem:$0x3FB4] =	sst s10  }
0x35: {  	s10 =	sld [smem:$0x3FB3];
	_ =	sdelay $0x3  }
0x36: {  	p1 =	seq.s32 s10, $0x1;
	s10 =	sld [smem:$0x3FB4];
	_ =	sdelay $0x3  }
0x37: {  	[smem:$0x3FB4] =	sst s10  }
0x38: {  	s10 =	sld [smem:$0x3FB5]  }
0x39: {  	_ = 	snop;
	(pc) =	sbr.ind lr, $3  }
0x3a: {  	_ = 	snop  }
0x3b: {  	_ = 	snop  }
0x3c: {  	p2 =	seq.s32 s10, $0x1;
	s10 =	sld [smem:$0x3FB4]  }
0x3d: {  	_ =	shalt  }
0x3e: {  	_ =	shalt  }
0x3f: {  	_ =	shalt  }
0x40: {  	_ =	shalt  }
0x41: {  	_ =	shalt  }
0x42: {  	_ =	shalt  }
0x43: {  	_ =	shalt  }
0x44: {  	_ =	shalt  }
0x45: {  	_ =	shalt  }
0x46: {  	_ =	shalt  }
0x47: {  	_ =	shalt  }
0x48: {  	_ =	shalt  }
0x49: {  	_ =	shalt  }
0x4a: {  	_ =	shalt  }
0x4b: {  	_ =	shalt  }
0x4c: {  	_ =	shalt  }
0x4d: {  	_ =	shalt  }
0x4e: {  	_ =	shalt  }
0x4f: {  	_ =	shalt  }
0x50: {  	_ =	shalt  }
0x51: {  	_ =	shalt  }
0x52: {  	_ =	shalt  }
0x53: {  	_ =	shalt  }
0x54: {  	_ =	shalt  }
0x55: {  	_ =	shalt  }
0x56: {  	_ =	shalt  }
0x57: {  	_ =	shalt  }
0x58: {  	_ =	shalt  }
0x59: {  	_ =	shalt  }
0x5a: {  	_ =	shalt  }
0x5b: {  	_ =	shalt  }
0x5c: {  	_ =	shalt  }
0x5d: {  	_ =	shalt  }
0x5e: {  	_ =	shalt  }
0x5f: {  	_ =	shalt  }
0x60: {  	_ =	shalt  }
0x61: {  	_ =	shalt  }
0x62: {  	_ =	shalt  }
0x63: {  	_ =	shalt  }
0x64: {  	_ =	shalt  }
0x65: {  	_ =	shalt  }
0x66: {  	_ =	shalt  }
0x67: {  	_ =	shalt  }
0x68: {  	_ =	shalt  }
0x69: {  	_ =	shalt  }
0x6a: {  	_ =	shalt  }
0x6b: {  	_ =	shalt  }
0x6c: {  	_ =	shalt  }
0x6d: {  	_ =	shalt  }
0x6e: {  	_ =	shalt  }
0x6f: {  	_ =	shalt  }
0x70: {  	_ =	shalt  }
0x71: {  	_ =	shalt  }
0x72: {  	_ =	shalt  }
0x73: {  	_ =	shalt  }
0x74: {  	_ =	shalt  }
0x75: {  	_ =	shalt  }
0x76: {  	_ =	shalt  }
0x77: {  	_ =	shalt  }
0x78: {  	_ =	shalt  }
0x79: {  	_ =	shalt  }
0x7a: {  	_ =	shalt  }
0x7b: {  	_ =	shalt  }
0x7c: {  	_ =	shalt  }
0x7d: {  	_ =	shalt  }
0x7e: {  	_ =	shalt  }
0x7f: {  	_ =	shalt  }
0x80: {  	_ =	shalt  }
0x81: {  	_ =	shalt  }
0x82: {  	_ =	shalt  }
0x83: {  	_ =	shalt  }
0x84: {  	_ =	shalt  }
0x85: {  	_ =	shalt  }
0x86: {  	_ =	shalt  }
0x87: {  	_ =	shalt  }
.Lfunc_end0:
.L_simem_size_0:
called_computation.3_lowered:
.L_overlay_start_0:
0x88: {  	s2 =	sld [smem:$0x3FD9]  }
0x89: {  	s3 =	sld [smem:$0x3FFE];
	_ =	sdelay $0x1  }
0x8a: {  	s1 =	srdreg.scid  }
0x8b: {  	s0 =	sand.u32 $0x1, s1  }
0x8c: {  	s16 =	sshll.u32 s0, $0xA;
	s2 =	sadd.s32 s3, s2  }
0x8d: {  	s2 =	sadd.s32 s2, s16  }
0x8e: {  	[smem:$0x3FC0] =	sst s2  }
0x8f: {  	_ = 	snop  }
0x90: {  	(tm) =	ssettm $0x1  }
0x91: {  	s17 =	sld [smem:$0x3FFB];
	_ =	sdelay $0x3  }
0x92: {  	_ =	strace s17  }
0x93: {  	s2 =	sld [smem:$0x3FFC];
	_ =	sdelay $0x3  }
0x94: {  	_ =	strace s2  }
0x95: {  	s2 =	sld [smem:$0x3FFD];
	_ =	sdelay $0x3  }
0x96: {  	_ =	strace s2  }
0x97: {  	_ =	strace $0x8FFFFFFF  }
0x98: {  	s18 =	sld [smem:$0x3FDB];
	_ =	sdelay $0x1  }
0x99: {  	s19 =	simm.s32 $_scs_section_size  }
0x9a: {  	s4 =	simm.s32 $_size__tile_overlayer_lowered;
	s5 =	simm.s32 $_tile_overlayer_lowered  }
0x9b: {  	s22 =	simm.s32 $0x1BFF;
	s21 =	sshll.u32 s5, $0x1;
	s2 =	sadd.s32 s19, s18  }
0x9c: {  	s6 =	simm.s32 $0x0;
	s20 =	sshll.u32 s4, $0x1;
	s4 =	sadd.s32 s21, s2  }
0x9d: {  	[timem:s6], [sflag:s22] =	dma.local [hbm:s4], s20  }
0x9e: {  	_ =	swait.ge [sflag:s22], s20  }
0x9f: {  	s3 =	ssub.s32 $0x0, s20;
	[sflag:s22] =	ssyncset.done $0x0  }
0xa0: {  	[sflag:s22] =	ssyncadd.s32 s3;
	_ =	sdelay $0x1  }
0xa1: {  	s23 =	simm.s32 $0x1B8B  }
0xa2: {  	_ =	swait.ge [sflag:s23], $0x1  }
0xa3: {  	[sflag:s23] =	ssyncset.done $0x0  }
0xa4: {  	s25 =	simm.s32 $0x1B8E;
	s24 =	sld [smem:$0x3FFE];
	[sflag:s23] =	ssyncadd.s32 $0xFFFFFFFF  }
0xa5: {  	s26 =	simm.s32 $execute0_lowered;
	[smem:$0x3FD2] =	sst s25  }
0xa6: {  	s4 =	sshll.u32 s26, $0x1;
	_ =	strace $0x8000004F;
	[dreg:$0x1] =	wrdreg $0xFFFFFFFF  }
0xa7: {  	s28 =	simm.s32 $_size_execute0_lowered;
	s2 =	sadd.s32 s2, s4;
	[dreg:$0x0] =	wrdreg $0x0  }
0xa8: {  	s4 =	sshll.u32 s28, $0x1;
	[dreg:$0x2] =	wrdreg s2  }
0xa9: {  	[dreg:$0x3] =	wrdreg s4  }
0xaa: {  	[dreg:$0x4] =	wrdreg $0xC0  }
0xab: {  	_ =	task [dreg:s6], $0x5FFFF  }
0xac: {  	[dreg:$0x1] =	wrdreg $0xFFFFFFFF  }
0xad: {  	[dreg:$0x0] =	wrdreg $0x60  }
0xae: {  	[dreg:$0x2] =	wrdreg s24  }
0xaf: {  	[dreg:$0x3] =	wrdreg $0x120000  }
0xb0: {  	[dreg:$0x4] =	wrdreg $0x9  }
0xb1: {  	_ =	task.clear_ibuf [dreg:s6], $0x5FFFF;
	_ =	strace $0x9000004F  }
0xb2: {  	s29 =	simm.s32 $0x9;
	_ =	strace $0x80000051  }
0xb3: {  	_ =	swait.ge [sflag:s29], $0x1  }
0xb4: {  	[sflag:s29] =	ssyncadd.s32 $0xFFFFFFFF  }
0xb5: {  	_ =	strace $0x90000051  }
0xb6: {  	_ =	sfence  }
0xb7: {  	s30 =	sld [smem:$0x0];
	_ =	sdelay $0x2  }
0xb8: {  	s31 =	sshll.u32 s1, $0xD;
	s1 =	sshrl.u32 s1, $0x2  }
0xb9: {  	s3 =	sand.u32 $0x4000, s31;
	s1 =	sadd.s32 s1, s30  }
0xba: {  	s0 =	sor.u32 s3, s0;
	s1 =	sshll.u32 s1, $0x11  }
0xbb: {  	s0 =	sor.u32 s1, s0  }
0xbc: {  	s0 =	sadd.s32 $0x8F2B, s0  }
0xbd: {  	[sflag:s0] =	ssyncadd.remote.s32 $0x1  }
0xbe: {  	_ =	sfence.sel $0xFFFF  }
0xbf: {  	[dreg:$0x0] =	wrdreg $0xFFFFFFFF;
	(pc) =	sbr.abs _section_cstart, $3  }
0xc0: {  	[dreg:$0x1] =	wrdreg $0xFFFFFFFF  }
0xc1: {  	_ =	task.clear_ibuf [dreg:s6], $0x2FFFF;
	_ =	strace $0x9FFFFFFF  }
0xc2: {  	(tm) =	ssettm $0x7FFFFFFF  }
0xc3: {  	_ =	shalt  }
tec
execute0_lowered:
.L_overlay_start_1:
0x0: {  	(tag) =	ssettag $0x1  }
0x1: {  	s0 =	rddreg [dreg:$0x0]  }
0x2: {  	s2 =	rddreg [dreg:$0x1]  }
0x3: {  	s1 =	srdreg.scid;
	s13 =	stileid.u32  }
0x4: {  	s3 =	simm.s32 $0x0;
	s16 =	simm.s32 $0x5;
	s28 =	simm.s32 $0x6  }
0x5: {  	s30 =	simm.s32 $0xE000;
	s29 =	simm.s32 $0x11000;
	s31 =	simm.s32 $0x1  }
0x6: {  	s1 =	sand.u32 $0x1, s1;
	s4 =	sshll.u32 s13, $0x1;
	[smem:$0x7FF] =	sst s3  }
0x7: {  	s6 =	sadd.s32 $0x2FA00, s0;
	s9 =	smul.u32 $0x2800, s13;
	s26 =	sshll.u32 s13, $0x6  }
0x8: {  	s4 =	sor.u32 s1, s4;
	_ =	strace $0x80000050;
	s7 =	ssub.s32 $0x2, s1  }
0x9: {  	s17 =	smul.u32 $0x28000, s1;
	p0 =	seq.s32 s1, $0x0;
	s13 =	sor.u32 $0x1C06, s26  }
0xa: {  	s26 =	simm.s32 $0xD000;
	s1 =	simm.s32 $0x2;
	s5 =	smul.u32 $0xA00, s4  }
0xb: {  	s4 =	sadd.s32 $0x2AA00, s0;
	s8 =	sshrl.u32 s7, $0x1;
	s18 =	sadd.s32 s9, s2  }
0xc: {  	s20 =	sadd.s32 $0xA00, s9;
	s12 =	sshrl.u32 s9, $0x3;
	s22 =	sadd.s32 $0x1400, s9  }
0xd: {  	s7 =	ssub.s32 s7, s8;
	s19 =	sadd.s32 s9, s17;
	s11 =	sadd.s32 s17, s20  }
0xe: {  	s23 =	sadd.s32 s17, s22;
	s9 =	sadd.s32 $0x1E00, s9;
	s20 =	sadd.s32 s20, s2  }
0xf: {  	s24 =	sadd.s32 s22, s2;
	s6 =	smov.u32 @p0 s4;
	s15 =	sshrl.u32 s18, $0x3  }
0x10: {  	s18 =	simm.s32 $0xA000;
	s22 =	simm.s32 $0x3;
	s5 =	sadd.s32 s5, s0  }
0x11: {  	s0 =	sadd.s32 $0x34A00, s0;
	s21 =	sshrl.u32 s11, $0x3;
	s8 =	sadd.s32 s17, s9  }
0x12: {  	s25 =	sadd.s32 s9, s2;
	s7 =	smax.u32 s7, $0x1;
	s6 =	sadd.s32 s6, s12  }
0x13: {  	s17 =	simm.s32 $0x100;
	s24 =	sshrl.u32 s24, $0x3;
	[dreg:$0x9] =	wrdreg s7  }
0x14: {  	s10 =	sadd.s32 $0x2A00, s5;
	s5 =	sadd.s32 $0x16A00, s5;
	[dreg:$0xa] =	wrdreg s6  }
0x15: {  	s8 =	sshrl.u32 s8, $0x3;
	[dreg:$0x4] =	wrdreg s5;
	s5 =	sshrl.u32 s19, $0x3  }
0x16: {  	s25 =	sshrl.u32 s25, $0x3;
	[dreg:$0x3] =	wrdreg s10;
	s5 =	sadd.s32 s0, s5  }
0x17: {  	s6 =	simm.s32 $0x0;
	[dreg:$0x5] =	wrdreg s5;
	s5 =	sadd.s32 s0, s21  }
0x18: {  	s19 =	simm.s32 $0xB000;
	[dreg:$0x6] =	wrdreg s5;
	s5 =	sshrl.u32 s23, $0x3  }
0x19: {  	s21 =	simm.s32 $0xC000;
	s23 =	sshrl.u32 s20, $0x3;
	s5 =	sadd.s32 s0, s5  }
0x1a: {  	s20 =	simm.s32 $0x10000;
	s0 =	sadd.s32 s0, s8;
	[dreg:$0x7] =	wrdreg s5  }
0x1b: {  	[dreg:$0x8] =	wrdreg s0;
	s0 =	simm.s32 $0xF000;
	s5 =	simm.s32 $0x4  }
.LBB2_1:
0x1c: {  	s7 =	rddreg [dreg:$0x3]  }
0x1d: {  	s12 =	rddreg [dreg:$0x4]  }
0x1e: {  	[tilespmem:s3], [sflag:$0x5] =	stream.linear.gather [hbm4b:s7+s3], $0x5000, $0x38;
	[tilespmem:$0x14800] =	vst v63  }
0x1f: {  	s8 =	simm.s32 $0x5000;
	s14 =	rddreg [dreg:$0xa]  }
0x20: {  	[tilespmem:s8], [sflag:$0x5] =	stream.linear.gather [hbm4b:s12+s3], $0x5000, $0x38;
	[tilespmem:$0x14800] =	vst v63  }
0x21: {  	[spmem:s15], [sflag:s13] =	dma.local [hbm:s14], $0x500  }
0x22: {  	_ =	swait.ge [sflag:s16], $0x5000  }
0x23: {  	[sflag:s16] =	ssyncset.done $0x0  }
0x24: {  	[sflag:s16] =	ssyncadd.s32 $0xFFFFB000  }
0x25: {  	_ =	swait.ge [sflag:s16], $0x5000  }
0x26: {  	[sflag:s16] =	ssyncset.done $0x0  }
0x27: {  	[sflag:s16] =	ssyncadd.s32 $0xFFFFB000  }
0x28: {  	[tilespmem:s18], [sflag:$0x1] =	stream.indirect.gather [hbm4b:s4+s17], $0x10, s3, s17, $0xb8;
	[tilespmem:$0x14800] =	vst v63  }
0x29: {  	_ = 	snop  }
0x2a: {  	[tilespmem:s19], [sflag:$0x1] =	stream.indirect.gather [hbm4b:s4+s17], $0x10, s17, s17, $0xb8;
	[tilespmem:$0x14800] =	vst v63  }
0x2b: {  	s9 =	simm.s32 $0x200  }
0x2c: {  	[tilespmem:s21], [sflag:$0x1] =	stream.indirect.gather [hbm4b:s4+s17], $0x10, s9, s17, $0xb8;
	[tilespmem:$0x14800] =	vst v63  }
0x2d: {  	s10 =	simm.s32 $0x300  }
0x2e: {  	[tilespmem:s26], [sflag:$0x1] =	stream.indirect.gather [hbm4b:s4+s17], $0x10, s10, s17, $0xb8;
	[tilespmem:$0x14800] =	vst v63  }
0x2f: {  	_ =	swait.ge [sflag:s28], $0x500  }
0x30: {  	[sflag:s28] =	ssyncset.done $0x0  }
0x31: {  	[sflag:s28] =	ssyncadd.s32 $0xFFFFFB00  }
0x32: {  	s11 =	simm.s32 $0x400;
	[bflag:$0x0] =	sbarrier.arrive $0xFFFF  }
0x33: {  	[tilespmem:s30], [sflag:$0x2] =	stream.indirect.gather [hbm4b:s4+s17], $0x10, s11, s17, $0xb8;
	[tilespmem:$0x14800] =	vst v63  }
0x34: {  	s12 =	simm.s32 $0x500  }
0x35: {  	[tilespmem:s0], [sflag:$0x2] =	stream.indirect.gather [hbm4b:s4+s17], $0x10, s12, s17, $0xb8;
	[tilespmem:$0x14800] =	vst v63  }
0x36: {  	s14 =	simm.s32 $0x600  }
0x37: {  	[tilespmem:s20], [sflag:$0x2] =	stream.indirect.gather [hbm4b:s4+s17], $0x10, s14, s17, $0xb8;
	[tilespmem:$0x14800] =	vst v63  }
0x38: {  	s9 =	simm.s32 $0x700  }
0x39: {  	[tilespmem:s29], [sflag:$0x2] =	stream.indirect.gather [hbm4b:s4+s17], $0x10, s9, s17, $0xb8;
	[tilespmem:$0x14800] =	vst v63  }
0x3a: {  	_ =	swait.ge [sflag:s31], $0x1000  }
0x3b: {  	[sflag:s31] =	ssyncset.done $0x0  }
0x3c: {  	[sflag:s31] =	ssyncadd.s32 $0xFFFFF000  }
0x3d: {  	_ =	swait.ge [sflag:s31], $0x1000  }
0x3e: {  	[sflag:s31] =	ssyncset.done $0x0  }
0x3f: {  	[sflag:s31] =	ssyncadd.s32 $0xFFFFF000  }
0x40: {  	_ =	swait.ge [sflag:s31], $0x1000  }
0x41: {  	[sflag:s31] =	ssyncset.done $0x0  }
0x42: {  	[sflag:s31] =	ssyncadd.s32 $0xFFFFF000  }
0x43: {  	_ =	swait.ge [sflag:s31], $0x1000  }
0x44: {  	[sflag:s31] =	ssyncset.done $0x0  }
0x45: {  	[sflag:s31] =	ssyncadd.s32 $0xFFFFF000  }
0x46: {  	[spmem:s2] =	stream.indirect.scatter.add.f32 [tilespmem:s18], [sflag:$0x3], $0x10, s8, s17, $0xb8;
	[tilespmem:$0x14800] =	vst v63  }
0x47: {  	s10 =	simm.s32 $0x5100  }
0x48: {  	[spmem:s2] =	stream.indirect.scatter.add.f32 [tilespmem:s19], [sflag:$0x3], $0x10, s10, s17, $0xb8;
	[tilespmem:$0x14800] =	vst v63  }
0x49: {  	s11 =	simm.s32 $0x5200  }
0x4a: {  	[spmem:s2] =	stream.indirect.scatter.add.f32 [tilespmem:s21], [sflag:$0x3], $0x10, s11, s17, $0xb8;
	[tilespmem:$0x14800] =	vst v63  }
0x4b: {  	s12 =	simm.s32 $0x5300  }
0x4c: {  	[spmem:s2] =	stream.indirect.scatter.add.f32 [tilespmem:s26], [sflag:$0x3], $0x10, s12, s17, $0xb8;
	[tilespmem:$0x14800] =	vst v63  }
0x4d: {  	_ =	swait.ge [sflag:s22], $0x1000  }
0x4e: {  	[sflag:s22] =	ssyncset.done $0x0  }
0x4f: {  	[sflag:s22] =	ssyncadd.s32 $0xFFFFF000  }
0x50: {  	_ =	swait.ge [sflag:s22], $0x1000  }
0x51: {  	[sflag:s22] =	ssyncset.done $0x0  }
0x52: {  	[sflag:s22] =	ssyncadd.s32 $0xFFFFF000  }
0x53: {  	_ =	swait.ge [sflag:s22], $0x1000  }
0x54: {  	[sflag:s22] =	ssyncset.done $0x0  }
0x55: {  	[sflag:s22] =	ssyncadd.s32 $0xFFFFF000  }
0x56: {  	_ =	swait.ge [sflag:s22], $0x1000  }
0x57: {  	[sflag:s22] =	ssyncset.done $0x0  }
0x58: {  	s14 =	simm.s32 $0x800;
	[sflag:s22] =	ssyncadd.s32 $0xFFFFF000  }
0x59: {  	[tilespmem:s18], [sflag:$0x1] =	stream.indirect.gather [hbm4b:s4+s17], $0x10, s14, s17, $0xb8;
	[tilespmem:$0x14800] =	vst v63  }
0x5a: {  	s8 =	simm.s32 $0x900  }
0x5b: {  	[tilespmem:s19], [sflag:$0x1] =	stream.indirect.gather [hbm4b:s4+s17], $0x10, s8, s17, $0xb8;
	[tilespmem:$0x14800] =	vst v63  }
0x5c: {  	s9 =	simm.s32 $0xA00  }
0x5d: {  	[tilespmem:s21], [sflag:$0x1] =	stream.indirect.gather [hbm4b:s4+s17], $0x10, s9, s17, $0xb8;
	[tilespmem:$0x14800] =	vst v63  }
0x5e: {  	s10 =	simm.s32 $0xB00  }
0x5f: {  	[tilespmem:s26], [sflag:$0x1] =	stream.indirect.gather [hbm4b:s4+s17], $0x10, s10, s17, $0xb8;
	[tilespmem:$0x14800] =	vst v63  }
0x60: {  	_ =	swait.ge [sflag:s1], $0x1000  }
0x61: {  	[sflag:s1] =	ssyncset.done $0x0  }
0x62: {  	[sflag:s1] =	ssyncadd.s32 $0xFFFFF000  }
0x63: {  	_ =	swait.ge [sflag:s1], $0x1000  }
0x64: {  	[sflag:s1] =	ssyncset.done $0x0  }
0x65: {  	[sflag:s1] =	ssyncadd.s32 $0xFFFFF000  }
0x66: {  	_ =	swait.ge [sflag:s1], $0x1000  }
0x67: {  	[sflag:s1] =	ssyncset.done $0x0  }
0x68: {  	[sflag:s1] =	ssyncadd.s32 $0xFFFFF000  }
0x69: {  	_ =	swait.ge [sflag:s1], $0x1000  }
0x6a: {  	[sflag:s1] =	ssyncset.done $0x0  }
0x6b: {  	s11 =	simm.s32 $0x5400;
	[sflag:s1] =	ssyncadd.s32 $0xFFFFF000  }
0x6c: {  	[spmem:s2] =	stream.indirect.scatter.add.f32 [tilespmem:s30], [sflag:$0x4], $0x10, s11, s17, $0xb8;
	[tilespmem:$0x14800] =	vst v63  }
0x6d: {  	s12 =	simm.s32 $0x5500  }
0x6e: {  	[spmem:s2] =	stream.indirect.scatter.add.f32 [tilespmem:s0], [sflag:$0x4], $0x10, s12, s17, $0xb8;
	[tilespmem:$0x14800] =	vst v63  }
0x6f: {  	s14 =	simm.s32 $0x5600  }
0x70: {  	[spmem:s2] =	stream.indirect.scatter.add.f32 [tilespmem:s20], [sflag:$0x4], $0x10, s14, s17, $0xb8;
	[tilespmem:$0x14800] =	vst v63  }
0x71: {  	s8 =	simm.s32 $0x5700  }
0x72: {  	[spmem:s2] =	stream.indirect.scatter.add.f32 [tilespmem:s29], [sflag:$0x4], $0x10, s8, s17, $0xb8;
	[tilespmem:$0x14800] =	vst v63  }
0x73: {  	_ =	swait.ge [sflag:s5], $0x1000  }
0x74: {  	[sflag:s5] =	ssyncset.done $0x0  }
0x75: {  	[sflag:s5] =	ssyncadd.s32 $0xFFFFF000  }
0x76: {  	_ =	swait.ge [sflag:s5], $0x1000  }
0x77: {  	[sflag:s5] =	ssyncset.done $0x0  }
0x78: {  	[sflag:s5] =	ssyncadd.s32 $0xFFFFF000  }
0x79: {  	_ =	swait.ge [sflag:s5], $0x1000  }
0x7a: {  	[sflag:s5] =	ssyncset.done $0x0  }
0x7b: {  	[sflag:s5] =	ssyncadd.s32 $0xFFFFF000  }
0x7c: {  	_ =	swait.ge [sflag:s5], $0x1000  }
0x7d: {  	[sflag:s5] =	ssyncset.done $0x0  }
0x7e: {  	s9 =	simm.s32 $0xC00;
	[sflag:s5] =	ssyncadd.s32 $0xFFFFF000  }
0x7f: {  	[tilespmem:s30], [sflag:$0x2] =	stream.indirect.gather [hbm4b:s4+s17], $0x10, s9, s17, $0xb8;
	[tilespmem:$0x14800] =	vst v63  }
0x80: {  	s10 =	simm.s32 $0xD00  }
0x81: {  	[tilespmem:s0], [sflag:$0x2] =	stream.indirect.gather [hbm4b:s4+s17], $0x10, s10, s17, $0xb8;
	[tilespmem:$0x14800] =	vst v63  }
0x82: {  	s11 =	simm.s32 $0xE00  }
0x83: {  	[tilespmem:s20], [sflag:$0x2] =	stream.indirect.gather [hbm4b:s4+s17], $0x10, s11, s17, $0xb8;
	[tilespmem:$0x14800] =	vst v63  }
0x84: {  	s12 =	simm.s32 $0xF00  }
0x85: {  	[tilespmem:s29], [sflag:$0x2] =	stream.indirect.gather [hbm4b:s4+s17], $0x10, s12, s17, $0xb8;
	[tilespmem:$0x14800] =	vst v63  }
0x86: {  	_ =	swait.ge [sflag:s31], $0x1000  }
0x87: {  	[sflag:s31] =	ssyncset.done $0x0  }
0x88: {  	[sflag:s31] =	ssyncadd.s32 $0xFFFFF000  }
0x89: {  	_ =	swait.ge [sflag:s31], $0x1000  }
0x8a: {  	[sflag:s31] =	ssyncset.done $0x0  }
0x8b: {  	[sflag:s31] =	ssyncadd.s32 $0xFFFFF000  }
0x8c: {  	_ =	swait.ge [sflag:s31], $0x1000  }
0x8d: {  	[sflag:s31] =	ssyncset.done $0x0  }
0x8e: {  	[sflag:s31] =	ssyncadd.s32 $0xFFFFF000  }
0x8f: {  	_ =	swait.ge [sflag:s31], $0x1000  }
0x90: {  	[sflag:s31] =	ssyncset.done $0x0  }
0x91: {  	s14 =	simm.s32 $0x5800;
	[sflag:s31] =	ssyncadd.s32 $0xFFFFF000  }
0x92: {  	[spmem:s2] =	stream.indirect.scatter.add.f32 [tilespmem:s18], [sflag:$0x3], $0x10, s14, s17, $0xb8;
	[tilespmem:$0x14800] =	vst v63  }
0x93: {  	s8 =	simm.s32 $0x5900  }
0x94: {  	[spmem:s2] =	stream.indirect.scatter.add.f32 [tilespmem:s19], [sflag:$0x3], $0x10, s8, s17, $0xb8;
	[tilespmem:$0x14800] =	vst v63  }
0x95: {  	s9 =	simm.s32 $0x5A00  }
0x96: {  	[spmem:s2] =	stream.indirect.scatter.add.f32 [tilespmem:s21], [sflag:$0x3], $0x10, s9, s17, $0xb8;
	[tilespmem:$0x14800] =	vst v63  }
0x97: {  	s10 =	simm.s32 $0x5B00  }
0x98: {  	[spmem:s2] =	stream.indirect.scatter.add.f32 [tilespmem:s26], [sflag:$0x3], $0x10, s10, s17, $0xb8;
	[tilespmem:$0x14800] =	vst v63  }
0x99: {  	_ =	swait.ge [sflag:s22], $0x1000  }
0x9a: {  	[sflag:s22] =	ssyncset.done $0x0  }
0x9b: {  	[sflag:s22] =	ssyncadd.s32 $0xFFFFF000  }
0x9c: {  	_ =	swait.ge [sflag:s22], $0x1000  }
0x9d: {  	[sflag:s22] =	ssyncset.done $0x0  }
0x9e: {  	[sflag:s22] =	ssyncadd.s32 $0xFFFFF000  }
0x9f: {  	_ =	swait.ge [sflag:s22], $0x1000  }
0xa0: {  	[sflag:s22] =	ssyncset.done $0x0  }
0xa1: {  	[sflag:s22] =	ssyncadd.s32 $0xFFFFF000  }
0xa2: {  	p0 =	por $0x0, $0x0;
	_ =	swait.ge [sflag:s22], $0x1000  }
0xa3: {  	s7 =	simm.s32 @!p0 $0xA000;
	[sflag:s22] =	ssyncset.done $0x0  }
0xa4: {  	s8 =	simm.s32 @!p0 $0x1000;
	s9 =	simm.s32 @!p0 $0x100;
	[sflag:s22] =	ssyncadd.s32 $0xFFFFF000  }
0xa5: {  	[tilespmem:s7], [sflag:$0x1] =	stream.indirect.gather @!p0 [hbm4b:s4+s9], $0x10, s8, s9, $0xb8;
	[tilespmem:$0x14800] =	vst v63  }
0xa6: {  	s7 =	simm.s32 @!p0 $0x1100;
	s8 =	simm.s32 @!p0 $0xB000  }
0xa7: {  	[tilespmem:s8], [sflag:$0x1] =	stream.indirect.gather @!p0 [hbm4b:s4+s9], $0x10, s7, s9, $0xb8;
	[tilespmem:$0x14800] =	vst v63  }
0xa8: {  	s7 =	simm.s32 @!p0 $0x1200;
	s8 =	simm.s32 @!p0 $0xC000  }
0xa9: {  	[tilespmem:s8], [sflag:$0x1] =	stream.indirect.gather @!p0 [hbm4b:s4+s9], $0x10, s7, s9, $0xb8;
	[tilespmem:$0x14800] =	vst v63  }
0xaa: {  	s7 =	simm.s32 @!p0 $0x1300;
	s8 =	simm.s32 @!p0 $0xD000  }
0xab: {  	[tilespmem:s8], [sflag:$0x1] =	stream.indirect.gather @!p0 [hbm4b:s4+s9], $0x10, s7, s9, $0xb8;
	[tilespmem:$0x14800] =	vst v63  }
0xac: {  	_ =	swait.ge [sflag:s1], $0x1000  }
0xad: {  	[sflag:s1] =	ssyncset.done $0x0  }
0xae: {  	[sflag:s1] =	ssyncadd.s32 $0xFFFFF000  }
0xaf: {  	_ =	swait.ge [sflag:s1], $0x1000  }
0xb0: {  	[sflag:s1] =	ssyncset.done $0x0  }
0xb1: {  	[sflag:s1] =	ssyncadd.s32 $0xFFFFF000  }
0xb2: {  	_ =	swait.ge [sflag:s1], $0x1000  }
0xb3: {  	[sflag:s1] =	ssyncset.done $0x0  }
0xb4: {  	[sflag:s1] =	ssyncadd.s32 $0xFFFFF000  }
0xb5: {  	_ =	swait.ge [sflag:s1], $0x1000  }
0xb6: {  	[sflag:s1] =	ssyncset.done $0x0  }
0xb7: {  	s11 =	simm.s32 $0x5C00;
	[sflag:s1] =	ssyncadd.s32 $0xFFFFF000  }
0xb8: {  	[spmem:s2] =	stream.indirect.scatter.add.f32 [tilespmem:s30], [sflag:$0x4], $0x10, s11, s17, $0xb8;
	[tilespmem:$0x14800] =	vst v63  }
0xb9: {  	s12 =	simm.s32 $0x5D00  }
0xba: {  	[spmem:s2] =	stream.indirect.scatter.add.f32 [tilespmem:s0], [sflag:$0x4], $0x10, s12, s17, $0xb8;
	[tilespmem:$0x14800] =	vst v63  }
0xbb: {  	s14 =	simm.s32 $0x5E00;
	s7 =	simm.s32 $0x2000;
	s8 =	simm.s32 $0x5F00  }
0xbc: {  	[spmem:s2] =	stream.indirect.scatter.add.f32 [tilespmem:s20], [sflag:$0x4], $0x10, s14, s17, $0xb8;
	[tilespmem:$0x14800] =	vst v63  }
.LBB2_2:
0xbd: {  	[spmem:s2] =	stream.indirect.scatter.add.f32 [tilespmem:s29], [sflag:$0x4], $0x10, s8, s17, $0xb8;
	[tilespmem:$0x14800] =	vst v63  }
0xbe: {  	s9 =	smov.u32 s7;
	s7 =	sadd.s32 $0x2000, s7;
	_ =	swait.ge [sflag:s5], $0x1000  }
0xbf: {  	p0 =	sne.s32 s7, $0x12000;
	[sflag:s5] =	ssyncset.done $0x0  }
0xc0: {  	[sflag:s5] =	ssyncadd.s32 $0xFFFFF000  }
0xc1: {  	_ =	swait.ge [sflag:s5], $0x1000  }
0xc2: {  	[sflag:s5] =	ssyncset.done $0x0  }
0xc3: {  	[sflag:s5] =	ssyncadd.s32 $0xFFFFF000  }
0xc4: {  	_ =	swait.ge [sflag:s5], $0x1000  }
0xc5: {  	[sflag:s5] =	ssyncset.done $0x0  }
0xc6: {  	[sflag:s5] =	ssyncadd.s32 $0xFFFFF000  }
0xc7: {  	_ =	swait.ge [sflag:s5], $0x1000  }
0xc8: {  	s8 =	sshra.s32 s9, $0x2;
	[sflag:s5] =	ssyncset.done $0x0  }
0xc9: {  	s10 =	sadd.s32 $0xC00, s8;
	[sflag:s5] =	ssyncadd.s32 $0xFFFFF000  }
0xca: {  	[tilespmem:s30], [sflag:$0x2] =	stream.indirect.gather [hbm4b:s4+s17], $0x10, s10, s17, $0xb8;
	[tilespmem:$0x14800] =	vst v63  }
0xcb: {  	s10 =	sadd.s32 $0xD00, s8  }
0xcc: {  	[tilespmem:s0], [sflag:$0x2] =	stream.indirect.gather [hbm4b:s4+s17], $0x10, s10, s17, $0xb8;
	[tilespmem:$0x14800] =	vst v63  }
0xcd: {  	s10 =	sadd.s32 $0xE00, s8  }
0xce: {  	[tilespmem:s20], [sflag:$0x2] =	stream.indirect.gather [hbm4b:s4+s17], $0x10, s10, s17, $0xb8;
	[tilespmem:$0x14800] =	vst v63  }
0xcf: {  	s10 =	sadd.s32 $0xF00, s8  }
0xd0: {  	[tilespmem:s29], [sflag:$0x2] =	stream.indirect.gather [hbm4b:s4+s17], $0x10, s10, s17, $0xb8;
	[tilespmem:$0x14800] =	vst v63  }
0xd1: {  	_ =	swait.ge [sflag:s31], $0x1000  }
0xd2: {  	[sflag:s31] =	ssyncset.done $0x0  }
0xd3: {  	[sflag:s31] =	ssyncadd.s32 $0xFFFFF000  }
0xd4: {  	_ =	swait.ge [sflag:s31], $0x1000  }
0xd5: {  	[sflag:s31] =	ssyncset.done $0x0  }
0xd6: {  	[sflag:s31] =	ssyncadd.s32 $0xFFFFF000  }
0xd7: {  	_ =	swait.ge [sflag:s31], $0x1000  }
0xd8: {  	[sflag:s31] =	ssyncset.done $0x0  }
0xd9: {  	[sflag:s31] =	ssyncadd.s32 $0xFFFFF000  }
0xda: {  	_ =	swait.ge [sflag:s31], $0x1000  }
0xdb: {  	[sflag:s31] =	ssyncset.done $0x0  }
0xdc: {  	s10 =	sadd.s32 $0x5800, s8;
	[sflag:s31] =	ssyncadd.s32 $0xFFFFF000  }
0xdd: {  	[spmem:s2] =	stream.indirect.scatter.add.f32 [tilespmem:s18], [sflag:$0x3], $0x10, s10, s17, $0xb8;
	[tilespmem:$0x14800] =	vst v63  }
0xde: {  	s10 =	sadd.s32 $0x5900, s8  }
0xdf: {  	[spmem:s2] =	stream.indirect.scatter.add.f32 [tilespmem:s19], [sflag:$0x3], $0x10, s10, s17, $0xb8;
	[tilespmem:$0x14800] =	vst v63  }
0xe0: {  	s10 =	sadd.s32 $0x5A00, s8  }
0xe1: {  	[spmem:s2] =	stream.indirect.scatter.add.f32 [tilespmem:s21], [sflag:$0x3], $0x10, s10, s17, $0xb8;
	[tilespmem:$0x14800] =	vst v63  }
0xe2: {  	s10 =	sadd.s32 $0x5B00, s8  }
0xe3: {  	[spmem:s2] =	stream.indirect.scatter.add.f32 [tilespmem:s26], [sflag:$0x3], $0x10, s10, s17, $0xb8;
	[tilespmem:$0x14800] =	vst v63  }
0xe4: {  	_ =	swait.ge [sflag:s22], $0x1000  }
0xe5: {  	[sflag:s22] =	ssyncset.done $0x0  }
0xe6: {  	[sflag:s22] =	ssyncadd.s32 $0xFFFFF000  }
0xe7: {  	_ =	swait.ge [sflag:s22], $0x1000  }
0xe8: {  	[sflag:s22] =	ssyncset.done $0x0  }
0xe9: {  	[sflag:s22] =	ssyncadd.s32 $0xFFFFF000  }
0xea: {  	_ =	swait.ge [sflag:s22], $0x1000  }
0xeb: {  	[sflag:s22] =	ssyncset.done $0x0  }
0xec: {  	[sflag:s22] =	ssyncadd.s32 $0xFFFFF000  }
0xed: {  	p1 =	seq.s32 s9, $0x10000;
	_ =	swait.ge [sflag:s22], $0x1000  }
0xee: {  	s9 =	sshra.s32 @!p1 s9, $0x2;
	s10 =	simm.s32 @!p1 $0xA000;
	[sflag:s22] =	ssyncset.done $0x0  }
0xef: {  	s11 =	simm.s32 @!p1 $0x100;
	s14 =	sadd.s32 @!p1 $0x1000, s9;
	[sflag:s22] =	ssyncadd.s32 $0xFFFFF000  }
0xf0: {  	[tilespmem:s10], [sflag:$0x1] =	stream.indirect.gather @!p1 [hbm4b:s4+s11], $0x10, s14, s11, $0xb8;
	[tilespmem:$0x14800] =	vst v63  }
0xf1: {  	s12 =	sadd.s32 @!p1 $0x1200, s9;
	s10 =	sadd.s32 @!p1 $0x1100, s9;
	s14 =	simm.s32 @!p1 $0xB000  }
0xf2: {  	[tilespmem:s14], [sflag:$0x1] =	stream.indirect.gather @!p1 [hbm4b:s4+s11], $0x10, s10, s11, $0xb8;
	[tilespmem:$0x14800] =	vst v63  }
0xf3: {  	s9 =	sadd.s32 @!p1 $0x1300, s9;
	s10 =	simm.s32 @!p1 $0xC000  }
0xf4: {  	[tilespmem:s10], [sflag:$0x1] =	stream.indirect.gather @!p1 [hbm4b:s4+s11], $0x10, s12, s11, $0xb8;
	[tilespmem:$0x14800] =	vst v63  }
0xf5: {  	s10 =	simm.s32 @!p1 $0xD000  }
0xf6: {  	[tilespmem:s10], [sflag:$0x1] =	stream.indirect.gather @!p1 [hbm4b:s4+s11], $0x10, s9, s11, $0xb8;
	[tilespmem:$0x14800] =	vst v63  }
0xf7: {  	_ =	swait.ge [sflag:s1], $0x1000  }
0xf8: {  	[sflag:s1] =	ssyncset.done $0x0  }
0xf9: {  	[sflag:s1] =	ssyncadd.s32 $0xFFFFF000  }
0xfa: {  	_ =	swait.ge [sflag:s1], $0x1000  }
0xfb: {  	[sflag:s1] =	ssyncset.done $0x0  }
0xfc: {  	[sflag:s1] =	ssyncadd.s32 $0xFFFFF000  }
0xfd: {  	_ =	swait.ge [sflag:s1], $0x1000  }
0xfe: {  	[sflag:s1] =	ssyncset.done $0x0  }
0xff: {  	[sflag:s1] =	ssyncadd.s32 $0xFFFFF000  }
0x100: {  	_ =	swait.ge [sflag:s1], $0x1000  }
0x101: {  	[sflag:s1] =	ssyncset.done $0x0  }
0x102: {  	s9 =	sadd.s32 $0x5C00, s8;
	[sflag:s1] =	ssyncadd.s32 $0xFFFFF000  }
0x103: {  	[spmem:s2] =	stream.indirect.scatter.add.f32 [tilespmem:s30], [sflag:$0x4], $0x10, s9, s17, $0xb8;
	[tilespmem:$0x14800] =	vst v63  }
.Ltmp0:
0x104: {  	s9 =	sadd.s32 $0x5D00, s8;
	(pc) =	sbr.rel @p0 .LBB2_2-.Ltmp0, $4  }
0x105: {  	[spmem:s2] =	stream.indirect.scatter.add.f32 [tilespmem:s0], [sflag:$0x4], $0x10, s9, s17, $0xb8;
	[tilespmem:$0x14800] =	vst v63  }
0x106: {  	s9 =	sadd.s32 $0x5E00, s8  }
0x107: {  	[spmem:s2] =	stream.indirect.scatter.add.f32 [tilespmem:s20], [sflag:$0x4], $0x10, s9, s17, $0xb8;
	[tilespmem:$0x14800] =	vst v63  }
0x108: {  	s8 =	sadd.s32 $0x5F00, s8  }
0x109: {  	[spmem:s2] =	stream.indirect.scatter.add.f32 [tilespmem:s29], [sflag:$0x4], $0x10, s8, s17, $0xb8;
	[tilespmem:$0x14800] =	vst v63  }
0x10a: {  	_ =	swait.ge [sflag:s5], $0x1000  }
0x10b: {  	[sflag:s5] =	ssyncset.done $0x0  }
0x10c: {  	[sflag:s5] =	ssyncadd.s32 $0xFFFFF000  }
0x10d: {  	_ =	swait.ge [sflag:s5], $0x1000  }
0x10e: {  	[sflag:s5] =	ssyncset.done $0x0  }
0x10f: {  	[sflag:s5] =	ssyncadd.s32 $0xFFFFF000  }
0x110: {  	_ =	swait.ge [sflag:s5], $0x1000  }
0x111: {  	[sflag:s5] =	ssyncset.done $0x0  }
0x112: {  	[sflag:s5] =	ssyncadd.s32 $0xFFFFF000  }
0x113: {  	_ =	swait.ge [sflag:s5], $0x1000  }
0x114: {  	[sflag:s5] =	ssyncset.done $0x0  }
0x115: {  	[sflag:s5] =	ssyncadd.s32 $0xFFFFF000  }
0x116: {  	[bflag:$0x0] =	sbarrier.arrive $0xFFFF  }
0x117: {  	s7 =	rddreg [dreg:$0x5]  }
0x118: {  	[hbm:s7], [sflag:s13] =	dma.local [spmem:s15], $0x140  }
0x119: {  	s7 =	rddreg [dreg:$0x6]  }
0x11a: {  	[hbm:s7], [sflag:s13] =	dma.local [spmem:s23], $0x140  }
0x11b: {  	s7 =	rddreg [dreg:$0x7]  }
0x11c: {  	[hbm:s7], [sflag:s13] =	dma.local [spmem:s24], $0x140  }
0x11d: {  	s7 =	rddreg [dreg:$0x8]  }
0x11e: {  	[hbm:s7], [sflag:s13] =	dma.local [spmem:s25], $0x140  }
0x11f: {  	_ =	swait.ge [sflag:s28], $0x140  }
0x120: {  	[sflag:s28] =	ssyncset.done $0x0  }
0x121: {  	[sflag:s28] =	ssyncadd.s32 $0xFFFFFEC0  }
0x122: {  	_ =	swait.ge [sflag:s28], $0x140  }
0x123: {  	[sflag:s28] =	ssyncset.done $0x0  }
0x124: {  	[sflag:s28] =	ssyncadd.s32 $0xFFFFFEC0  }
0x125: {  	_ =	swait.ge [sflag:s28], $0x140  }
0x126: {  	[sflag:s28] =	ssyncset.done $0x0  }
0x127: {  	[sflag:s28] =	ssyncadd.s32 $0xFFFFFEC0  }
0x128: {  	_ =	swait.ge [sflag:s28], $0x140  }
0x129: {  	s6 =	sadd.s32 $0x1, s6;
	s14 =	rddreg [dreg:$0x9]  }
0x12a: {  	p0 =	sne.s32 s6, s14  }
.Ltmp1:
0x12b: {  	_ = 	snop;
	(pc) =	sbr.rel @p0 .LBB2_1-.Ltmp1, $3  }
0x12c: {  	_ =	sdelay $0x1  }
0x12d: {  	[sflag:s28] =	ssyncset.done $0x0  }
0x12e: {  	[sflag:s28] =	ssyncadd.s32 $0xFFFFFEC0  }
0x12f: {  	_ =	sfence.sel $0x180000  }
0x130: {  	[bflag:$0x0] =	sbarrier.arrive $0xFFFF  }
0x131: {  	_ =	strace $0x90000050  }
0x132: {  	s0 =	stileid.u32;
	[bflag:$0x2] =	sbarrier.arrive $0xFFFF  }
0x133: {  	p0 =	sne.s32 s0, $0x0;
	s0 =	rddreg [dreg:$0x2]  }
0x134: {  	s0 =	sadd.s32 @!p0 $0x100000, s0  }
0x135: {  	[sflag:s0] =	ssyncadd.tile.s32 @!p0 $0x1;
	_ =	shalt  }
.Lfunc_end2:
_tile_overlayer_lowered:
.L_overlay_start_2:
0x136: {  	(tag) =	ssettag $0x2  }
0x137: {  	s0 =	rddreg [dreg:$0x0];
	s2 =	stileid.u32  }
0x138: {  	s1 =	rddreg [dreg:$0x1];
	p0 =	sne.s32 s2, $0x0  }
0x139: {  	s3 =	rddreg [dreg:$0x2];
	[bflag:$0x3] =	sbarrier.arrive $0xFFFF;
	s2 =	simm.s32 @!p0 $0x1C07  }
0x13a: {  	[timem:s3], [sflag:s2] =	dma.local @!p0 [hbm:s0], s1  }
0x13b: {  	s0 =	simm.s32 @!p0 $0x7  }
0x13c: {  	_ =	swait.ge @!p0 [sflag:s0], s1  }
0x13d: {  	s1 =	ssub.s32 @!p0 $0x0, s1;
	[sflag:s0] =	ssyncset.done @!p0 $0x0  }
0x13e: {  	[sflag:s0] =	ssyncadd.s32 @!p0 s1  }
0x13f: {  	[bflag:$0x3] =	sbarrier.arrive $0xFFFF  }
0x140: {  	_ =	shalt  }

</sc_bundles>
